<compile_context>
chip_gen: v7x
topology: tpu7x:2x2x1
jax: 0.10.2.dev20260603
libtpu: 0.0.44.dev20260713+nightly
codegen_flags: <defaults>
</compile_context>

<pallas_src>
import functools

import jax
import jax.numpy as jnp
from jax import lax
from jax.experimental import pallas as pl
from jax.experimental.pallas import tpu as pltpu
from jax.experimental.pallas import tpu_sc as plsc

NU = 25000
NI = 25000
N = NU + NI
NPAD = 50048
PADN = NPAD - 1
D = 32
E = 1600000
NLAYERS = 3
BQ = 16384

NC, NS = 2, 16
NW = NC * NS
CH = 400
NCHUNK = 128
EPT = CH * NCHUNK
E_PAD = EPT * NW
RPW = NPAD // NS
QPW = BQ // NW

_MESH = plsc.VectorSubcoreMesh(core_axis_name="c", subcore_axis_name="s")
_SC_PARAMS = pltpu.CompilerParams(use_tc_tiling_on_sc=False)


def _wid():
    return lax.axis_index("s") * NC + lax.axis_index("c")



@functools.partial(
    pl.kernel,
    out_type=jax.ShapeDtypeStruct((NC * NPAD,), jnp.float32),
    mesh=_MESH,
    compiler_params=_SC_PARAMS,
    scratch_types=[
        pltpu.VMEM_SHARED((NPAD,), jnp.float32),
        pltpu.VMEM((CH,), jnp.int32),
        pltpu.VMEM((CH,), jnp.int32),
        pltpu.VMEM((CH,), jnp.float32),
        pltpu.SemaphoreType.DMA,
        pltpu.SemaphoreType.DMA,
    ],
)
def _k_deg(dst_hbm, ones_hbm, zeros1_hbm, degp_hbm,
           deg_sh, dst0_v, dst1_v, ones_v, isem0, isem1):
    cid = lax.axis_index("c")
    sid = lax.axis_index("s")
    ebase = _wid() * EPT
    pltpu.sync_copy(zeros1_hbm.at[pl.ds(sid * RPW, RPW)],
                    deg_sh.at[pl.ds(sid * RPW, RPW)])
    pltpu.sync_copy(ones_hbm, ones_v)
    plsc.subcore_barrier()

    dst_v = (dst0_v, dst1_v)
    isem = (isem0, isem1)

    def issue(c, k):
        pltpu.async_copy(dst_hbm.at[pl.ds(ebase + c * CH, CH)],
                         dst_v[k], isem[k])

    def wait(k):
        pltpu.make_async_copy(dst_hbm.at[pl.ds(ebase, CH)],
                              dst_v[k], isem[k]).wait()

    issue(0, 0)
    issue(1, 1)

    def body(p, _):
        for k in range(2):
            c = 2 * p + k
            wait(k)
            pltpu.sync_copy(ones_v, deg_sh.at[dst_v[k]], add=True)

            @pl.when(c + 2 < NCHUNK)
            def _():
                issue(c + 2, k)
        return 0

    lax.fori_loop(0, NCHUNK // 2, body, 0)
    plsc.subcore_barrier()
    pltpu.sync_copy(deg_sh.at[pl.ds(sid * RPW, RPW)],
                    degp_hbm.at[pl.ds(cid * NPAD + sid * RPW, RPW)])



@functools.partial(
    pl.kernel,
    out_type=jax.ShapeDtypeStruct((NC, NPAD, D), jnp.float32),
    mesh=_MESH,
    compiler_params=_SC_PARAMS,
    scratch_types=[
        pltpu.VMEM_SHARED((NPAD, D), jnp.float32),
        pltpu.VMEM((CH,), jnp.int32),
        pltpu.VMEM((CH,), jnp.int32),
        pltpu.VMEM((CH,), jnp.int32),
        pltpu.VMEM((CH,), jnp.int32),
        pltpu.VMEM((CH, D), jnp.float32),
        pltpu.VMEM((CH, D), jnp.float32),
    ] + [pltpu.SemaphoreType.DMA] * 4,
)
def _k_layer(src_hbm, dst_hbm, y_hbm, zeros2_hbm, part_hbm, acc_sh,
             src0, src1, dst0, dst1, rows0, rows1, is0, is1, gs0, gs1):
    cid = lax.axis_index("c")
    sid = lax.axis_index("s")
    ebase = _wid() * EPT
    pltpu.sync_copy(zeros2_hbm.at[pl.ds(sid * RPW, RPW)],
                    acc_sh.at[pl.ds(sid * RPW, RPW)])
    plsc.subcore_barrier()

    src_v = (src0, src1)
    dst_v = (dst0, dst1)
    isem = (is0, is1)
    rows_v = (rows0, rows1)
    gsem = (gs0, gs1)

    def issue_idx(c, k):
        pltpu.async_copy(src_hbm.at[pl.ds(ebase + c * CH, CH)],
                         src_v[k], isem[k])
        pltpu.async_copy(dst_hbm.at[pl.ds(ebase + c * CH, CH)],
                         dst_v[k], isem[k])

    def wait_idx(k):
        pltpu.make_async_copy(src_hbm.at[pl.ds(ebase, CH)],
                              src_v[k], isem[k]).wait()
        pltpu.make_async_copy(dst_hbm.at[pl.ds(ebase, CH)],
                              dst_v[k], isem[k]).wait()

    def issue_gather(k, r):
        pltpu.async_copy(y_hbm.at[src_v[k]], rows_v[r], gsem[r])

    def wait_gather(k, r):
        pltpu.make_async_copy(y_hbm.at[src_v[k]], rows_v[r],
                              gsem[r]).wait()

    def step(i, s, last_idx, last_gather):
        s1 = 1 - s
        wait_gather(s, s)
        pltpu.sync_copy(rows_v[s], acc_sh.at[dst_v[s]], add=True)
        if not last_idx:
            issue_idx(i + 2, s)
        if not last_gather:
            wait_idx(s1)
            issue_gather(s1, s1)

    issue_idx(0, 0)
    issue_idx(1, 1)
    wait_idx(0)
    issue_gather(0, 0)

    def body(p, _):
        i = p * 2
        step(i + 0, 0, last_idx=False, last_gather=False)
        step(i + 1, 1, last_idx=False, last_gather=False)
        return 0

    lax.fori_loop(0, 63, body, 0)
    step(126, 0, last_idx=True, last_gather=False)
    step(127, 1, last_idx=True, last_gather=True)

    plsc.subcore_barrier()
    pltpu.sync_copy(acc_sh.at[pl.ds(sid * RPW, RPW)],
                    part_hbm.at[cid, pl.ds(sid * RPW, RPW)])



@functools.partial(
    pl.kernel,
    out_type=[
        jax.ShapeDtypeStruct((BQ, D), jnp.float32),
        jax.ShapeDtypeStruct((BQ, D), jnp.float32),
    ],
    mesh=_MESH,
    compiler_params=_SC_PARAMS,
    scratch_types=[
        pltpu.VMEM((QPW,), jnp.int32),
        pltpu.VMEM((QPW,), jnp.int32),
        pltpu.VMEM((QPW, D), jnp.float32),
        pltpu.VMEM((QPW, D), jnp.float32),
        pltpu.SemaphoreType.DMA,
    ],
)
def _k_gather(s_hbm, user_hbm, pos_hbm, ug_hbm, pg_hbm,
              iu_v, ip_v, urows_v, prows_v, sem):
    wid = _wid()
    base = wid * QPW
    pltpu.sync_copy(user_hbm.at[pl.ds(base, QPW)], iu_v)
    pltpu.sync_copy(pos_hbm.at[pl.ds(base, QPW)], ip_v)

    def shift(j, _):
        off = pl.multiple_of(j * 16, 8)
        ip_v[pl.ds(off, 16)] = ip_v[pl.ds(off, 16)] + NU
        return 0

    lax.fori_loop(0, QPW // 16, shift, 0)

    pltpu.async_copy(s_hbm.at[iu_v], urows_v, sem).wait()
    pltpu.async_copy(s_hbm.at[ip_v], prows_v, sem).wait()
    pltpu.sync_copy(urows_v, ug_hbm.at[pl.ds(base, QPW)])
    pltpu.sync_copy(prows_v, pg_hbm.at[pl.ds(base, QPW)])



_ROWS = 3128
_GRID = NPAD // _ROWS


def _k2_body(x0_ref, d0_ref, d1_ref, dinv_ref, y0_ref):
    deg = d0_ref[0] + d1_ref[0]
    dinv = jnp.where(deg > 0, lax.rsqrt(jnp.maximum(deg, 1.0)), 0.0)
    dinv_ref[...] = dinv
    y0_ref[...] = x0_ref[...] * dinv


def _k4_body(a0_ref, a1_ref, dinv_ref, s_ref, s_out_ref, y_ref):
    dinv = dinv_ref[...]
    x = (a0_ref[0] + a1_ref[0]) * dinv
    s_out_ref[...] = s_ref[...] + x
    y_ref[...] = x * dinv


def _k4_last_body(a0_ref, a1_ref, dinv_ref, s_ref, s_out_ref):
    x = (a0_ref[0] + a1_ref[0]) * dinv_ref[...]
    s_out_ref[...] = s_ref[...] + x


def _k_dot_body(u_ref, p_ref, o_ref):
    o_ref[...] = jnp.sum(u_ref[...] * p_ref[...], axis=1, keepdims=True) * (
        1.0 / 16.0)


_bs_rows = pl.BlockSpec((_ROWS, D), lambda i: (i, 0))
_bs_col = pl.BlockSpec((_ROWS, 1), lambda i: (i, 0))
_bs_deg0 = pl.BlockSpec((1, _ROWS, 1), lambda i: (0, i, 0))
_bs_deg1 = pl.BlockSpec((1, _ROWS, 1), lambda i: (1, i, 0))
_bs_part0 = pl.BlockSpec((1, _ROWS, D), lambda i: (0, i, 0))
_bs_part1 = pl.BlockSpec((1, _ROWS, D), lambda i: (1, i, 0))

_k2 = pl.pallas_call(
    _k2_body,
    grid=(_GRID,),
    in_specs=[_bs_rows, _bs_deg0, _bs_deg1],
    out_specs=[_bs_col, _bs_rows],
    out_shape=[
        jax.ShapeDtypeStruct((NPAD, 1), jnp.float32),
        jax.ShapeDtypeStruct((NPAD, D), jnp.float32),
    ],
)

_k4 = pl.pallas_call(
    _k4_body,
    grid=(_GRID,),
    in_specs=[_bs_part0, _bs_part1, _bs_col, _bs_rows],
    out_specs=[_bs_rows, _bs_rows],
    out_shape=[
        jax.ShapeDtypeStruct((NPAD, D), jnp.float32),
        jax.ShapeDtypeStruct((NPAD, D), jnp.float32),
    ],
)

_k4_last = pl.pallas_call(
    _k4_last_body,
    grid=(_GRID,),
    in_specs=[_bs_part0, _bs_part1, _bs_col, _bs_rows],
    out_specs=_bs_rows,
    out_shape=jax.ShapeDtypeStruct((NPAD, D), jnp.float32),
)

_QROWS = 2048
_qs_rows = pl.BlockSpec((_QROWS, D), lambda i: (i, 0))
_qs_col = pl.BlockSpec((_QROWS, 1), lambda i: (i, 0))

_k_dot_tc = pl.pallas_call(
    _k_dot_body,
    grid=(BQ // _QROWS,),
    in_specs=[_qs_rows, _qs_rows],
    out_specs=_qs_col,
    out_shape=jax.ShapeDtypeStruct((BQ, 1), jnp.float32),
)


def kernel(Gu, Gi, edge_index, user, pos):
    npe = E_PAD - E
    seq = jnp.arange(npe, dtype=jnp.int32)
    src_p = jnp.concatenate([edge_index[0], N + seq % (NPAD - N)])
    dst_p = jnp.concatenate([edge_index[1], seq % N])
    dst_deg = jnp.concatenate([edge_index[1], N + seq % (NPAD - N)])
    x0 = jnp.concatenate(
        [Gu, Gi, jnp.zeros((NPAD - N, D), jnp.float32)], axis=0)
    ones = jnp.ones((CH,), jnp.float32)
    zeros1 = jnp.zeros((NPAD,), jnp.float32)
    zeros2 = jnp.zeros((NPAD, D), jnp.float32)

    degp = _k_deg(dst_deg, ones, zeros1).reshape(NC, NPAD, 1)
    dinv, y = _k2(x0, degp, degp)

    s = x0
    for layer in range(NLAYERS):
        part = _k_layer(src_p, dst_p, y, zeros2)
        if layer < NLAYERS - 1:
            s, y = _k4(part, part, dinv, s)
        else:
            s = _k4_last(part, part, dinv, s)

    ug, pg = _k_gather(s, user, pos)
    return _k_dot_tc(ug, pg).reshape(BQ)

# --- scband reference (transcript-rebuilt; emitter-appended) ---
"""Pipeline reference for scband-light-gcnmodel-55362128445755 (READ-ONLY COPY).

The authoritative reference and input builder live on the scoring server;
editing this copy changes nothing except your own understanding.
"""

import jax, jax.numpy as jnp
import numpy as np

NUM_USERS = 25000
NUM_ITEMS = 25000
EMB = 32
N_LAYERS = 3
E = 1600000
B = 16384


def setup_inputs(seed: int = 0) -> dict:
    key = jax.random.key(seed)
    k1, k2, k3, k4, k5 = jax.random.split(key, 5)
    Gu = jax.random.normal(k1, (NUM_USERS, EMB), dtype=jnp.float32) * 0.1
    Gi = jax.random.normal(k2, (NUM_ITEMS, EMB), dtype=jnp.float32) * 0.1
    edge_index = jax.random.randint(k3, (2, E), 0, NUM_USERS + NUM_ITEMS, dtype=jnp.int32)
    user = jax.random.randint(k4, (B,), 0, NUM_USERS, dtype=jnp.int32)
    pos = jax.random.randint(k5, (B,), 0, NUM_ITEMS, dtype=jnp.int32)
    return {"Gu": Gu, "Gi": Gi, "edge_index": edge_index, "user": user, "pos": pos}


def _lgconv(x, src, dst, norm, n_nodes):
    # LGConv (normalize=True): out[i] = sum_{(j->i) in E} norm_ji * x[j]
    msgs = x[src] * norm[:, None]
    return jax.ops.segment_sum(msgs, dst, num_segments=n_nodes)


def reference(Gu, Gi, edge_index, user, pos):
    n_nodes = Gu.shape[0] + Gi.shape[0]
    src = edge_index[0]
    dst = edge_index[1]
    # symmetric degree normalization (GCN norm), degrees computed on dst
    ones = jnp.ones((src.shape[0],), dtype=Gu.dtype)
    deg = jax.ops.segment_sum(ones, dst, num_segments=n_nodes)
    dinv = jnp.where(deg > 0, jax.lax.rsqrt(jnp.maximum(deg, 1.0)) * jnp.sqrt(jnp.maximum(deg, 1.0)) / jnp.sqrt(jnp.maximum(deg, 1.0)), 0.0)
    dinv = jnp.where(deg > 0, 1.0 / jnp.sqrt(jnp.maximum(deg, 1.0)), 0.0)
    norm = dinv[src] * dinv[dst]
    # propagate_embeddings
    ego = jnp.concatenate([Gu, Gi], axis=0)
    all_embeddings = [ego]
    for _ in range(N_LAYERS):
        all_embeddings.append(_lgconv(all_embeddings[-1], src, dst, norm, n_nodes))
    avg = jnp.mean(jnp.stack(all_embeddings, axis=0), axis=0)
    gu = avg[:NUM_USERS]
    gi = avg[NUM_USERS:]
    # forward: xui = sum(gu[user] * gi[pos], dim=1)
    xui = jnp.sum(gu[user] * gi[pos], axis=1)
    return xui

if __name__ == "__main__":
    import jax
    _d = setup_inputs()
    print(jax.jit(kernel)(*tuple(_d.values())))

</pallas_src>

<mosaic_0001>
#map = affine_map<(d0, d1) -> (0)>
#map1 = affine_map<(d0, d1) -> (0, 0)>
#map2 = affine_map<(d0, d1) -> (0, 0, 0)>
module attributes {stable_mosaic.version = 14 : i64} {
  func.func @_k_layer(%arg0: i32, %arg1: i32, %arg2: memref<1638400xi32, #tpu.memory_space<hbm>>, %arg3: memref<1638400xi32, #tpu.memory_space<hbm>>, %arg4: memref<50048x32xf32, #tpu.memory_space<hbm>>, %arg5: memref<50048x32xf32, #tpu.memory_space<hbm>>, %arg6: memref<2x50048x32xf32, #tpu.memory_space<hbm>>, %arg7: memref<50048x32xf32, #tpu.memory_space<vmem_shared>>, %arg8: memref<400xi32, #tpu.memory_space<vmem>>, %arg9: memref<400xi32, #tpu.memory_space<vmem>>, %arg10: memref<400xi32, #tpu.memory_space<vmem>>, %arg11: memref<400xi32, #tpu.memory_space<vmem>>, %arg12: memref<400x32xf32, #tpu.memory_space<vmem>>, %arg13: memref<400x32xf32, #tpu.memory_space<vmem>>, %arg14: memref<!tpu.dma_semaphore, #tpu.memory_space<semaphore_mem>>, %arg15: memref<!tpu.dma_semaphore, #tpu.memory_space<semaphore_mem>>, %arg16: memref<!tpu.dma_semaphore, #tpu.memory_space<semaphore_mem>>, %arg17: memref<!tpu.dma_semaphore, #tpu.memory_space<semaphore_mem>>) attributes {dimension_semantics = [#tpu.dimension_semantics<core_parallel>, #tpu.dimension_semantics<subcore_parallel>], iteration_bounds = array<i64: 2, 16>, scalar_prefetch = 0 : i64, scratch_operands = 11 : i64, tpu.core_type = #tpu.core_type<sc_vector_subcore>, window_params = [{transform_indices = #map}, {transform_indices = #map}, {transform_indices = #map1}, {transform_indices = #map1}, {transform_indices = #map2}]} {
    %mul3A = arith.constant 2 : i32
    %mul3A_0 = arith.muli %arg1, %mul3A : i32
    %add3A = arith.addi %mul3A_0, %arg0 : i32
    %mul3A_1 = arith.constant 51200 : i32
    %mul3A_2 = arith.muli %add3A, %mul3A_1 : i32
    %mul3A_3 = arith.constant 3128 : i32
    %mul3A_4 = arith.muli %arg1, %mul3A_3 : i32
    %mul3A_5 = arith.constant 3128 : i32
    %mul3A_6 = arith.muli %arg1, %mul3A_5 : i32
    "tpu.region"() ({
      %run_scoped3A = tpu.sem_alloc : memref<!tpu.dma_semaphore, #tpu.memory_space<semaphore_mem>>
      %dma_start3A_52 = arith.constant 0 : i32
      %dma_start3A_53 = tpu.memref_slice %arg7[%mul3A_6, %dma_start3A_52] : memref<50048x32xf32, #tpu.memory_space<vmem_shared>> -> memref<3128x32xf32, #tpu.memory_space<vmem_shared>>
      %dma_start3A_54 = arith.constant 0 : i32
      %dma_start3A_55 = tpu.memref_slice %arg5[%mul3A_4, %dma_start3A_54] : memref<50048x32xf32, #tpu.memory_space<hbm>> -> memref<3128x32xf32, #tpu.memory_space<hbm>>
      tpu.enqueue_dma source(%dma_start3A_55 : memref<3128x32xf32, #tpu.memory_space<hbm>>) target(%dma_start3A_53 : memref<3128x32xf32, #tpu.memory_space<vmem_shared>>) target_semaphore(%run_scoped3A : memref<!tpu.dma_semaphore, #tpu.memory_space<semaphore_mem>>)
      %dma_wait3A_56 = arith.constant 0 : i32
      %dma_wait3A_57 = tpu.memref_slice %arg7[%mul3A_6, %dma_wait3A_56] : memref<50048x32xf32, #tpu.memory_space<vmem_shared>> -> memref<3128x32xf32, #tpu.memory_space<vmem_shared>>
      %dma_wait3A_58 = arith.constant 0 : i32
      %dma_wait3A_59 = tpu.memref_slice %arg5[%mul3A_4, %dma_wait3A_58] : memref<50048x32xf32, #tpu.memory_space<hbm>> -> memref<3128x32xf32, #tpu.memory_space<hbm>>
      tpu.wait_dma2 semaphore(%run_scoped3A : memref<!tpu.dma_semaphore, #tpu.memory_space<semaphore_mem>>) src(%dma_wait3A_59 : memref<3128x32xf32, #tpu.memory_space<hbm>>) dst(%dma_wait3A_57 : memref<3128x32xf32, #tpu.memory_space<vmem_shared>>)
      tpu.yield
    }) : () -> ()
    %barrier3A = arith.constant 0 : index
    tpu.barrier barrier_id(%barrier3A)
    %add3A_7 = arith.constant 0 : i32
    %add3A_8 = arith.addi %mul3A_2, %add3A_7 : i32
    %dma_start3A = tpu.memref_slice %arg2[%add3A_8] : memref<1638400xi32, #tpu.memory_space<hbm>> -> memref<400xi32, #tpu.memory_space<hbm>>
    %dma_start3A_9 = tpu.memref_slice %arg2[%add3A_8] : memref<1638400xi32, #tpu.memory_space<hbm>> -> memref<400xi32, #tpu.memory_space<hbm>>
    tpu.enqueue_dma source(%dma_start3A_9 : memref<400xi32, #tpu.memory_space<hbm>>) target(%arg8 : memref<400xi32, #tpu.memory_space<vmem>>) target_semaphore(%arg14 : memref<!tpu.dma_semaphore, #tpu.memory_space<semaphore_mem>>)
    %add3A_10 = arith.constant 0 : i32
    %add3A_11 = arith.addi %mul3A_2, %add3A_10 : i32
    %dma_start3A_12 = tpu.memref_slice %arg3[%add3A_11] : memref<1638400xi32, #tpu.memory_space<hbm>> -> memref<400xi32, #tpu.memory_space<hbm>>
    %dma_start3A_13 = tpu.memref_slice %arg3[%add3A_11] : memref<1638400xi32, #tpu.memory_space<hbm>> -> memref<400xi32, #tpu.memory_space<hbm>>
    tpu.enqueue_dma source(%dma_start3A_13 : memref<400xi32, #tpu.memory_space<hbm>>) target(%arg10 : memref<400xi32, #tpu.memory_space<vmem>>) target_semaphore(%arg14 : memref<!tpu.dma_semaphore, #tpu.memory_space<semaphore_mem>>)
    %add3A_14 = arith.constant 400 : i32
    %add3A_15 = arith.addi %mul3A_2, %add3A_14 : i32
    %dma_start3A_16 = tpu.memref_slice %arg2[%add3A_15] : memref<1638400xi32, #tpu.memory_space<hbm>> -> memref<400xi32, #tpu.memory_space<hbm>>
    %dma_start3A_17 = tpu.memref_slice %arg2[%add3A_15] : memref<1638400xi32, #tpu.memory_space<hbm>> -> memref<400xi32, #tpu.memory_space<hbm>>
    tpu.enqueue_dma source(%dma_start3A_17 : memref<400xi32, #tpu.memory_space<hbm>>) target(%arg9 : memref<400xi32, #tpu.memory_space<vmem>>) target_semaphore(%arg15 : memref<!tpu.dma_semaphore, #tpu.memory_space<semaphore_mem>>)
    %add3A_18 = arith.constant 400 : i32
    %add3A_19 = arith.addi %mul3A_2, %add3A_18 : i32
    %dma_start3A_20 = tpu.memref_slice %arg3[%add3A_19] : memref<1638400xi32, #tpu.memory_space<hbm>> -> memref<400xi32, #tpu.memory_space<hbm>>
    %dma_start3A_21 = tpu.memref_slice %arg3[%add3A_19] : memref<1638400xi32, #tpu.memory_space<hbm>> -> memref<400xi32, #tpu.memory_space<hbm>>
    tpu.enqueue_dma source(%dma_start3A_21 : memref<400xi32, #tpu.memory_space<hbm>>) target(%arg11 : memref<400xi32, #tpu.memory_space<vmem>>) target_semaphore(%arg15 : memref<!tpu.dma_semaphore, #tpu.memory_space<semaphore_mem>>)
    %dma_wait3A = tpu.memref_slice %arg2[%mul3A_2] : memref<1638400xi32, #tpu.memory_space<hbm>> -> memref<400xi32, #tpu.memory_space<hbm>>
    %dma_wait3A_22 = tpu.memref_slice %arg2[%mul3A_2] : memref<1638400xi32, #tpu.memory_space<hbm>> -> memref<400xi32, #tpu.memory_space<hbm>>
    tpu.wait_dma2 semaphore(%arg14 : memref<!tpu.dma_semaphore, #tpu.memory_space<semaphore_mem>>) src(%dma_wait3A_22 : memref<400xi32, #tpu.memory_space<hbm>>) dst(%arg8 : memref<400xi32, #tpu.memory_space<vmem>>)
    %dma_wait3A_23 = tpu.memref_slice %arg3[%mul3A_2] : memref<1638400xi32, #tpu.memory_space<hbm>> -> memref<400xi32, #tpu.memory_space<hbm>>
    %dma_wait3A_24 = tpu.memref_slice %arg3[%mul3A_2] : memref<1638400xi32, #tpu.memory_space<hbm>> -> memref<400xi32, #tpu.memory_space<hbm>>
    tpu.wait_dma2 semaphore(%arg14 : memref<!tpu.dma_semaphore, #tpu.memory_space<semaphore_mem>>) src(%dma_wait3A_24 : memref<400xi32, #tpu.memory_space<hbm>>) dst(%arg10 : memref<400xi32, #tpu.memory_space<vmem>>)
    %dma_start3A_25 = arith.constant 0 : i32
    %dma_start3A_26 = arith.constant 0 : i32
    %dma_start3A_27 = tpu.memref_slice %arg4[%dma_start3A_25, %dma_start3A_26] : memref<50048x32xf32, #tpu.memory_space<hbm>> -> memref<50048x32xf32, #tpu.memory_space<hbm>>
    tpu.enqueue_indirect_dma source(%dma_start3A_27 : memref<50048x32xf32, #tpu.memory_space<hbm>>) target(%arg12 : memref<400x32xf32, #tpu.memory_space<vmem>>) offsets(%arg8 : memref<400xi32, #tpu.memory_space<vmem>>) semaphore(%arg16 : memref<!tpu.dma_semaphore, #tpu.memory_space<semaphore_mem>>)
    %scan3A = arith.constant 0 : i32
    %scan3A_28 = arith.constant 0 : i32
    %scan3A_29 = arith.constant 63 : i32
    %scan3A_30 = arith.addi %scan3A_28, %scan3A_29 : i32
    %scan3A_31 = arith.constant 1 : i32
    %scan3A_32 = scf.for %scan3A_52 = %scan3A_28 to %scan3A_30 step %scan3A_31 iter_args(%scan3A_53 = %scan3A) -> (i32)  : i32 {
      %mul3A_54 = arith.constant 2 : i32
      %mul3A_55 = arith.muli %scan3A_52, %mul3A_54 : i32
      %add3A_56 = arith.constant 0 : i32
      %add3A_57 = arith.addi %mul3A_55, %add3A_56 : i32
      %dma_wait3A_58 = arith.constant 0 : i32
      %dma_wait3A_59 = arith.constant 0 : i32
      %dma_wait3A_60 = tpu.memref_slice %arg4[%dma_wait3A_58, %dma_wait3A_59] : memref<50048x32xf32, #tpu.memory_space<hbm>> -> memref<50048x32xf32, #tpu.memory_space<hbm>>
      tpu.wait_indirect_dma semaphore(%arg16 : memref<!tpu.dma_semaphore, #tpu.memory_space<semaphore_mem>>) src(%dma_wait3A_60 : memref<50048x32xf32, #tpu.memory_space<hbm>>) dst(%arg12 : memref<400x32xf32, #tpu.memory_space<vmem>>)
      "tpu.region"() ({
        %run_scoped3A = tpu.sem_alloc : memref<!tpu.dma_semaphore, #tpu.memory_space<semaphore_mem>>
        %dma_start3A_105 = arith.constant 0 : i32
        %dma_start3A_106 = arith.constant 0 : i32
        %dma_start3A_107 = tpu.memref_slice %arg7[%dma_start3A_105, %dma_start3A_106] : memref<50048x32xf32, #tpu.memory_space<vmem_shared>> -> memref<50048x32xf32, #tpu.memory_space<vmem_shared>>
        tpu.enqueue_indirect_dma source(%arg12 : memref<400x32xf32, #tpu.memory_space<vmem>>) target(%dma_start3A_107 : memref<50048x32xf32, #tpu.memory_space<vmem_shared>>) offsets(%arg10 : memref<400xi32, #tpu.memory_space<vmem>>) semaphore(%run_scoped3A : memref<!tpu.dma_semaphore, #tpu.memory_space<semaphore_mem>>) {add = true}
        %dma_wait3A_108 = arith.constant 0 : i32
        %dma_wait3A_109 = arith.constant 0 : i32
        %dma_wait3A_110 = tpu.memref_slice %arg7[%dma_wait3A_108, %dma_wait3A_109] : memref<50048x32xf32, #tpu.memory_space<vmem_shared>> -> memref<50048x32xf32, #tpu.memory_space<vmem_shared>>
        tpu.wait_indirect_dma semaphore(%run_scoped3A : memref<!tpu.dma_semaphore, #tpu.memory_space<semaphore_mem>>) src(%arg12 : memref<400x32xf32, #tpu.memory_space<vmem>>) dst(%dma_wait3A_110 : memref<50048x32xf32, #tpu.memory_space<vmem_shared>>)
        tpu.yield
      }) : () -> ()
      %add3A_61 = arith.constant 2 : i32
      %add3A_62 = arith.addi %add3A_57, %add3A_61 : i32
      %mul3A_63 = arith.constant 400 : i32
      %mul3A_64 = arith.muli %add3A_62, %mul3A_63 : i32
      %add3A_65 = arith.addi %mul3A_2, %mul3A_64 : i32
      %dma_start3A_66 = tpu.memref_slice %arg2[%add3A_65] : memref<1638400xi32, #tpu.memory_space<hbm>> -> memref<400xi32, #tpu.memory_space<hbm>>
      %dma_start3A_67 = tpu.memref_slice %arg2[%add3A_65] : memref<1638400xi32, #tpu.memory_space<hbm>> -> memref<400xi32, #tpu.memory_space<hbm>>
      tpu.enqueue_dma source(%dma_start3A_67 : memref<400xi32, #tpu.memory_space<hbm>>) target(%arg8 : memref<400xi32, #tpu.memory_space<vmem>>) target_semaphore(%arg14 : memref<!tpu.dma_semaphore, #tpu.memory_space<semaphore_mem>>)
      %mul3A_68 = arith.constant 400 : i32
      %mul3A_69 = arith.muli %add3A_62, %mul3A_68 : i32
      %add3A_70 = arith.addi %mul3A_2, %mul3A_69 : i32
      %dma_start3A_71 = tpu.memref_slice %arg3[%add3A_70] : memref<1638400xi32, #tpu.memory_space<hbm>> -> memref<400xi32, #tpu.memory_space<hbm>>
      %dma_start3A_72 = tpu.memref_slice %arg3[%add3A_70] : memref<1638400xi32, #tpu.memory_space<hbm>> -> memref<400xi32, #tpu.memory_space<hbm>>
      tpu.enqueue_dma source(%dma_start3A_72 : memref<400xi32, #tpu.memory_space<hbm>>) target(%arg10 : memref<400xi32, #tpu.memory_space<vmem>>) target_semaphore(%arg14 : memref<!tpu.dma_semaphore, #tpu.memory_space<semaphore_mem>>)
      %dma_wait3A_73 = tpu.memref_slice %arg2[%mul3A_2] : memref<1638400xi32, #tpu.memory_space<hbm>> -> memref<400xi32, #tpu.memory_space<hbm>>
      %dma_wait3A_74 = tpu.memref_slice %arg2[%mul3A_2] : memref<1638400xi32, #tpu.memory_space<hbm>> -> memref<400xi32, #tpu.memory_space<hbm>>
      tpu.wait_dma2 semaphore(%arg15 : memref<!tpu.dma_semaphore, #tpu.memory_space<semaphore_mem>>) src(%dma_wait3A_74 : memref<400xi32, #tpu.memory_space<hbm>>) dst(%arg9 : memref<400xi32, #tpu.memory_space<vmem>>)
      %dma_wait3A_75 = tpu.memref_slice %arg3[%mul3A_2] : memref<1638400xi32, #tpu.memory_space<hbm>> -> memref<400xi32, #tpu.memory_space<hbm>>
      %dma_wait3A_76 = tpu.memref_slice %arg3[%mul3A_2] : memref<1638400xi32, #tpu.memory_space<hbm>> -> memref<400xi32, #tpu.memory_space<hbm>>
      tpu.wait_dma2 semaphore(%arg15 : memref<!tpu.dma_semaphore, #tpu.memory_space<semaphore_mem>>) src(%dma_wait3A_76 : memref<400xi32, #tpu.memory_space<hbm>>) dst(%arg11 : memref<400xi32, #tpu.memory_space<vmem>>)
      %dma_start3A_77 = arith.constant 0 : i32
      %dma_start3A_78 = arith.constant 0 : i32
      %dma_start3A_79 = tpu.memref_slice %arg4[%dma_start3A_77, %dma_start3A_78] : memref<50048x32xf32, #tpu.memory_space<hbm>> -> memref<50048x32xf32, #tpu.memory_space<hbm>>
      tpu.enqueue_indirect_dma source(%dma_start3A_79 : memref<50048x32xf32, #tpu.memory_space<hbm>>) target(%arg13 : memref<400x32xf32, #tpu.memory_space<vmem>>) offsets(%arg9 : memref<400xi32, #tpu.memory_space<vmem>>) semaphore(%arg17 : memref<!tpu.dma_semaphore, #tpu.memory_space<semaphore_mem>>)
      %add3A_80 = arith.constant 1 : i32
      %add3A_81 = arith.addi %mul3A_55, %add3A_80 : i32
      %dma_wait3A_82 = arith.constant 0 : i32
      %dma_wait3A_83 = arith.constant 0 : i32
      %dma_wait3A_84 = tpu.memref_slice %arg4[%dma_wait3A_82, %dma_wait3A_83] : memref<50048x32xf32, #tpu.memory_space<hbm>> -> memref<50048x32xf32, #tpu.memory_space<hbm>>
      tpu.wait_indirect_dma semaphore(%arg17 : memref<!tpu.dma_semaphore, #tpu.memory_space<semaphore_mem>>) src(%dma_wait3A_84 : memref<50048x32xf32, #tpu.memory_space<hbm>>) dst(%arg13 : memref<400x32xf32, #tpu.memory_space<vmem>>)
      "tpu.region"() ({
        %run_scoped3A = tpu.sem_alloc : memref<!tpu.dma_semaphore, #tpu.memory_space<semaphore_mem>>
        %dma_start3A_105 = arith.constant 0 : i32
        %dma_start3A_106 = arith.constant 0 : i32
        %dma_start3A_107 = tpu.memref_slice %arg7[%dma_start3A_105, %dma_start3A_106] : memref<50048x32xf32, #tpu.memory_space<vmem_shared>> -> memref<50048x32xf32, #tpu.memory_space<vmem_shared>>
        tpu.enqueue_indirect_dma source(%arg13 : memref<400x32xf32, #tpu.memory_space<vmem>>) target(%dma_start3A_107 : memref<50048x32xf32, #tpu.memory_space<vmem_shared>>) offsets(%arg11 : memref<400xi32, #tpu.memory_space<vmem>>) semaphore(%run_scoped3A : memref<!tpu.dma_semaphore, #tpu.memory_space<semaphore_mem>>) {add = true}
        %dma_wait3A_108 = arith.constant 0 : i32
        %dma_wait3A_109 = arith.constant 0 : i32
        %dma_wait3A_110 = tpu.memref_slice %arg7[%dma_wait3A_108, %dma_wait3A_109] : memref<50048x32xf32, #tpu.memory_space<vmem_shared>> -> memref<50048x32xf32, #tpu.memory_space<vmem_shared>>
        tpu.wait_indirect_dma semaphore(%run_scoped3A : memref<!tpu.dma_semaphore, #tpu.memory_space<semaphore_mem>>) src(%arg13 : memref<400x32xf32, #tpu.memory_space<vmem>>) dst(%dma_wait3A_110 : memref<50048x32xf32, #tpu.memory_space<vmem_shared>>)
        tpu.yield
      }) : () -> ()
      %add3A_85 = arith.constant 2 : i32
      %add3A_86 = arith.addi %add3A_81, %add3A_85 : i32
      %mul3A_87 = arith.constant 400 : i32
      %mul3A_88 = arith.muli %add3A_86, %mul3A_87 : i32
      %add3A_89 = arith.addi %mul3A_2, %mul3A_88 : i32
      %dma_start3A_90 = tpu.memref_slice %arg2[%add3A_89] : memref<1638400xi32, #tpu.memory_space<hbm>> -> memref<400xi32, #tpu.memory_space<hbm>>
      %dma_start3A_91 = tpu.memref_slice %arg2[%add3A_89] : memref<1638400xi32, #tpu.memory_space<hbm>> -> memref<400xi32, #tpu.memory_space<hbm>>
      tpu.enqueue_dma source(%dma_start3A_91 : memref<400xi32, #tpu.memory_space<hbm>>) target(%arg9 : memref<400xi32, #tpu.memory_space<vmem>>) target_semaphore(%arg15 : memref<!tpu.dma_semaphore, #tpu.memory_space<semaphore_mem>>)
      %mul3A_92 = arith.constant 400 : i32
      %mul3A_93 = arith.muli %add3A_86, %mul3A_92 : i32
      %add3A_94 = arith.addi %mul3A_2, %mul3A_93 : i32
      %dma_start3A_95 = tpu.memref_slice %arg3[%add3A_94] : memref<1638400xi32, #tpu.memory_space<hbm>> -> memref<400xi32, #tpu.memory_space<hbm>>
      %dma_start3A_96 = tpu.memref_slice %arg3[%add3A_94] : memref<1638400xi32, #tpu.memory_space<hbm>> -> memref<400xi32, #tpu.memory_space<hbm>>
      tpu.enqueue_dma source(%dma_start3A_96 : memref<400xi32, #tpu.memory_space<hbm>>) target(%arg11 : memref<400xi32, #tpu.memory_space<vmem>>) target_semaphore(%arg15 : memref<!tpu.dma_semaphore, #tpu.memory_space<semaphore_mem>>)
      %dma_wait3A_97 = tpu.memref_slice %arg2[%mul3A_2] : memref<1638400xi32, #tpu.memory_space<hbm>> -> memref<400xi32, #tpu.memory_space<hbm>>
      %dma_wait3A_98 = tpu.memref_slice %arg2[%mul3A_2] : memref<1638400xi32, #tpu.memory_space<hbm>> -> memref<400xi32, #tpu.memory_space<hbm>>
      tpu.wait_dma2 semaphore(%arg14 : memref<!tpu.dma_semaphore, #tpu.memory_space<semaphore_mem>>) src(%dma_wait3A_98 : memref<400xi32, #tpu.memory_space<hbm>>) dst(%arg8 : memref<400xi32, #tpu.memory_space<vmem>>)
      %dma_wait3A_99 = tpu.memref_slice %arg3[%mul3A_2] : memref<1638400xi32, #tpu.memory_space<hbm>> -> memref<400xi32, #tpu.memory_space<hbm>>
      %dma_wait3A_100 = tpu.memref_slice %arg3[%mul3A_2] : memref<1638400xi32, #tpu.memory_space<hbm>> -> memref<400xi32, #tpu.memory_space<hbm>>
      tpu.wait_dma2 semaphore(%arg14 : memref<!tpu.dma_semaphore, #tpu.memory_space<semaphore_mem>>) src(%dma_wait3A_100 : memref<400xi32, #tpu.memory_space<hbm>>) dst(%arg10 : memref<400xi32, #tpu.memory_space<vmem>>)
      %dma_start3A_101 = arith.constant 0 : i32
      %dma_start3A_102 = arith.constant 0 : i32
      %dma_start3A_103 = tpu.memref_slice %arg4[%dma_start3A_101, %dma_start3A_102] : memref<50048x32xf32, #tpu.memory_space<hbm>> -> memref<50048x32xf32, #tpu.memory_space<hbm>>
      tpu.enqueue_indirect_dma source(%dma_start3A_103 : memref<50048x32xf32, #tpu.memory_space<hbm>>) target(%arg12 : memref<400x32xf32, #tpu.memory_space<vmem>>) offsets(%arg8 : memref<400xi32, #tpu.memory_space<vmem>>) semaphore(%arg16 : memref<!tpu.dma_semaphore, #tpu.memory_space<semaphore_mem>>)
      %scan3A_104 = arith.constant 0 : i32
      scf.yield %scan3A_104 : i32
    }
    %scan3A_33 = arith.constant 63 : i32
    %dma_wait3A_34 = arith.constant 0 : i32
    %dma_wait3A_35 = arith.constant 0 : i32
    %dma_wait3A_36 = tpu.memref_slice %arg4[%dma_wait3A_34, %dma_wait3A_35] : memref<50048x32xf32, #tpu.memory_space<hbm>> -> memref<50048x32xf32, #tpu.memory_space<hbm>>
    tpu.wait_indirect_dma semaphore(%arg16 : memref<!tpu.dma_semaphore, #tpu.memory_space<semaphore_mem>>) src(%dma_wait3A_36 : memref<50048x32xf32, #tpu.memory_space<hbm>>) dst(%arg12 : memref<400x32xf32, #tpu.memory_space<vmem>>)
    "tpu.region"() ({
      %run_scoped3A = tpu.sem_alloc : memref<!tpu.dma_semaphore, #tpu.memory_space<semaphore_mem>>
      %dma_start3A_52 = arith.constant 0 : i32
      %dma_start3A_53 = arith.constant 0 : i32
      %dma_start3A_54 = tpu.memref_slice %arg7[%dma_start3A_52, %dma_start3A_53] : memref<50048x32xf32, #tpu.memory_space<vmem_shared>> -> memref<50048x32xf32, #tpu.memory_space<vmem_shared>>
      tpu.enqueue_indirect_dma source(%arg12 : memref<400x32xf32, #tpu.memory_space<vmem>>) target(%dma_start3A_54 : memref<50048x32xf32, #tpu.memory_space<vmem_shared>>) offsets(%arg10 : memref<400xi32, #tpu.memory_space<vmem>>) semaphore(%run_scoped3A : memref<!tpu.dma_semaphore, #tpu.memory_space<semaphore_mem>>) {add = true}
      %dma_wait3A_55 = arith.constant 0 : i32
      %dma_wait3A_56 = arith.constant 0 : i32
      %dma_wait3A_57 = tpu.memref_slice %arg7[%dma_wait3A_55, %dma_wait3A_56] : memref<50048x32xf32, #tpu.memory_space<vmem_shared>> -> memref<50048x32xf32, #tpu.memory_space<vmem_shared>>
      tpu.wait_indirect_dma semaphore(%run_scoped3A : memref<!tpu.dma_semaphore, #tpu.memory_space<semaphore_mem>>) src(%arg12 : memref<400x32xf32, #tpu.memory_space<vmem>>) dst(%dma_wait3A_57 : memref<50048x32xf32, #tpu.memory_space<vmem_shared>>)
      tpu.yield
    }) : () -> ()
    %dma_wait3A_37 = tpu.memref_slice %arg2[%mul3A_2] : memref<1638400xi32, #tpu.memory_space<hbm>> -> memref<400xi32, #tpu.memory_space<hbm>>
    %dma_wait3A_38 = tpu.memref_slice %arg2[%mul3A_2] : memref<1638400xi32, #tpu.memory_space<hbm>> -> memref<400xi32, #tpu.memory_space<hbm>>
    tpu.wait_dma2 semaphore(%arg15 : memref<!tpu.dma_semaphore, #tpu.memory_space<semaphore_mem>>) src(%dma_wait3A_38 : memref<400xi32, #tpu.memory_space<hbm>>) dst(%arg9 : memref<400xi32, #tpu.memory_space<vmem>>)
    %dma_wait3A_39 = tpu.memref_slice %arg3[%mul3A_2] : memref<1638400xi32, #tpu.memory_space<hbm>> -> memref<400xi32, #tpu.memory_space<hbm>>
    %dma_wait3A_40 = tpu.memref_slice %arg3[%mul3A_2] : memref<1638400xi32, #tpu.memory_space<hbm>> -> memref<400xi32, #tpu.memory_space<hbm>>
    tpu.wait_dma2 semaphore(%arg15 : memref<!tpu.dma_semaphore, #tpu.memory_space<semaphore_mem>>) src(%dma_wait3A_40 : memref<400xi32, #tpu.memory_space<hbm>>) dst(%arg11 : memref<400xi32, #tpu.memory_space<vmem>>)
    %dma_start3A_41 = arith.constant 0 : i32
    %dma_start3A_42 = arith.constant 0 : i32
    %dma_start3A_43 = tpu.memref_slice %arg4[%dma_start3A_41, %dma_start3A_42] : memref<50048x32xf32, #tpu.memory_space<hbm>> -> memref<50048x32xf32, #tpu.memory_space<hbm>>
    tpu.enqueue_indirect_dma source(%dma_start3A_43 : memref<50048x32xf32, #tpu.memory_space<hbm>>) target(%arg13 : memref<400x32xf32, #tpu.memory_space<vmem>>) offsets(%arg9 : memref<400xi32, #tpu.memory_space<vmem>>) semaphore(%arg17 : memref<!tpu.dma_semaphore, #tpu.memory_space<semaphore_mem>>)
    %dma_wait3A_44 = arith.constant 0 : i32
    %dma_wait3A_45 = arith.constant 0 : i32
    %dma_wait3A_46 = tpu.memref_slice %arg4[%dma_wait3A_44, %dma_wait3A_45] : memref<50048x32xf32, #tpu.memory_space<hbm>> -> memref<50048x32xf32, #tpu.memory_space<hbm>>
    tpu.wait_indirect_dma semaphore(%arg17 : memref<!tpu.dma_semaphore, #tpu.memory_space<semaphore_mem>>) src(%dma_wait3A_46 : memref<50048x32xf32, #tpu.memory_space<hbm>>) dst(%arg13 : memref<400x32xf32, #tpu.memory_space<vmem>>)
    "tpu.region"() ({
      %run_scoped3A = tpu.sem_alloc : memref<!tpu.dma_semaphore, #tpu.memory_space<semaphore_mem>>
      %dma_start3A_52 = arith.constant 0 : i32
      %dma_start3A_53 = arith.constant 0 : i32
      %dma_start3A_54 = tpu.memref_slice %arg7[%dma_start3A_52, %dma_start3A_53] : memref<50048x32xf32, #tpu.memory_space<vmem_shared>> -> memref<50048x32xf32, #tpu.memory_space<vmem_shared>>
      tpu.enqueue_indirect_dma source(%arg13 : memref<400x32xf32, #tpu.memory_space<vmem>>) target(%dma_start3A_54 : memref<50048x32xf32, #tpu.memory_space<vmem_shared>>) offsets(%arg11 : memref<400xi32, #tpu.memory_space<vmem>>) semaphore(%run_scoped3A : memref<!tpu.dma_semaphore, #tpu.memory_space<semaphore_mem>>) {add = true}
      %dma_wait3A_55 = arith.constant 0 : i32
      %dma_wait3A_56 = arith.constant 0 : i32
      %dma_wait3A_57 = tpu.memref_slice %arg7[%dma_wait3A_55, %dma_wait3A_56] : memref<50048x32xf32, #tpu.memory_space<vmem_shared>> -> memref<50048x32xf32, #tpu.memory_space<vmem_shared>>
      tpu.wait_indirect_dma semaphore(%run_scoped3A : memref<!tpu.dma_semaphore, #tpu.memory_space<semaphore_mem>>) src(%arg13 : memref<400x32xf32, #tpu.memory_space<vmem>>) dst(%dma_wait3A_57 : memref<50048x32xf32, #tpu.memory_space<vmem_shared>>)
      tpu.yield
    }) : () -> ()
    %barrier3A_47 = arith.constant 0 : index
    tpu.barrier barrier_id(%barrier3A_47)
    %mul3A_48 = arith.constant 3128 : i32
    %mul3A_49 = arith.muli %arg1, %mul3A_48 : i32
    %mul3A_50 = arith.constant 3128 : i32
    %mul3A_51 = arith.muli %arg1, %mul3A_50 : i32
    "tpu.region"() ({
      %run_scoped3A = tpu.sem_alloc : memref<!tpu.dma_semaphore, #tpu.memory_space<semaphore_mem>>
      %dma_start3A_52 = arith.constant 0 : i32
      %dma_start3A_53 = tpu.memref_slice %arg6[%arg0, %mul3A_51, %dma_start3A_52] : memref<2x50048x32xf32, #tpu.memory_space<hbm>> -> memref<1x3128x32xf32, #tpu.memory_space<hbm>>
      %dma_start3A_54 = tpu.memref_squeeze %dma_start3A_53 : memref<1x3128x32xf32, #tpu.memory_space<hbm>> -> memref<3128x32xf32, #tpu.memory_space<hbm>>
      %dma_start3A_55 = arith.constant 0 : i32
      %dma_start3A_56 = tpu.memref_slice %arg7[%mul3A_49, %dma_start3A_55] : memref<50048x32xf32, #tpu.memory_space<vmem_shared>> -> memref<3128x32xf32, #tpu.memory_space<vmem_shared>>
      tpu.enqueue_dma source(%dma_start3A_56 : memref<3128x32xf32, #tpu.memory_space<vmem_shared>>) target(%dma_start3A_54 : memref<3128x32xf32, #tpu.memory_space<hbm>>) target_semaphore(%run_scoped3A : memref<!tpu.dma_semaphore, #tpu.memory_space<semaphore_mem>>)
      %dma_wait3A_57 = arith.constant 0 : i32
      %dma_wait3A_58 = tpu.memref_slice %arg6[%arg0, %mul3A_51, %dma_wait3A_57] : memref<2x50048x32xf32, #tpu.memory_space<hbm>> -> memref<1x3128x32xf32, #tpu.memory_space<hbm>>
      %dma_wait3A_59 = tpu.memref_squeeze %dma_wait3A_58 : memref<1x3128x32xf32, #tpu.memory_space<hbm>> -> memref<3128x32xf32, #tpu.memory_space<hbm>>
      %dma_wait3A_60 = arith.constant 0 : i32
      %dma_wait3A_61 = tpu.memref_slice %arg7[%mul3A_49, %dma_wait3A_60] : memref<50048x32xf32, #tpu.memory_space<vmem_shared>> -> memref<3128x32xf32, #tpu.memory_space<vmem_shared>>
      tpu.wait_dma2 semaphore(%run_scoped3A : memref<!tpu.dma_semaphore, #tpu.memory_space<semaphore_mem>>) src(%dma_wait3A_61 : memref<3128x32xf32, #tpu.memory_space<vmem_shared>>) dst(%dma_wait3A_59 : memref<3128x32xf32, #tpu.memory_space<hbm>>)
      tpu.yield
    }) : () -> ()
    return
  }
}

#map = affine_map<(d0, d1) -> (0)>
#map1 = affine_map<(d0, d1) -> (0, 0)>
#map2 = affine_map<(d0, d1) -> (0, 0, 0)>
module attributes {stable_mosaic.version = 14 : i64} {
  func.func @_k_layer(%arg0: i32, %arg1: i32, %arg2: memref<1638400xi32, #tpu.memory_space<hbm>>, %arg3: memref<1638400xi32, #tpu.memory_space<hbm>>, %arg4: memref<50048x32xf32, #tpu.memory_space<hbm>>, %arg5: memref<50048x32xf32, #tpu.memory_space<hbm>>, %arg6: memref<2x50048x32xf32, #tpu.memory_space<hbm>>, %arg7: memref<50048x32xf32, #tpu.memory_space<vmem_shared>>, %arg8: memref<400xi32, #tpu.memory_space<vmem>>, %arg9: memref<400xi32, #tpu.memory_space<vmem>>, %arg10: memref<400xi32, #tpu.memory_space<vmem>>, %arg11: memref<400xi32, #tpu.memory_space<vmem>>, %arg12: memref<400x32xf32, #tpu.memory_space<vmem>>, %arg13: memref<400x32xf32, #tpu.memory_space<vmem>>, %arg14: memref<!tpu.dma_semaphore, #tpu.memory_space<semaphore_mem>>, %arg15: memref<!tpu.dma_semaphore, #tpu.memory_space<semaphore_mem>>, %arg16: memref<!tpu.dma_semaphore, #tpu.memory_space<semaphore_mem>>, %arg17: memref<!tpu.dma_semaphore, #tpu.memory_space<semaphore_mem>>) attributes {dimension_semantics = [#tpu.dimension_semantics<core_parallel>, #tpu.dimension_semantics<subcore_parallel>], iteration_bounds = array<i64: 2, 16>, scalar_prefetch = 0 : i64, scratch_operands = 11 : i64, tpu.core_type = #tpu.core_type<sc_vector_subcore>, window_params = [{transform_indices = #map}, {transform_indices = #map}, {transform_indices = #map1}, {transform_indices = #map1}, {transform_indices = #map2}]} {
    %mul3A = arith.constant 2 : i32
    %mul3A_0 = arith.muli %arg1, %mul3A : i32
    %add3A = arith.addi %mul3A_0, %arg0 : i32
    %mul3A_1 = arith.constant 51200 : i32
    %mul3A_2 = arith.muli %add3A, %mul3A_1 : i32
    %mul3A_3 = arith.constant 3128 : i32
    %mul3A_4 = arith.muli %arg1, %mul3A_3 : i32
    %mul3A_5 = arith.constant 3128 : i32
    %mul3A_6 = arith.muli %arg1, %mul3A_5 : i32
    "tpu.region"() ({
      %run_scoped3A = tpu.sem_alloc : memref<!tpu.dma_semaphore, #tpu.memory_space<semaphore_mem>>
      %dma_start3A_52 = arith.constant 0 : i32
      %dma_start3A_53 = tpu.memref_slice %arg7[%mul3A_6, %dma_start3A_52] : memref<50048x32xf32, #tpu.memory_space<vmem_shared>> -> memref<3128x32xf32, #tpu.memory_space<vmem_shared>>
      %dma_start3A_54 = arith.constant 0 : i32
      %dma_start3A_55 = tpu.memref_slice %arg5[%mul3A_4, %dma_start3A_54] : memref<50048x32xf32, #tpu.memory_space<hbm>> -> memref<3128x32xf32, #tpu.memory_space<hbm>>
      tpu.enqueue_dma source(%dma_start3A_55 : memref<3128x32xf32, #tpu.memory_space<hbm>>) target(%dma_start3A_53 : memref<3128x32xf32, #tpu.memory_space<vmem_shared>>) target_semaphore(%run_scoped3A : memref<!tpu.dma_semaphore, #tpu.memory_space<semaphore_mem>>)
      %dma_wait3A_56 = arith.constant 0 : i32
      %dma_wait3A_57 = tpu.memref_slice %arg7[%mul3A_6, %dma_wait3A_56] : memref<50048x32xf32, #tpu.memory_space<vmem_shared>> -> memref<3128x32xf32, #tpu.memory_space<vmem_shared>>
      %dma_wait3A_58 = arith.constant 0 : i32
      %dma_wait3A_59 = tpu.memref_slice %arg5[%mul3A_4, %dma_wait3A_58] : memref<50048x32xf32, #tpu.memory_space<hbm>> -> memref<3128x32xf32, #tpu.memory_space<hbm>>
      tpu.wait_dma2 semaphore(%run_scoped3A : memref<!tpu.dma_semaphore, #tpu.memory_space<semaphore_mem>>) src(%dma_wait3A_59 : memref<3128x32xf32, #tpu.memory_space<hbm>>) dst(%dma_wait3A_57 : memref<3128x32xf32, #tpu.memory_space<vmem_shared>>)
      tpu.yield
    }) : () -> ()
    %barrier3A = arith.constant 0 : index
    tpu.barrier barrier_id(%barrier3A)
    %add3A_7 = arith.constant 0 : i32
    %add3A_8 = arith.addi %mul3A_2, %add3A_7 : i32
    %dma_start3A = tpu.memref_slice %arg2[%add3A_8] : memref<1638400xi32, #tpu.memory_space<hbm>> -> memref<400xi32, #tpu.memory_space<hbm>>
    %dma_start3A_9 = tpu.memref_slice %arg2[%add3A_8] : memref<1638400xi32, #tpu.memory_space<hbm>> -> memref<400xi32, #tpu.memory_space<hbm>>
    tpu.enqueue_dma source(%dma_start3A_9 : memref<400xi32, #tpu.memory_space<hbm>>) target(%arg8 : memref<400xi32, #tpu.memory_space<vmem>>) target_semaphore(%arg14 : memref<!tpu.dma_semaphore, #tpu.memory_space<semaphore_mem>>)
    %add3A_10 = arith.constant 0 : i32
    %add3A_11 = arith.addi %mul3A_2, %add3A_10 : i32
    %dma_start3A_12 = tpu.memref_slice %arg3[%add3A_11] : memref<1638400xi32, #tpu.memory_space<hbm>> -> memref<400xi32, #tpu.memory_space<hbm>>
    %dma_start3A_13 = tpu.memref_slice %arg3[%add3A_11] : memref<1638400xi32, #tpu.memory_space<hbm>> -> memref<400xi32, #tpu.memory_space<hbm>>
    tpu.enqueue_dma source(%dma_start3A_13 : memref<400xi32, #tpu.memory_space<hbm>>) target(%arg10 : memref<400xi32, #tpu.memory_space<vmem>>) target_semaphore(%arg14 : memref<!tpu.dma_semaphore, #tpu.memory_space<semaphore_mem>>)
    %add3A_14 = arith.constant 400 : i32
    %add3A_15 = arith.addi %mul3A_2, %add3A_14 : i32
    %dma_start3A_16 = tpu.memref_slice %arg2[%add3A_15] : memref<1638400xi32, #tpu.memory_space<hbm>> -> memref<400xi32, #tpu.memory_space<hbm>>
    %dma_start3A_17 = tpu.memref_slice %arg2[%add3A_15] : memref<1638400xi32, #tpu.memory_space<hbm>> -> memref<400xi32, #tpu.memory_space<hbm>>
    tpu.enqueue_dma source(%dma_start3A_17 : memref<400xi32, #tpu.memory_space<hbm>>) target(%arg9 : memref<400xi32, #tpu.memory_space<vmem>>) target_semaphore(%arg15 : memref<!tpu.dma_semaphore, #tpu.memory_space<semaphore_mem>>)
    %add3A_18 = arith.constant 400 : i32
    %add3A_19 = arith.addi %mul3A_2, %add3A_18 : i32
    %dma_start3A_20 = tpu.memref_slice %arg3[%add3A_19] : memref<1638400xi32, #tpu.memory_space<hbm>> -> memref<400xi32, #tpu.memory_space<hbm>>
    %dma_start3A_21 = tpu.memref_slice %arg3[%add3A_19] : memref<1638400xi32, #tpu.memory_space<hbm>> -> memref<400xi32, #tpu.memory_space<hbm>>
    tpu.enqueue_dma source(%dma_start3A_21 : memref<400xi32, #tpu.memory_space<hbm>>) target(%arg11 : memref<400xi32, #tpu.memory_space<vmem>>) target_semaphore(%arg15 : memref<!tpu.dma_semaphore, #tpu.memory_space<semaphore_mem>>)
    %dma_wait3A = tpu.memref_slice %arg2[%mul3A_2] : memref<1638400xi32, #tpu.memory_space<hbm>> -> memref<400xi32, #tpu.memory_space<hbm>>
    %dma_wait3A_22 = tpu.memref_slice %arg2[%mul3A_2] : memref<1638400xi32, #tpu.memory_space<hbm>> -> memref<400xi32, #tpu.memory_space<hbm>>
    tpu.wait_dma2 semaphore(%arg14 : memref<!tpu.dma_semaphore, #tpu.memory_space<semaphore_mem>>) src(%dma_wait3A_22 : memref<400xi32, #tpu.memory_space<hbm>>) dst(%arg8 : memref<400xi32, #tpu.memory_space<vmem>>)
    %dma_wait3A_23 = tpu.memref_slice %arg3[%mul3A_2] : memref<1638400xi32, #tpu.memory_space<hbm>> -> memref<400xi32, #tpu.memory_space<hbm>>
    %dma_wait3A_24 = tpu.memref_slice %arg3[%mul3A_2] : memref<1638400xi32, #tpu.memory_space<hbm>> -> memref<400xi32, #tpu.memory_space<hbm>>
    tpu.wait_dma2 semaphore(%arg14 : memref<!tpu.dma_semaphore, #tpu.memory_space<semaphore_mem>>) src(%dma_wait3A_24 : memref<400xi32, #tpu.memory_space<hbm>>) dst(%arg10 : memref<400xi32, #tpu.memory_space<vmem>>)
    %dma_start3A_25 = arith.constant 0 : i32
    %dma_start3A_26 = arith.constant 0 : i32
    %dma_start3A_27 = tpu.memref_slice %arg4[%dma_start3A_25, %dma_start3A_26] : memref<50048x32xf32, #tpu.memory_space<hbm>> -> memref<50048x32xf32, #tpu.memory_space<hbm>>
    tpu.enqueue_indirect_dma source(%dma_start3A_27 : memref<50048x32xf32, #tpu.memory_space<hbm>>) target(%arg12 : memref<400x32xf32, #tpu.memory_space<vmem>>) offsets(%arg8 : memref<400xi32, #tpu.memory_space<vmem>>) semaphore(%arg16 : memref<!tpu.dma_semaphore, #tpu.memory_space<semaphore_mem>>)
    %scan3A = arith.constant 0 : i32
    %scan3A_28 = arith.constant 0 : i32
    %scan3A_29 = arith.constant 63 : i32
    %scan3A_30 = arith.addi %scan3A_28, %scan3A_29 : i32
    %scan3A_31 = arith.constant 1 : i32
    %scan3A_32 = scf.for %scan3A_52 = %scan3A_28 to %scan3A_30 step %scan3A_31 iter_args(%scan3A_53 = %scan3A) -> (i32)  : i32 {
      %mul3A_54 = arith.constant 2 : i32
      %mul3A_55 = arith.muli %scan3A_52, %mul3A_54 : i32
      %add3A_56 = arith.constant 0 : i32
      %add3A_57 = arith.addi %mul3A_55, %add3A_56 : i32
      %dma_wait3A_58 = arith.constant 0 : i32
      %dma_wait3A_59 = arith.constant 0 : i32
      %dma_wait3A_60 = tpu.memref_slice %arg4[%dma_wait3A_58, %dma_wait3A_59] : memref<50048x32xf32, #tpu.memory_space<hbm>> -> memref<50048x32xf32, #tpu.memory_space<hbm>>
      tpu.wait_indirect_dma semaphore(%arg16 : memref<!tpu.dma_semaphore, #tpu.memory_space<semaphore_mem>>) src(%dma_wait3A_60 : memref<50048x32xf32, #tpu.memory_space<hbm>>) dst(%arg12 : memref<400x32xf32, #tpu.memory_space<vmem>>)
      "tpu.region"() ({
        %run_scoped3A = tpu.sem_alloc : memref<!tpu.dma_semaphore, #tpu.memory_space<semaphore_mem>>
        %dma_start3A_105 = arith.constant 0 : i32
        %dma_start3A_106 = arith.constant 0 : i32
        %dma_start3A_107 = tpu.memref_slice %arg7[%dma_start3A_105, %dma_start3A_106] : memref<50048x32xf32, #tpu.memory_space<vmem_shared>> -> memref<50048x32xf32, #tpu.memory_space<vmem_shared>>
        tpu.enqueue_indirect_dma source(%arg12 : memref<400x32xf32, #tpu.memory_space<vmem>>) target(%dma_start3A_107 : memref<50048x32xf32, #tpu.memory_space<vmem_shared>>) offsets(%arg10 : memref<400xi32, #tpu.memory_space<vmem>>) semaphore(%run_scoped3A : memref<!tpu.dma_semaphore, #tpu.memory_space<semaphore_mem>>) {add = true}
        %dma_wait3A_108 = arith.constant 0 : i32
        %dma_wait3A_109 = arith.constant 0 : i32
        %dma_wait3A_110 = tpu.memref_slice %arg7[%dma_wait3A_108, %dma_wait3A_109] : memref<50048x32xf32, #tpu.memory_space<vmem_shared>> -> memref<50048x32xf32, #tpu.memory_space<vmem_shared>>
        tpu.wait_indirect_dma semaphore(%run_scoped3A : memref<!tpu.dma_semaphore, #tpu.memory_space<semaphore_mem>>) src(%arg12 : memref<400x32xf32, #tpu.memory_space<vmem>>) dst(%dma_wait3A_110 : memref<50048x32xf32, #tpu.memory_space<vmem_shared>>)
        tpu.yield
      }) : () -> ()
      %add3A_61 = arith.constant 2 : i32
      %add3A_62 = arith.addi %add3A_57, %add3A_61 : i32
      %mul3A_63 = arith.constant 400 : i32
      %mul3A_64 = arith.muli %add3A_62, %mul3A_63 : i32
      %add3A_65 = arith.addi %mul3A_2, %mul3A_64 : i32
      %dma_start3A_66 = tpu.memref_slice %arg2[%add3A_65] : memref<1638400xi32, #tpu.memory_space<hbm>> -> memref<400xi32, #tpu.memory_space<hbm>>
      %dma_start3A_67 = tpu.memref_slice %arg2[%add3A_65] : memref<1638400xi32, #tpu.memory_space<hbm>> -> memref<400xi32, #tpu.memory_space<hbm>>
      tpu.enqueue_dma source(%dma_start3A_67 : memref<400xi32, #tpu.memory_space<hbm>>) target(%arg8 : memref<400xi32, #tpu.memory_space<vmem>>) target_semaphore(%arg14 : memref<!tpu.dma_semaphore, #tpu.memory_space<semaphore_mem>>)
      %mul3A_68 = arith.constant 400 : i32
      %mul3A_69 = arith.muli %add3A_62, %mul3A_68 : i32
      %add3A_70 = arith.addi %mul3A_2, %mul3A_69 : i32
      %dma_start3A_71 = tpu.memref_slice %arg3[%add3A_70] : memref<1638400xi32, #tpu.memory_space<hbm>> -> memref<400xi32, #tpu.memory_space<hbm>>
      %dma_start3A_72 = tpu.memref_slice %arg3[%add3A_70] : memref<1638400xi32, #tpu.memory_space<hbm>> -> memref<400xi32, #tpu.memory_space<hbm>>
      tpu.enqueue_dma source(%dma_start3A_72 : memref<400xi32, #tpu.memory_space<hbm>>) target(%arg10 : memref<400xi32, #tpu.memory_space<vmem>>) target_semaphore(%arg14 : memref<!tpu.dma_semaphore, #tpu.memory_space<semaphore_mem>>)
      %dma_wait3A_73 = tpu.memref_slice %arg2[%mul3A_2] : memref<1638400xi32, #tpu.memory_space<hbm>> -> memref<400xi32, #tpu.memory_space<hbm>>
      %dma_wait3A_74 = tpu.memref_slice %arg2[%mul3A_2] : memref<1638400xi32, #tpu.memory_space<hbm>> -> memref<400xi32, #tpu.memory_space<hbm>>
      tpu.wait_dma2 semaphore(%arg15 : memref<!tpu.dma_semaphore, #tpu.memory_space<semaphore_mem>>) src(%dma_wait3A_74 : memref<400xi32, #tpu.memory_space<hbm>>) dst(%arg9 : memref<400xi32, #tpu.memory_space<vmem>>)
      %dma_wait3A_75 = tpu.memref_slice %arg3[%mul3A_2] : memref<1638400xi32, #tpu.memory_space<hbm>> -> memref<400xi32, #tpu.memory_space<hbm>>
      %dma_wait3A_76 = tpu.memref_slice %arg3[%mul3A_2] : memref<1638400xi32, #tpu.memory_space<hbm>> -> memref<400xi32, #tpu.memory_space<hbm>>
      tpu.wait_dma2 semaphore(%arg15 : memref<!tpu.dma_semaphore, #tpu.memory_space<semaphore_mem>>) src(%dma_wait3A_76 : memref<400xi32, #tpu.memory_space<hbm>>) dst(%arg11 : memref<400xi32, #tpu.memory_space<vmem>>)
      %dma_start3A_77 = arith.constant 0 : i32
      %dma_start3A_78 = arith.constant 0 : i32
      %dma_start3A_79 = tpu.memref_slice %arg4[%dma_start3A_77, %dma_start3A_78] : memref<50048x32xf32, #tpu.memory_space<hbm>> -> memref<50048x32xf32, #tpu.memory_space<hbm>>
      tpu.enqueue_indirect_dma source(%dma_start3A_79 : memref<50048x32xf32, #tpu.memory_space<hbm>>) target(%arg13 : memref<400x32xf32, #tpu.memory_space<vmem>>) offsets(%arg9 : memref<400xi32, #tpu.memory_space<vmem>>) semaphore(%arg17 : memref<!tpu.dma_semaphore, #tpu.memory_space<semaphore_mem>>)
      %add3A_80 = arith.constant 1 : i32
      %add3A_81 = arith.addi %mul3A_55, %add3A_80 : i32
      %dma_wait3A_82 = arith.constant 0 : i32
      %dma_wait3A_83 = arith.constant 0 : i32
      %dma_wait3A_84 = tpu.memref_slice %arg4[%dma_wait3A_82, %dma_wait3A_83] : memref<50048x32xf32, #tpu.memory_space<hbm>> -> memref<50048x32xf32, #tpu.memory_space<hbm>>
      tpu.wait_indirect_dma semaphore(%arg17 : memref<!tpu.dma_semaphore, #tpu.memory_space<semaphore_mem>>) src(%dma_wait3A_84 : memref<50048x32xf32, #tpu.memory_space<hbm>>) dst(%arg13 : memref<400x32xf32, #tpu.memory_space<vmem>>)
      "tpu.region"() ({
        %run_scoped3A = tpu.sem_alloc : memref<!tpu.dma_semaphore, #tpu.memory_space<semaphore_mem>>
        %dma_start3A_105 = arith.constant 0 : i32
        %dma_start3A_106 = arith.constant 0 : i32
        %dma_start3A_107 = tpu.memref_slice %arg7[%dma_start3A_105, %dma_start3A_106] : memref<50048x32xf32, #tpu.memory_space<vmem_shared>> -> memref<50048x32xf32, #tpu.memory_space<vmem_shared>>
        tpu.enqueue_indirect_dma source(%arg13 : memref<400x32xf32, #tpu.memory_space<vmem>>) target(%dma_start3A_107 : memref<50048x32xf32, #tpu.memory_space<vmem_shared>>) offsets(%arg11 : memref<400xi32, #tpu.memory_space<vmem>>) semaphore(%run_scoped3A : memref<!tpu.dma_semaphore, #tpu.memory_space<semaphore_mem>>) {add = true}
        %dma_wait3A_108 = arith.constant 0 : i32
        %dma_wait3A_109 = arith.constant 0 : i32
        %dma_wait3A_110 = tpu.memref_slice %arg7[%dma_wait3A_108, %dma_wait3A_109] : memref<50048x32xf32, #tpu.memory_space<vmem_shared>> -> memref<50048x32xf32, #tpu.memory_space<vmem_shared>>
        tpu.wait_indirect_dma semaphore(%run_scoped3A : memref<!tpu.dma_semaphore, #tpu.memory_space<semaphore_mem>>) src(%arg13 : memref<400x32xf32, #tpu.memory_space<vmem>>) dst(%dma_wait3A_110 : memref<50048x32xf32, #tpu.memory_space<vmem_shared>>)
        tpu.yield
      }) : () -> ()
      %add3A_85 = arith.constant 2 : i32
      %add3A_86 = arith.addi %add3A_81, %add3A_85 : i32
      %mul3A_87 = arith.constant 400 : i32
      %mul3A_88 = arith.muli %add3A_86, %mul3A_87 : i32
      %add3A_89 = arith.addi %mul3A_2, %mul3A_88 : i32
      %dma_start3A_90 = tpu.memref_slice %arg2[%add3A_89] : memref<1638400xi32, #tpu.memory_space<hbm>> -> memref<400xi32, #tpu.memory_space<hbm>>
      %dma_start3A_91 = tpu.memref_slice %arg2[%add3A_89] : memref<1638400xi32, #tpu.memory_space<hbm>> -> memref<400xi32, #tpu.memory_space<hbm>>
      tpu.enqueue_dma source(%dma_start3A_91 : memref<400xi32, #tpu.memory_space<hbm>>) target(%arg9 : memref<400xi32, #tpu.memory_space<vmem>>) target_semaphore(%arg15 : memref<!tpu.dma_semaphore, #tpu.memory_space<semaphore_mem>>)
      %mul3A_92 = arith.constant 400 : i32
      %mul3A_93 = arith.muli %add3A_86, %mul3A_92 : i32
      %add3A_94 = arith.addi %mul3A_2, %mul3A_93 : i32
      %dma_start3A_95 = tpu.memref_slice %arg3[%add3A_94] : memref<1638400xi32, #tpu.memory_space<hbm>> -> memref<400xi32, #tpu.memory_space<hbm>>
      %dma_start3A_96 = tpu.memref_slice %arg3[%add3A_94] : memref<1638400xi32, #tpu.memory_space<hbm>> -> memref<400xi32, #tpu.memory_space<hbm>>
      tpu.enqueue_dma source(%dma_start3A_96 : memref<400xi32, #tpu.memory_space<hbm>>) target(%arg11 : memref<400xi32, #tpu.memory_space<vmem>>) target_semaphore(%arg15 : memref<!tpu.dma_semaphore, #tpu.memory_space<semaphore_mem>>)
      %dma_wait3A_97 = tpu.memref_slice %arg2[%mul3A_2] : memref<1638400xi32, #tpu.memory_space<hbm>> -> memref<400xi32, #tpu.memory_space<hbm>>
      %dma_wait3A_98 = tpu.memref_slice %arg2[%mul3A_2] : memref<1638400xi32, #tpu.memory_space<hbm>> -> memref<400xi32, #tpu.memory_space<hbm>>
      tpu.wait_dma2 semaphore(%arg14 : memref<!tpu.dma_semaphore, #tpu.memory_space<semaphore_mem>>) src(%dma_wait3A_98 : memref<400xi32, #tpu.memory_space<hbm>>) dst(%arg8 : memref<400xi32, #tpu.memory_space<vmem>>)
      %dma_wait3A_99 = tpu.memref_slice %arg3[%mul3A_2] : memref<1638400xi32, #tpu.memory_space<hbm>> -> memref<400xi32, #tpu.memory_space<hbm>>
      %dma_wait3A_100 = tpu.memref_slice %arg3[%mul3A_2] : memref<1638400xi32, #tpu.memory_space<hbm>> -> memref<400xi32, #tpu.memory_space<hbm>>
      tpu.wait_dma2 semaphore(%arg14 : memref<!tpu.dma_semaphore, #tpu.memory_space<semaphore_mem>>) src(%dma_wait3A_100 : memref<400xi32, #tpu.memory_space<hbm>>) dst(%arg10 : memref<400xi32, #tpu.memory_space<vmem>>)
      %dma_start3A_101 = arith.constant 0 : i32
      %dma_start3A_102 = arith.constant 0 : i32
      %dma_start3A_103 = tpu.memref_slice %arg4[%dma_start3A_101, %dma_start3A_102] : memref<50048x32xf32, #tpu.memory_space<hbm>> -> memref<50048x32xf32, #tpu.memory_space<hbm>>
      tpu.enqueue_indirect_dma source(%dma_start3A_103 : memref<50048x32xf32, #tpu.memory_space<hbm>>) target(%arg12 : memref<400x32xf32, #tpu.memory_space<vmem>>) offsets(%arg8 : memref<400xi32, #tpu.memory_space<vmem>>) semaphore(%arg16 : memref<!tpu.dma_semaphore, #tpu.memory_space<semaphore_mem>>)
      %scan3A_104 = arith.constant 0 : i32
      scf.yield %scan3A_104 : i32
    }
    %scan3A_33 = arith.constant 63 : i32
    %dma_wait3A_34 = arith.constant 0 : i32
    %dma_wait3A_35 = arith.constant 0 : i32
    %dma_wait3A_36 = tpu.memref_slice %arg4[%dma_wait3A_34, %dma_wait3A_35] : memref<50048x32xf32, #tpu.memory_space<hbm>> -> memref<50048x32xf32, #tpu.memory_space<hbm>>
    tpu.wait_indirect_dma semaphore(%arg16 : memref<!tpu.dma_semaphore, #tpu.memory_space<semaphore_mem>>) src(%dma_wait3A_36 : memref<50048x32xf32, #tpu.memory_space<hbm>>) dst(%arg12 : memref<400x32xf32, #tpu.memory_space<vmem>>)
    "tpu.region"() ({
      %run_scoped3A = tpu.sem_alloc : memref<!tpu.dma_semaphore, #tpu.memory_space<semaphore_mem>>
      %dma_start3A_52 = arith.constant 0 : i32
      %dma_start3A_53 = arith.constant 0 : i32
      %dma_start3A_54 = tpu.memref_slice %arg7[%dma_start3A_52, %dma_start3A_53] : memref<50048x32xf32, #tpu.memory_space<vmem_shared>> -> memref<50048x32xf32, #tpu.memory_space<vmem_shared>>
      tpu.enqueue_indirect_dma source(%arg12 : memref<400x32xf32, #tpu.memory_space<vmem>>) target(%dma_start3A_54 : memref<50048x32xf32, #tpu.memory_space<vmem_shared>>) offsets(%arg10 : memref<400xi32, #tpu.memory_space<vmem>>) semaphore(%run_scoped3A : memref<!tpu.dma_semaphore, #tpu.memory_space<semaphore_mem>>) {add = true}
      %dma_wait3A_55 = arith.constant 0 : i32
      %dma_wait3A_56 = arith.constant 0 : i32
      %dma_wait3A_57 = tpu.memref_slice %arg7[%dma_wait3A_55, %dma_wait3A_56] : memref<50048x32xf32, #tpu.memory_space<vmem_shared>> -> memref<50048x32xf32, #tpu.memory_space<vmem_shared>>
      tpu.wait_indirect_dma semaphore(%run_scoped3A : memref<!tpu.dma_semaphore, #tpu.memory_space<semaphore_mem>>) src(%arg12 : memref<400x32xf32, #tpu.memory_space<vmem>>) dst(%dma_wait3A_57 : memref<50048x32xf32, #tpu.memory_space<vmem_shared>>)
      tpu.yield
    }) : () -> ()
    %dma_wait3A_37 = tpu.memref_slice %arg2[%mul3A_2] : memref<1638400xi32, #tpu.memory_space<hbm>> -> memref<400xi32, #tpu.memory_space<hbm>>
    %dma_wait3A_38 = tpu.memref_slice %arg2[%mul3A_2] : memref<1638400xi32, #tpu.memory_space<hbm>> -> memref<400xi32, #tpu.memory_space<hbm>>
    tpu.wait_dma2 semaphore(%arg15 : memref<!tpu.dma_semaphore, #tpu.memory_space<semaphore_mem>>) src(%dma_wait3A_38 : memref<400xi32, #tpu.memory_space<hbm>>) dst(%arg9 : memref<400xi32, #tpu.memory_space<vmem>>)
    %dma_wait3A_39 = tpu.memref_slice %arg3[%mul3A_2] : memref<1638400xi32, #tpu.memory_space<hbm>> -> memref<400xi32, #tpu.memory_space<hbm>>
    %dma_wait3A_40 = tpu.memref_slice %arg3[%mul3A_2] : memref<1638400xi32, #tpu.memory_space<hbm>> -> memref<400xi32, #tpu.memory_space<hbm>>
    tpu.wait_dma2 semaphore(%arg15 : memref<!tpu.dma_semaphore, #tpu.memory_space<semaphore_mem>>) src(%dma_wait3A_40 : memref<400xi32, #tpu.memory_space<hbm>>) dst(%arg11 : memref<400xi32, #tpu.memory_space<vmem>>)
    %dma_start3A_41 = arith.constant 0 : i32
    %dma_start3A_42 = arith.constant 0 : i32
    %dma_start3A_43 = tpu.memref_slice %arg4[%dma_start3A_41, %dma_start3A_42] : memref<50048x32xf32, #tpu.memory_space<hbm>> -> memref<50048x32xf32, #tpu.memory_space<hbm>>
    tpu.enqueue_indirect_dma source(%dma_start3A_43 : memref<50048x32xf32, #tpu.memory_space<hbm>>) target(%arg13 : memref<400x32xf32, #tpu.memory_space<vmem>>) offsets(%arg9 : memref<400xi32, #tpu.memory_space<vmem>>) semaphore(%arg17 : memref<!tpu.dma_semaphore, #tpu.memory_space<semaphore_mem>>)
    %dma_wait3A_44 = arith.constant 0 : i32
    %dma_wait3A_45 = arith.constant 0 : i32
    %dma_wait3A_46 = tpu.memref_slice %arg4[%dma_wait3A_44, %dma_wait3A_45] : memref<50048x32xf32, #tpu.memory_space<hbm>> -> memref<50048x32xf32, #tpu.memory_space<hbm>>
    tpu.wait_indirect_dma semaphore(%arg17 : memref<!tpu.dma_semaphore, #tpu.memory_space<semaphore_mem>>) src(%dma_wait3A_46 : memref<50048x32xf32, #tpu.memory_space<hbm>>) dst(%arg13 : memref<400x32xf32, #tpu.memory_space<vmem>>)
    "tpu.region"() ({
      %run_scoped3A = tpu.sem_alloc : memref<!tpu.dma_semaphore, #tpu.memory_space<semaphore_mem>>
      %dma_start3A_52 = arith.constant 0 : i32
      %dma_start3A_53 = arith.constant 0 : i32
      %dma_start3A_54 = tpu.memref_slice %arg7[%dma_start3A_52, %dma_start3A_53] : memref<50048x32xf32, #tpu.memory_space<vmem_shared>> -> memref<50048x32xf32, #tpu.memory_space<vmem_shared>>
      tpu.enqueue_indirect_dma source(%arg13 : memref<400x32xf32, #tpu.memory_space<vmem>>) target(%dma_start3A_54 : memref<50048x32xf32, #tpu.memory_space<vmem_shared>>) offsets(%arg11 : memref<400xi32, #tpu.memory_space<vmem>>) semaphore(%run_scoped3A : memref<!tpu.dma_semaphore, #tpu.memory_space<semaphore_mem>>) {add = true}
      %dma_wait3A_55 = arith.constant 0 : i32
      %dma_wait3A_56 = arith.constant 0 : i32
      %dma_wait3A_57 = tpu.memref_slice %arg7[%dma_wait3A_55, %dma_wait3A_56] : memref<50048x32xf32, #tpu.memory_space<vmem_shared>> -> memref<50048x32xf32, #tpu.memory_space<vmem_shared>>
      tpu.wait_indirect_dma semaphore(%run_scoped3A : memref<!tpu.dma_semaphore, #tpu.memory_space<semaphore_mem>>) src(%arg13 : memref<400x32xf32, #tpu.memory_space<vmem>>) dst(%dma_wait3A_57 : memref<50048x32xf32, #tpu.memory_space<vmem_shared>>)
      tpu.yield
    }) : () -> ()
    %barrier3A_47 = arith.constant 0 : index
    tpu.barrier barrier_id(%barrier3A_47)
    %mul3A_48 = arith.constant 3128 : i32
    %mul3A_49 = arith.muli %arg1, %mul3A_48 : i32
    %mul3A_50 = arith.constant 3128 : i32
    %mul3A_51 = arith.muli %arg1, %mul3A_50 : i32
    "tpu.region"() ({
      %run_scoped3A = tpu.sem_alloc : memref<!tpu.dma_semaphore, #tpu.memory_space<semaphore_mem>>
      %dma_start3A_52 = arith.constant 0 : i32
      %dma_start3A_53 = tpu.memref_slice %arg6[%arg0, %mul3A_51, %dma_start3A_52] : memref<2x50048x32xf32, #tpu.memory_space<hbm>> -> memref<1x3128x32xf32, #tpu.memory_space<hbm>>
      %dma_start3A_54 = tpu.memref_squeeze %dma_start3A_53 : memref<1x3128x32xf32, #tpu.memory_space<hbm>> -> memref<3128x32xf32, #tpu.memory_space<hbm>>
      %dma_start3A_55 = arith.constant 0 : i32
      %dma_start3A_56 = tpu.memref_slice %arg7[%mul3A_49, %dma_start3A_55] : memref<50048x32xf32, #tpu.memory_space<vmem_shared>> -> memref<3128x32xf32, #tpu.memory_space<vmem_shared>>
      tpu.enqueue_dma source(%dma_start3A_56 : memref<3128x32xf32, #tpu.memory_space<vmem_shared>>) target(%dma_start3A_54 : memref<3128x32xf32, #tpu.memory_space<hbm>>) target_semaphore(%run_scoped3A : memref<!tpu.dma_semaphore, #tpu.memory_space<semaphore_mem>>)
      %dma_wait3A_57 = arith.constant 0 : i32
      %dma_wait3A_58 = tpu.memref_slice %arg6[%arg0, %mul3A_51, %dma_wait3A_57] : memref<2x50048x32xf32, #tpu.memory_space<hbm>> -> memref<1x3128x32xf32, #tpu.memory_space<hbm>>
      %dma_wait3A_59 = tpu.memref_squeeze %dma_wait3A_58 : memref<1x3128x32xf32, #tpu.memory_space<hbm>> -> memref<3128x32xf32, #tpu.memory_space<hbm>>
      %dma_wait3A_60 = arith.constant 0 : i32
      %dma_wait3A_61 = tpu.memref_slice %arg7[%mul3A_49, %dma_wait3A_60] : memref<50048x32xf32, #tpu.memory_space<vmem_shared>> -> memref<3128x32xf32, #tpu.memory_space<vmem_shared>>
      tpu.wait_dma2 semaphore(%run_scoped3A : memref<!tpu.dma_semaphore, #tpu.memory_space<semaphore_mem>>) src(%dma_wait3A_61 : memref<3128x32xf32, #tpu.memory_space<vmem_shared>>) dst(%dma_wait3A_59 : memref<3128x32xf32, #tpu.memory_space<hbm>>)
      tpu.yield
    }) : () -> ()
    return
  }
}

#map = affine_map<(d0, d1) -> (0)>
module attributes {stable_mosaic.version = 14 : i64} {
  func.func @_k_deg(%arg0: i32, %arg1: i32, %arg2: memref<1638400xi32, #tpu.memory_space<hbm>>, %arg3: memref<400xf32, #tpu.memory_space<hbm>>, %arg4: memref<50048xf32, #tpu.memory_space<hbm>>, %arg5: memref<100096xf32, #tpu.memory_space<hbm>>, %arg6: memref<50048xf32, #tpu.memory_space<vmem_shared>>, %arg7: memref<400xi32, #tpu.memory_space<vmem>>, %arg8: memref<400xi32, #tpu.memory_space<vmem>>, %arg9: memref<400xf32, #tpu.memory_space<vmem>>, %arg10: memref<!tpu.dma_semaphore, #tpu.memory_space<semaphore_mem>>, %arg11: memref<!tpu.dma_semaphore, #tpu.memory_space<semaphore_mem>>) attributes {dimension_semantics = [#tpu.dimension_semantics<core_parallel>, #tpu.dimension_semantics<subcore_parallel>], iteration_bounds = array<i64: 2, 16>, scalar_prefetch = 0 : i64, scratch_operands = 6 : i64, tpu.core_type = #tpu.core_type<sc_vector_subcore>, window_params = [{transform_indices = #map}, {transform_indices = #map}, {transform_indices = #map}, {transform_indices = #map}]} {
    %mul3A = arith.constant 2 : i32
    %mul3A_0 = arith.muli %arg1, %mul3A : i32
    %add3A = arith.addi %mul3A_0, %arg0 : i32
    %mul3A_1 = arith.constant 51200 : i32
    %mul3A_2 = arith.muli %add3A, %mul3A_1 : i32
    %mul3A_3 = arith.constant 3128 : i32
    %mul3A_4 = arith.muli %arg1, %mul3A_3 : i32
    %mul3A_5 = arith.constant 3128 : i32
    %mul3A_6 = arith.muli %arg1, %mul3A_5 : i32
    "tpu.region"() ({
      %run_scoped3A = tpu.sem_alloc : memref<!tpu.dma_semaphore, #tpu.memory_space<semaphore_mem>>
      %dma_start3A_28 = tpu.memref_slice %arg6[%mul3A_6] : memref<50048xf32, #tpu.memory_space<vmem_shared>> -> memref<3128xf32, #tpu.memory_space<vmem_shared>>
      %dma_start3A_29 = tpu.memref_slice %arg4[%mul3A_4] : memref<50048xf32, #tpu.memory_space<hbm>> -> memref<3128xf32, #tpu.memory_space<hbm>>
      tpu.enqueue_dma source(%dma_start3A_29 : memref<3128xf32, #tpu.memory_space<hbm>>) target(%dma_start3A_28 : memref<3128xf32, #tpu.memory_space<vmem_shared>>) target_semaphore(%run_scoped3A : memref<!tpu.dma_semaphore, #tpu.memory_space<semaphore_mem>>)
      %dma_wait3A = tpu.memref_slice %arg6[%mul3A_6] : memref<50048xf32, #tpu.memory_space<vmem_shared>> -> memref<3128xf32, #tpu.memory_space<vmem_shared>>
      %dma_wait3A_30 = tpu.memref_slice %arg4[%mul3A_4] : memref<50048xf32, #tpu.memory_space<hbm>> -> memref<3128xf32, #tpu.memory_space<hbm>>
      tpu.wait_dma2 semaphore(%run_scoped3A : memref<!tpu.dma_semaphore, #tpu.memory_space<semaphore_mem>>) src(%dma_wait3A_30 : memref<3128xf32, #tpu.memory_space<hbm>>) dst(%dma_wait3A : memref<3128xf32, #tpu.memory_space<vmem_shared>>)
      tpu.yield
    }) : () -> ()
    "tpu.region"() ({
      %run_scoped3A = tpu.sem_alloc : memref<!tpu.dma_semaphore, #tpu.memory_space<semaphore_mem>>
      tpu.enqueue_dma source(%arg3 : memref<400xf32, #tpu.memory_space<hbm>>) target(%arg9 : memref<400xf32, #tpu.memory_space<vmem>>) target_semaphore(%run_scoped3A : memref<!tpu.dma_semaphore, #tpu.memory_space<semaphore_mem>>)
      tpu.wait_dma2 semaphore(%run_scoped3A : memref<!tpu.dma_semaphore, #tpu.memory_space<semaphore_mem>>) src(%arg3 : memref<400xf32, #tpu.memory_space<hbm>>) dst(%arg9 : memref<400xf32, #tpu.memory_space<vmem>>)
      tpu.yield
    }) : () -> ()
    %barrier3A = arith.constant 0 : index
    tpu.barrier barrier_id(%barrier3A)
    %add3A_7 = arith.constant 0 : i32
    %add3A_8 = arith.addi %mul3A_2, %add3A_7 : i32
    %dma_start3A = tpu.memref_slice %arg2[%add3A_8] : memref<1638400xi32, #tpu.memory_space<hbm>> -> memref<400xi32, #tpu.memory_space<hbm>>
    %dma_start3A_9 = tpu.memref_slice %arg2[%add3A_8] : memref<1638400xi32, #tpu.memory_space<hbm>> -> memref<400xi32, #tpu.memory_space<hbm>>
    tpu.enqueue_dma source(%dma_start3A_9 : memref<400xi32, #tpu.memory_space<hbm>>) target(%arg7 : memref<400xi32, #tpu.memory_space<vmem>>) target_semaphore(%arg10 : memref<!tpu.dma_semaphore, #tpu.memory_space<semaphore_mem>>)
    %add3A_10 = arith.constant 400 : i32
    %add3A_11 = arith.addi %mul3A_2, %add3A_10 : i32
    %dma_start3A_12 = tpu.memref_slice %arg2[%add3A_11] : memref<1638400xi32, #tpu.memory_space<hbm>> -> memref<400xi32, #tpu.memory_space<hbm>>
    %dma_start3A_13 = tpu.memref_slice %arg2[%add3A_11] : memref<1638400xi32, #tpu.memory_space<hbm>> -> memref<400xi32, #tpu.memory_space<hbm>>
    tpu.enqueue_dma source(%dma_start3A_13 : memref<400xi32, #tpu.memory_space<hbm>>) target(%arg8 : memref<400xi32, #tpu.memory_space<vmem>>) target_semaphore(%arg11 : memref<!tpu.dma_semaphore, #tpu.memory_space<semaphore_mem>>)
    %scan3A = arith.constant 0 : i32
    %scan3A_14 = arith.constant 0 : i32
    %scan3A_15 = arith.constant 64 : i32
    %scan3A_16 = arith.addi %scan3A_14, %scan3A_15 : i32
    %scan3A_17 = arith.constant 1 : i32
    %scan3A_18 = scf.for %scan3A_28 = %scan3A_14 to %scan3A_16 step %scan3A_17 iter_args(%scan3A_29 = %scan3A) -> (i32)  : i32 {
      %mul3A_30 = arith.constant 2 : i32
      %mul3A_31 = arith.muli %mul3A_30, %scan3A_28 : i32
      %add3A_32 = arith.constant 0 : i32
      %add3A_33 = arith.addi %mul3A_31, %add3A_32 : i32
      %dma_wait3A = tpu.memref_slice %arg2[%mul3A_2] : memref<1638400xi32, #tpu.memory_space<hbm>> -> memref<400xi32, #tpu.memory_space<hbm>>
      %dma_wait3A_34 = tpu.memref_slice %arg2[%mul3A_2] : memref<1638400xi32, #tpu.memory_space<hbm>> -> memref<400xi32, #tpu.memory_space<hbm>>
      tpu.wait_dma2 semaphore(%arg10 : memref<!tpu.dma_semaphore, #tpu.memory_space<semaphore_mem>>) src(%dma_wait3A_34 : memref<400xi32, #tpu.memory_space<hbm>>) dst(%arg7 : memref<400xi32, #tpu.memory_space<vmem>>)
      "tpu.region"() ({
        %run_scoped3A = tpu.sem_alloc : memref<!tpu.dma_semaphore, #tpu.memory_space<semaphore_mem>>
        %dma_start3A_53 = arith.constant 0 : i32
        %dma_start3A_54 = tpu.memref_slice %arg6[%dma_start3A_53] : memref<50048xf32, #tpu.memory_space<vmem_shared>> -> memref<50048xf32, #tpu.memory_space<vmem_shared>>
        tpu.enqueue_indirect_dma source(%arg9 : memref<400xf32, #tpu.memory_space<vmem>>) target(%dma_start3A_54 : memref<50048xf32, #tpu.memory_space<vmem_shared>>) offsets(%arg7 : memref<400xi32, #tpu.memory_space<vmem>>) semaphore(%run_scoped3A : memref<!tpu.dma_semaphore, #tpu.memory_space<semaphore_mem>>) {add = true}
        %dma_wait3A_55 = arith.constant 0 : i32
        %dma_wait3A_56 = tpu.memref_slice %arg6[%dma_wait3A_55] : memref<50048xf32, #tpu.memory_space<vmem_shared>> -> memref<50048xf32, #tpu.memory_space<vmem_shared>>
        tpu.wait_indirect_dma semaphore(%run_scoped3A : memref<!tpu.dma_semaphore, #tpu.memory_space<semaphore_mem>>) src(%arg9 : memref<400xf32, #tpu.memory_space<vmem>>) dst(%dma_wait3A_56 : memref<50048xf32, #tpu.memory_space<vmem_shared>>)
        tpu.yield
      }) : () -> ()
      %add3A_35 = arith.constant 2 : i32
      %add3A_36 = arith.addi %add3A_33, %add3A_35 : i32
      %lt3A = arith.constant 128 : i32
      %lt3A_37 = arith.cmpi slt, %add3A_36, %lt3A : i32
      %convert_element_type3A = arith.extui %lt3A_37 : i1 to i32
      %cond3A = arith.constant 0 : i32
      %cond3A_38 = arith.cmpi ne, %convert_element_type3A, %cond3A : i32
      scf.if %cond3A_38 {
        %add3A_53 = arith.constant 2 : i32
        %add3A_54 = arith.addi %add3A_33, %add3A_53 : i32
        %mul3A_55 = arith.constant 400 : i32
        %mul3A_56 = arith.muli %add3A_54, %mul3A_55 : i32
        %add3A_57 = arith.addi %mul3A_2, %mul3A_56 : i32
        %dma_start3A_58 = tpu.memref_slice %arg2[%add3A_57] : memref<1638400xi32, #tpu.memory_space<hbm>> -> memref<400xi32, #tpu.memory_space<hbm>>
        %dma_start3A_59 = tpu.memref_slice %arg2[%add3A_57] : memref<1638400xi32, #tpu.memory_space<hbm>> -> memref<400xi32, #tpu.memory_space<hbm>>
        tpu.enqueue_dma source(%dma_start3A_59 : memref<400xi32, #tpu.memory_space<hbm>>) target(%arg7 : memref<400xi32, #tpu.memory_space<vmem>>) target_semaphore(%arg10 : memref<!tpu.dma_semaphore, #tpu.memory_space<semaphore_mem>>)
      } else {
      }
      %mul3A_39 = arith.constant 2 : i32
      %mul3A_40 = arith.muli %mul3A_39, %scan3A_28 : i32
      %add3A_41 = arith.constant 1 : i32
      %add3A_42 = arith.addi %mul3A_40, %add3A_41 : i32
      %dma_wait3A_43 = tpu.memref_slice %arg2[%mul3A_2] : memref<1638400xi32, #tpu.memory_space<hbm>> -> memref<400xi32, #tpu.memory_space<hbm>>
      %dma_wait3A_44 = tpu.memref_slice %arg2[%mul3A_2] : memref<1638400xi32, #tpu.memory_space<hbm>> -> memref<400xi32, #tpu.memory_space<hbm>>
      tpu.wait_dma2 semaphore(%arg11 : memref<!tpu.dma_semaphore, #tpu.memory_space<semaphore_mem>>) src(%dma_wait3A_44 : memref<400xi32, #tpu.memory_space<hbm>>) dst(%arg8 : memref<400xi32, #tpu.memory_space<vmem>>)
      "tpu.region"() ({
        %run_scoped3A = tpu.sem_alloc : memref<!tpu.dma_semaphore, #tpu.memory_space<semaphore_mem>>
        %dma_start3A_53 = arith.constant 0 : i32
        %dma_start3A_54 = tpu.memref_slice %arg6[%dma_start3A_53] : memref<50048xf32, #tpu.memory_space<vmem_shared>> -> memref<50048xf32, #tpu.memory_space<vmem_shared>>
        tpu.enqueue_indirect_dma source(%arg9 : memref<400xf32, #tpu.memory_space<vmem>>) target(%dma_start3A_54 : memref<50048xf32, #tpu.memory_space<vmem_shared>>) offsets(%arg8 : memref<400xi32, #tpu.memory_space<vmem>>) semaphore(%run_scoped3A : memref<!tpu.dma_semaphore, #tpu.memory_space<semaphore_mem>>) {add = true}
        %dma_wait3A_55 = arith.constant 0 : i32
        %dma_wait3A_56 = tpu.memref_slice %arg6[%dma_wait3A_55] : memref<50048xf32, #tpu.memory_space<vmem_shared>> -> memref<50048xf32, #tpu.memory_space<vmem_shared>>
        tpu.wait_indirect_dma semaphore(%run_scoped3A : memref<!tpu.dma_semaphore, #tpu.memory_space<semaphore_mem>>) src(%arg9 : memref<400xf32, #tpu.memory_space<vmem>>) dst(%dma_wait3A_56 : memref<50048xf32, #tpu.memory_space<vmem_shared>>)
        tpu.yield
      }) : () -> ()
      %add3A_45 = arith.constant 2 : i32
      %add3A_46 = arith.addi %add3A_42, %add3A_45 : i32
      %lt3A_47 = arith.constant 128 : i32
      %lt3A_48 = arith.cmpi slt, %add3A_46, %lt3A_47 : i32
      %convert_element_type3A_49 = arith.extui %lt3A_48 : i1 to i32
      %cond3A_50 = arith.constant 0 : i32
      %cond3A_51 = arith.cmpi ne, %convert_element_type3A_49, %cond3A_50 : i32
      scf.if %cond3A_51 {
        %add3A_53 = arith.constant 2 : i32
        %add3A_54 = arith.addi %add3A_42, %add3A_53 : i32
        %mul3A_55 = arith.constant 400 : i32
        %mul3A_56 = arith.muli %add3A_54, %mul3A_55 : i32
        %add3A_57 = arith.addi %mul3A_2, %mul3A_56 : i32
        %dma_start3A_58 = tpu.memref_slice %arg2[%add3A_57] : memref<1638400xi32, #tpu.memory_space<hbm>> -> memref<400xi32, #tpu.memory_space<hbm>>
        %dma_start3A_59 = tpu.memref_slice %arg2[%add3A_57] : memref<1638400xi32, #tpu.memory_space<hbm>> -> memref<400xi32, #tpu.memory_space<hbm>>
        tpu.enqueue_dma source(%dma_start3A_59 : memref<400xi32, #tpu.memory_space<hbm>>) target(%arg8 : memref<400xi32, #tpu.memory_space<vmem>>) target_semaphore(%arg11 : memref<!tpu.dma_semaphore, #tpu.memory_space<semaphore_mem>>)
      } else {
      }
      %scan3A_52 = arith.constant 0 : i32
      scf.yield %scan3A_52 : i32
    }
    %scan3A_19 = arith.constant 64 : i32
    %barrier3A_20 = arith.constant 0 : index
    tpu.barrier barrier_id(%barrier3A_20)
    %mul3A_21 = arith.constant 3128 : i32
    %mul3A_22 = arith.muli %arg1, %mul3A_21 : i32
    %mul3A_23 = arith.constant 50048 : i32
    %mul3A_24 = arith.muli %arg0, %mul3A_23 : i32
    %mul3A_25 = arith.constant 3128 : i32
    %mul3A_26 = arith.muli %arg1, %mul3A_25 : i32
    %add3A_27 = arith.addi %mul3A_24, %mul3A_26 : i32
    "tpu.region"() ({
      %run_scoped3A = tpu.sem_alloc : memref<!tpu.dma_semaphore, #tpu.memory_space<semaphore_mem>>
      %dma_start3A_28 = tpu.memref_slice %arg5[%add3A_27] : memref<100096xf32, #tpu.memory_space<hbm>> -> memref<3128xf32, #tpu.memory_space<hbm>>
      %dma_start3A_29 = tpu.memref_slice %arg6[%mul3A_22] : memref<50048xf32, #tpu.memory_space<vmem_shared>> -> memref<3128xf32, #tpu.memory_space<vmem_shared>>
      tpu.enqueue_dma source(%dma_start3A_29 : memref<3128xf32, #tpu.memory_space<vmem_shared>>) target(%dma_start3A_28 : memref<3128xf32, #tpu.memory_space<hbm>>) target_semaphore(%run_scoped3A : memref<!tpu.dma_semaphore, #tpu.memory_space<semaphore_mem>>)
      %dma_wait3A = tpu.memref_slice %arg5[%add3A_27] : memref<100096xf32, #tpu.memory_space<hbm>> -> memref<3128xf32, #tpu.memory_space<hbm>>
      %dma_wait3A_30 = tpu.memref_slice %arg6[%mul3A_22] : memref<50048xf32, #tpu.memory_space<vmem_shared>> -> memref<3128xf32, #tpu.memory_space<vmem_shared>>
      tpu.wait_dma2 semaphore(%run_scoped3A : memref<!tpu.dma_semaphore, #tpu.memory_space<semaphore_mem>>) src(%dma_wait3A_30 : memref<3128xf32, #tpu.memory_space<vmem_shared>>) dst(%dma_wait3A : memref<3128xf32, #tpu.memory_space<hbm>>)
      tpu.yield
    }) : () -> ()
    return
  }
}

#map = affine_map<(d0, d1) -> (0)>
#map1 = affine_map<(d0, d1) -> (0, 0)>
#map2 = affine_map<(d0, d1) -> (0, 0, 0)>
module attributes {stable_mosaic.version = 14 : i64} {
  func.func @_k_layer(%arg0: i32, %arg1: i32, %arg2: memref<1638400xi32, #tpu.memory_space<hbm>>, %arg3: memref<1638400xi32, #tpu.memory_space<hbm>>, %arg4: memref<50048x32xf32, #tpu.memory_space<hbm>>, %arg5: memref<50048x32xf32, #tpu.memory_space<hbm>>, %arg6: memref<2x50048x32xf32, #tpu.memory_space<hbm>>, %arg7: memref<50048x32xf32, #tpu.memory_space<vmem_shared>>, %arg8: memref<400xi32, #tpu.memory_space<vmem>>, %arg9: memref<400xi32, #tpu.memory_space<vmem>>, %arg10: memref<400xi32, #tpu.memory_space<vmem>>, %arg11: memref<400xi32, #tpu.memory_space<vmem>>, %arg12: memref<400x32xf32, #tpu.memory_space<vmem>>, %arg13: memref<400x32xf32, #tpu.memory_space<vmem>>, %arg14: memref<!tpu.dma_semaphore, #tpu.memory_space<semaphore_mem>>, %arg15: memref<!tpu.dma_semaphore, #tpu.memory_space<semaphore_mem>>, %arg16: memref<!tpu.dma_semaphore, #tpu.memory_space<semaphore_mem>>, %arg17: memref<!tpu.dma_semaphore, #tpu.memory_space<semaphore_mem>>) attributes {dimension_semantics = [#tpu.dimension_semantics<core_parallel>, #tpu.dimension_semantics<subcore_parallel>], iteration_bounds = array<i64: 2, 16>, scalar_prefetch = 0 : i64, scratch_operands = 11 : i64, tpu.core_type = #tpu.core_type<sc_vector_subcore>, window_params = [{transform_indices = #map}, {transform_indices = #map}, {transform_indices = #map1}, {transform_indices = #map1}, {transform_indices = #map2}]} {
    %mul3A = arith.constant 2 : i32
    %mul3A_0 = arith.muli %arg1, %mul3A : i32
    %add3A = arith.addi %mul3A_0, %arg0 : i32
    %mul3A_1 = arith.constant 51200 : i32
    %mul3A_2 = arith.muli %add3A, %mul3A_1 : i32
    %mul3A_3 = arith.constant 3128 : i32
    %mul3A_4 = arith.muli %arg1, %mul3A_3 : i32
    %mul3A_5 = arith.constant 3128 : i32
    %mul3A_6 = arith.muli %arg1, %mul3A_5 : i32
    "tpu.region"() ({
      %run_scoped3A = tpu.sem_alloc : memref<!tpu.dma_semaphore, #tpu.memory_space<semaphore_mem>>
      %dma_start3A_52 = arith.constant 0 : i32
      %dma_start3A_53 = tpu.memref_slice %arg7[%mul3A_6, %dma_start3A_52] : memref<50048x32xf32, #tpu.memory_space<vmem_shared>> -> memref<3128x32xf32, #tpu.memory_space<vmem_shared>>
      %dma_start3A_54 = arith.constant 0 : i32
      %dma_start3A_55 = tpu.memref_slice %arg5[%mul3A_4, %dma_start3A_54] : memref<50048x32xf32, #tpu.memory_space<hbm>> -> memref<3128x32xf32, #tpu.memory_space<hbm>>
      tpu.enqueue_dma source(%dma_start3A_55 : memref<3128x32xf32, #tpu.memory_space<hbm>>) target(%dma_start3A_53 : memref<3128x32xf32, #tpu.memory_space<vmem_shared>>) target_semaphore(%run_scoped3A : memref<!tpu.dma_semaphore, #tpu.memory_space<semaphore_mem>>)
      %dma_wait3A_56 = arith.constant 0 : i32
      %dma_wait3A_57 = tpu.memref_slice %arg7[%mul3A_6, %dma_wait3A_56] : memref<50048x32xf32, #tpu.memory_space<vmem_shared>> -> memref<3128x32xf32, #tpu.memory_space<vmem_shared>>
      %dma_wait3A_58 = arith.constant 0 : i32
      %dma_wait3A_59 = tpu.memref_slice %arg5[%mul3A_4, %dma_wait3A_58] : memref<50048x32xf32, #tpu.memory_space<hbm>> -> memref<3128x32xf32, #tpu.memory_space<hbm>>
      tpu.wait_dma2 semaphore(%run_scoped3A : memref<!tpu.dma_semaphore, #tpu.memory_space<semaphore_mem>>) src(%dma_wait3A_59 : memref<3128x32xf32, #tpu.memory_space<hbm>>) dst(%dma_wait3A_57 : memref<3128x32xf32, #tpu.memory_space<vmem_shared>>)
      tpu.yield
    }) : () -> ()
    %barrier3A = arith.constant 0 : index
    tpu.barrier barrier_id(%barrier3A)
    %add3A_7 = arith.constant 0 : i32
    %add3A_8 = arith.addi %mul3A_2, %add3A_7 : i32
    %dma_start3A = tpu.memref_slice %arg2[%add3A_8] : memref<1638400xi32, #tpu.memory_space<hbm>> -> memref<400xi32, #tpu.memory_space<hbm>>
    %dma_start3A_9 = tpu.memref_slice %arg2[%add3A_8] : memref<1638400xi32, #tpu.memory_space<hbm>> -> memref<400xi32, #tpu.memory_space<hbm>>
    tpu.enqueue_dma source(%dma_start3A_9 : memref<400xi32, #tpu.memory_space<hbm>>) target(%arg8 : memref<400xi32, #tpu.memory_space<vmem>>) target_semaphore(%arg14 : memref<!tpu.dma_semaphore, #tpu.memory_space<semaphore_mem>>)
    %add3A_10 = arith.constant 0 : i32
    %add3A_11 = arith.addi %mul3A_2, %add3A_10 : i32
    %dma_start3A_12 = tpu.memref_slice %arg3[%add3A_11] : memref<1638400xi32, #tpu.memory_space<hbm>> -> memref<400xi32, #tpu.memory_space<hbm>>
    %dma_start3A_13 = tpu.memref_slice %arg3[%add3A_11] : memref<1638400xi32, #tpu.memory_space<hbm>> -> memref<400xi32, #tpu.memory_space<hbm>>
    tpu.enqueue_dma source(%dma_start3A_13 : memref<400xi32, #tpu.memory_space<hbm>>) target(%arg10 : memref<400xi32, #tpu.memory_space<vmem>>) target_semaphore(%arg14 : memref<!tpu.dma_semaphore, #tpu.memory_space<semaphore_mem>>)
    %add3A_14 = arith.constant 400 : i32
    %add3A_15 = arith.addi %mul3A_2, %add3A_14 : i32
    %dma_start3A_16 = tpu.memref_slice %arg2[%add3A_15] : memref<1638400xi32, #tpu.memory_space<hbm>> -> memref<400xi32, #tpu.memory_space<hbm>>
    %dma_start3A_17 = tpu.memref_slice %arg2[%add3A_15] : memref<1638400xi32, #tpu.memory_space<hbm>> -> memref<400xi32, #tpu.memory_space<hbm>>
    tpu.enqueue_dma source(%dma_start3A_17 : memref<400xi32, #tpu.memory_space<hbm>>) target(%arg9 : memref<400xi32, #tpu.memory_space<vmem>>) target_semaphore(%arg15 : memref<!tpu.dma_semaphore, #tpu.memory_space<semaphore_mem>>)
    %add3A_18 = arith.constant 400 : i32
    %add3A_19 = arith.addi %mul3A_2, %add3A_18 : i32
    %dma_start3A_20 = tpu.memref_slice %arg3[%add3A_19] : memref<1638400xi32, #tpu.memory_space<hbm>> -> memref<400xi32, #tpu.memory_space<hbm>>
    %dma_start3A_21 = tpu.memref_slice %arg3[%add3A_19] : memref<1638400xi32, #tpu.memory_space<hbm>> -> memref<400xi32, #tpu.memory_space<hbm>>
    tpu.enqueue_dma source(%dma_start3A_21 : memref<400xi32, #tpu.memory_space<hbm>>) target(%arg11 : memref<400xi32, #tpu.memory_space<vmem>>) target_semaphore(%arg15 : memref<!tpu.dma_semaphore, #tpu.memory_space<semaphore_mem>>)
    %dma_wait3A = tpu.memref_slice %arg2[%mul3A_2] : memref<1638400xi32, #tpu.memory_space<hbm>> -> memref<400xi32, #tpu.memory_space<hbm>>
    %dma_wait3A_22 = tpu.memref_slice %arg2[%mul3A_2] : memref<1638400xi32, #tpu.memory_space<hbm>> -> memref<400xi32, #tpu.memory_space<hbm>>
    tpu.wait_dma2 semaphore(%arg14 : memref<!tpu.dma_semaphore, #tpu.memory_space<semaphore_mem>>) src(%dma_wait3A_22 : memref<400xi32, #tpu.memory_space<hbm>>) dst(%arg8 : memref<400xi32, #tpu.memory_space<vmem>>)
    %dma_wait3A_23 = tpu.memref_slice %arg3[%mul3A_2] : memref<1638400xi32, #tpu.memory_space<hbm>> -> memref<400xi32, #tpu.memory_space<hbm>>
    %dma_wait3A_24 = tpu.memref_slice %arg3[%mul3A_2] : memref<1638400xi32, #tpu.memory_space<hbm>> -> memref<400xi32, #tpu.memory_space<hbm>>
    tpu.wait_dma2 semaphore(%arg14 : memref<!tpu.dma_semaphore, #tpu.memory_space<semaphore_mem>>) src(%dma_wait3A_24 : memref<400xi32, #tpu.memory_space<hbm>>) dst(%arg10 : memref<400xi32, #tpu.memory_space<vmem>>)
    %dma_start3A_25 = arith.constant 0 : i32
    %dma_start3A_26 = arith.constant 0 : i32
    %dma_start3A_27 = tpu.memref_slice %arg4[%dma_start3A_25, %dma_start3A_26] : memref<50048x32xf32, #tpu.memory_space<hbm>> -> memref<50048x32xf32, #tpu.memory_space<hbm>>
    tpu.enqueue_indirect_dma source(%dma_start3A_27 : memref<50048x32xf32, #tpu.memory_space<hbm>>) target(%arg12 : memref<400x32xf32, #tpu.memory_space<vmem>>) offsets(%arg8 : memref<400xi32, #tpu.memory_space<vmem>>) semaphore(%arg16 : memref<!tpu.dma_semaphore, #tpu.memory_space<semaphore_mem>>)
    %scan3A = arith.constant 0 : i32
    %scan3A_28 = arith.constant 0 : i32
    %scan3A_29 = arith.constant 63 : i32
    %scan3A_30 = arith.addi %scan3A_28, %scan3A_29 : i32
    %scan3A_31 = arith.constant 1 : i32
    %scan3A_32 = scf.for %scan3A_52 = %scan3A_28 to %scan3A_30 step %scan3A_31 iter_args(%scan3A_53 = %scan3A) -> (i32)  : i32 {
      %mul3A_54 = arith.constant 2 : i32
      %mul3A_55 = arith.muli %scan3A_52, %mul3A_54 : i32
      %add3A_56 = arith.constant 0 : i32
      %add3A_57 = arith.addi %mul3A_55, %add3A_56 : i32
      %dma_wait3A_58 = arith.constant 0 : i32
      %dma_wait3A_59 = arith.constant 0 : i32
      %dma_wait3A_60 = tpu.memref_slice %arg4[%dma_wait3A_58, %dma_wait3A_59] : memref<50048x32xf32, #tpu.memory_space<hbm>> -> memref<50048x32xf32, #tpu.memory_space<hbm>>
      tpu.wait_indirect_dma semaphore(%arg16 : memref<!tpu.dma_semaphore, #tpu.memory_space<semaphore_mem>>) src(%dma_wait3A_60 : memref<50048x32xf32, #tpu.memory_space<hbm>>) dst(%arg12 : memref<400x32xf32, #tpu.memory_space<vmem>>)
      "tpu.region"() ({
        %run_scoped3A = tpu.sem_alloc : memref<!tpu.dma_semaphore, #tpu.memory_space<semaphore_mem>>
        %dma_start3A_105 = arith.constant 0 : i32
        %dma_start3A_106 = arith.constant 0 : i32
        %dma_start3A_107 = tpu.memref_slice %arg7[%dma_start3A_105, %dma_start3A_106] : memref<50048x32xf32, #tpu.memory_space<vmem_shared>> -> memref<50048x32xf32, #tpu.memory_space<vmem_shared>>
        tpu.enqueue_indirect_dma source(%arg12 : memref<400x32xf32, #tpu.memory_space<vmem>>) target(%dma_start3A_107 : memref<50048x32xf32, #tpu.memory_space<vmem_shared>>) offsets(%arg10 : memref<400xi32, #tpu.memory_space<vmem>>) semaphore(%run_scoped3A : memref<!tpu.dma_semaphore, #tpu.memory_space<semaphore_mem>>) {add = true}
        %dma_wait3A_108 = arith.constant 0 : i32
        %dma_wait3A_109 = arith.constant 0 : i32
        %dma_wait3A_110 = tpu.memref_slice %arg7[%dma_wait3A_108, %dma_wait3A_109] : memref<50048x32xf32, #tpu.memory_space<vmem_shared>> -> memref<50048x32xf32, #tpu.memory_space<vmem_shared>>
        tpu.wait_indirect_dma semaphore(%run_scoped3A : memref<!tpu.dma_semaphore, #tpu.memory_space<semaphore_mem>>) src(%arg12 : memref<400x32xf32, #tpu.memory_space<vmem>>) dst(%dma_wait3A_110 : memref<50048x32xf32, #tpu.memory_space<vmem_shared>>)
        tpu.yield
      }) : () -> ()
      %add3A_61 = arith.constant 2 : i32
      %add3A_62 = arith.addi %add3A_57, %add3A_61 : i32
      %mul3A_63 = arith.constant 400 : i32
      %mul3A_64 = arith.muli %add3A_62, %mul3A_63 : i32
      %add3A_65 = arith.addi %mul3A_2, %mul3A_64 : i32
      %dma_start3A_66 = tpu.memref_slice %arg2[%add3A_65] : memref<1638400xi32, #tpu.memory_space<hbm>> -> memref<400xi32, #tpu.memory_space<hbm>>
      %dma_start3A_67 = tpu.memref_slice %arg2[%add3A_65] : memref<1638400xi32, #tpu.memory_space<hbm>> -> memref<400xi32, #tpu.memory_space<hbm>>
      tpu.enqueue_dma source(%dma_start3A_67 : memref<400xi32, #tpu.memory_space<hbm>>) target(%arg8 : memref<400xi32, #tpu.memory_space<vmem>>) target_semaphore(%arg14 : memref<!tpu.dma_semaphore, #tpu.memory_space<semaphore_mem>>)
      %mul3A_68 = arith.constant 400 : i32
      %mul3A_69 = arith.muli %add3A_62, %mul3A_68 : i32
      %add3A_70 = arith.addi %mul3A_2, %mul3A_69 : i32
      %dma_start3A_71 = tpu.memref_slice %arg3[%add3A_70] : memref<1638400xi32, #tpu.memory_space<hbm>> -> memref<400xi32, #tpu.memory_space<hbm>>
      %dma_start3A_72 = tpu.memref_slice %arg3[%add3A_70] : memref<1638400xi32, #tpu.memory_space<hbm>> -> memref<400xi32, #tpu.memory_space<hbm>>
      tpu.enqueue_dma source(%dma_start3A_72 : memref<400xi32, #tpu.memory_space<hbm>>) target(%arg10 : memref<400xi32, #tpu.memory_space<vmem>>) target_semaphore(%arg14 : memref<!tpu.dma_semaphore, #tpu.memory_space<semaphore_mem>>)
      %dma_wait3A_73 = tpu.memref_slice %arg2[%mul3A_2] : memref<1638400xi32, #tpu.memory_space<hbm>> -> memref<400xi32, #tpu.memory_space<hbm>>
      %dma_wait3A_74 = tpu.memref_slice %arg2[%mul3A_2] : memref<1638400xi32, #tpu.memory_space<hbm>> -> memref<400xi32, #tpu.memory_space<hbm>>
      tpu.wait_dma2 semaphore(%arg15 : memref<!tpu.dma_semaphore, #tpu.memory_space<semaphore_mem>>) src(%dma_wait3A_74 : memref<400xi32, #tpu.memory_space<hbm>>) dst(%arg9 : memref<400xi32, #tpu.memory_space<vmem>>)
      %dma_wait3A_75 = tpu.memref_slice %arg3[%mul3A_2] : memref<1638400xi32, #tpu.memory_space<hbm>> -> memref<400xi32, #tpu.memory_space<hbm>>
      %dma_wait3A_76 = tpu.memref_slice %arg3[%mul3A_2] : memref<1638400xi32, #tpu.memory_space<hbm>> -> memref<400xi32, #tpu.memory_space<hbm>>
      tpu.wait_dma2 semaphore(%arg15 : memref<!tpu.dma_semaphore, #tpu.memory_space<semaphore_mem>>) src(%dma_wait3A_76 : memref<400xi32, #tpu.memory_space<hbm>>) dst(%arg11 : memref<400xi32, #tpu.memory_space<vmem>>)
      %dma_start3A_77 = arith.constant 0 : i32
      %dma_start3A_78 = arith.constant 0 : i32
      %dma_start3A_79 = tpu.memref_slice %arg4[%dma_start3A_77, %dma_start3A_78] : memref<50048x32xf32, #tpu.memory_space<hbm>> -> memref<50048x32xf32, #tpu.memory_space<hbm>>
      tpu.enqueue_indirect_dma source(%dma_start3A_79 : memref<50048x32xf32, #tpu.memory_space<hbm>>) target(%arg13 : memref<400x32xf32, #tpu.memory_space<vmem>>) offsets(%arg9 : memref<400xi32, #tpu.memory_space<vmem>>) semaphore(%arg17 : memref<!tpu.dma_semaphore, #tpu.memory_space<semaphore_mem>>)
      %add3A_80 = arith.constant 1 : i32
      %add3A_81 = arith.addi %mul3A_55, %add3A_80 : i32
      %dma_wait3A_82 = arith.constant 0 : i32
      %dma_wait3A_83 = arith.constant 0 : i32
      %dma_wait3A_84 = tpu.memref_slice %arg4[%dma_wait3A_82, %dma_wait3A_83] : memref<50048x32xf32, #tpu.memory_space<hbm>> -> memref<50048x32xf32, #tpu.memory_space<hbm>>
      tpu.wait_indirect_dma semaphore(%arg17 : memref<!tpu.dma_semaphore, #tpu.memory_space<semaphore_mem>>) src(%dma_wait3A_84 : memref<50048x32xf32, #tpu.memory_space<hbm>>) dst(%arg13 : memref<400x32xf32, #tpu.memory_space<vmem>>)
      "tpu.region"() ({
        %run_scoped3A = tpu.sem_alloc : memref<!tpu.dma_semaphore, #tpu.memory_space<semaphore_mem>>
        %dma_start3A_105 = arith.constant 0 : i32
        %dma_start3A_106 = arith.constant 0 : i32
        %dma_start3A_107 = tpu.memref_slice %arg7[%dma_start3A_105, %dma_start3A_106] : memref<50048x32xf32, #tpu.memory_space<vmem_shared>> -> memref<50048x32xf32, #tpu.memory_space<vmem_shared>>
        tpu.enqueue_indirect_dma source(%arg13 : memref<400x32xf32, #tpu.memory_space<vmem>>) target(%dma_start3A_107 : memref<50048x32xf32, #tpu.memory_space<vmem_shared>>) offsets(%arg11 : memref<400xi32, #tpu.memory_space<vmem>>) semaphore(%run_scoped3A : memref<!tpu.dma_semaphore, #tpu.memory_space<semaphore_mem>>) {add = true}
        %dma_wait3A_108 = arith.constant 0 : i32
        %dma_wait3A_109 = arith.constant 0 : i32
        %dma_wait3A_110 = tpu.memref_slice %arg7[%dma_wait3A_108, %dma_wait3A_109] : memref<50048x32xf32, #tpu.memory_space<vmem_shared>> -> memref<50048x32xf32, #tpu.memory_space<vmem_shared>>
        tpu.wait_indirect_dma semaphore(%run_scoped3A : memref<!tpu.dma_semaphore, #tpu.memory_space<semaphore_mem>>) src(%arg13 : memref<400x32xf32, #tpu.memory_space<vmem>>) dst(%dma_wait3A_110 : memref<50048x32xf32, #tpu.memory_space<vmem_shared>>)
        tpu.yield
      }) : () -> ()
      %add3A_85 = arith.constant 2 : i32
      %add3A_86 = arith.addi %add3A_81, %add3A_85 : i32
      %mul3A_87 = arith.constant 400 : i32
      %mul3A_88 = arith.muli %add3A_86, %mul3A_87 : i32
      %add3A_89 = arith.addi %mul3A_2, %mul3A_88 : i32
      %dma_start3A_90 = tpu.memref_slice %arg2[%add3A_89] : memref<1638400xi32, #tpu.memory_space<hbm>> -> memref<400xi32, #tpu.memory_space<hbm>>
      %dma_start3A_91 = tpu.memref_slice %arg2[%add3A_89] : memref<1638400xi32, #tpu.memory_space<hbm>> -> memref<400xi32, #tpu.memory_space<hbm>>
      tpu.enqueue_dma source(%dma_start3A_91 : memref<400xi32, #tpu.memory_space<hbm>>) target(%arg9 : memref<400xi32, #tpu.memory_space<vmem>>) target_semaphore(%arg15 : memref<!tpu.dma_semaphore, #tpu.memory_space<semaphore_mem>>)
      %mul3A_92 = arith.constant 400 : i32
      %mul3A_93 = arith.muli %add3A_86, %mul3A_92 : i32
      %add3A_94 = arith.addi %mul3A_2, %mul3A_93 : i32
      %dma_start3A_95 = tpu.memref_slice %arg3[%add3A_94] : memref<1638400xi32, #tpu.memory_space<hbm>> -> memref<400xi32, #tpu.memory_space<hbm>>
      %dma_start3A_96 = tpu.memref_slice %arg3[%add3A_94] : memref<1638400xi32, #tpu.memory_space<hbm>> -> memref<400xi32, #tpu.memory_space<hbm>>
      tpu.enqueue_dma source(%dma_start3A_96 : memref<400xi32, #tpu.memory_space<hbm>>) target(%arg11 : memref<400xi32, #tpu.memory_space<vmem>>) target_semaphore(%arg15 : memref<!tpu.dma_semaphore, #tpu.memory_space<semaphore_mem>>)
      %dma_wait3A_97 = tpu.memref_slice %arg2[%mul3A_2] : memref<1638400xi32, #tpu.memory_space<hbm>> -> memref<400xi32, #tpu.memory_space<hbm>>
      %dma_wait3A_98 = tpu.memref_slice %arg2[%mul3A_2] : memref<1638400xi32, #tpu.memory_space<hbm>> -> memref<400xi32, #tpu.memory_space<hbm>>
      tpu.wait_dma2 semaphore(%arg14 : memref<!tpu.dma_semaphore, #tpu.memory_space<semaphore_mem>>) src(%dma_wait3A_98 : memref<400xi32, #tpu.memory_space<hbm>>) dst(%arg8 : memref<400xi32, #tpu.memory_space<vmem>>)
      %dma_wait3A_99 = tpu.memref_slice %arg3[%mul3A_2] : memref<1638400xi32, #tpu.memory_space<hbm>> -> memref<400xi32, #tpu.memory_space<hbm>>
      %dma_wait3A_100 = tpu.memref_slice %arg3[%mul3A_2] : memref<1638400xi32, #tpu.memory_space<hbm>> -> memref<400xi32, #tpu.memory_space<hbm>>
      tpu.wait_dma2 semaphore(%arg14 : memref<!tpu.dma_semaphore, #tpu.memory_space<semaphore_mem>>) src(%dma_wait3A_100 : memref<400xi32, #tpu.memory_space<hbm>>) dst(%arg10 : memref<400xi32, #tpu.memory_space<vmem>>)
      %dma_start3A_101 = arith.constant 0 : i32
      %dma_start3A_102 = arith.constant 0 : i32
      %dma_start3A_103 = tpu.memref_slice %arg4[%dma_start3A_101, %dma_start3A_102] : memref<50048x32xf32, #tpu.memory_space<hbm>> -> memref<50048x32xf32, #tpu.memory_space<hbm>>
      tpu.enqueue_indirect_dma source(%dma_start3A_103 : memref<50048x32xf32, #tpu.memory_space<hbm>>) target(%arg12 : memref<400x32xf32, #tpu.memory_space<vmem>>) offsets(%arg8 : memref<400xi32, #tpu.memory_space<vmem>>) semaphore(%arg16 : memref<!tpu.dma_semaphore, #tpu.memory_space<semaphore_mem>>)
      %scan3A_104 = arith.constant 0 : i32
      scf.yield %scan3A_104 : i32
    }
    %scan3A_33 = arith.constant 63 : i32
    %dma_wait3A_34 = arith.constant 0 : i32
    %dma_wait3A_35 = arith.constant 0 : i32
    %dma_wait3A_36 = tpu.memref_slice %arg4[%dma_wait3A_34, %dma_wait3A_35] : memref<50048x32xf32, #tpu.memory_space<hbm>> -> memref<50048x32xf32, #tpu.memory_space<hbm>>
    tpu.wait_indirect_dma semaphore(%arg16 : memref<!tpu.dma_semaphore, #tpu.memory_space<semaphore_mem>>) src(%dma_wait3A_36 : memref<50048x32xf32, #tpu.memory_space<hbm>>) dst(%arg12 : memref<400x32xf32, #tpu.memory_space<vmem>>)
    "tpu.region"() ({
      %run_scoped3A = tpu.sem_alloc : memref<!tpu.dma_semaphore, #tpu.memory_space<semaphore_mem>>
      %dma_start3A_52 = arith.constant 0 : i32
      %dma_start3A_53 = arith.constant 0 : i32
      %dma_start3A_54 = tpu.memref_slice %arg7[%dma_start3A_52, %dma_start3A_53] : memref<50048x32xf32, #tpu.memory_space<vmem_shared>> -> memref<50048x32xf32, #tpu.memory_space<vmem_shared>>
      tpu.enqueue_indirect_dma source(%arg12 : memref<400x32xf32, #tpu.memory_space<vmem>>) target(%dma_start3A_54 : memref<50048x32xf32, #tpu.memory_space<vmem_shared>>) offsets(%arg10 : memref<400xi32, #tpu.memory_space<vmem>>) semaphore(%run_scoped3A : memref<!tpu.dma_semaphore, #tpu.memory_space<semaphore_mem>>) {add = true}
      %dma_wait3A_55 = arith.constant 0 : i32
      %dma_wait3A_56 = arith.constant 0 : i32
      %dma_wait3A_57 = tpu.memref_slice %arg7[%dma_wait3A_55, %dma_wait3A_56] : memref<50048x32xf32, #tpu.memory_space<vmem_shared>> -> memref<50048x32xf32, #tpu.memory_space<vmem_shared>>
      tpu.wait_indirect_dma semaphore(%run_scoped3A : memref<!tpu.dma_semaphore, #tpu.memory_space<semaphore_mem>>) src(%arg12 : memref<400x32xf32, #tpu.memory_space<vmem>>) dst(%dma_wait3A_57 : memref<50048x32xf32, #tpu.memory_space<vmem_shared>>)
      tpu.yield
    }) : () -> ()
    %dma_wait3A_37 = tpu.memref_slice %arg2[%mul3A_2] : memref<1638400xi32, #tpu.memory_space<hbm>> -> memref<400xi32, #tpu.memory_space<hbm>>
    %dma_wait3A_38 = tpu.memref_slice %arg2[%mul3A_2] : memref<1638400xi32, #tpu.memory_space<hbm>> -> memref<400xi32, #tpu.memory_space<hbm>>
    tpu.wait_dma2 semaphore(%arg15 : memref<!tpu.dma_semaphore, #tpu.memory_space<semaphore_mem>>) src(%dma_wait3A_38 : memref<400xi32, #tpu.memory_space<hbm>>) dst(%arg9 : memref<400xi32, #tpu.memory_space<vmem>>)
    %dma_wait3A_39 = tpu.memref_slice %arg3[%mul3A_2] : memref<1638400xi32, #tpu.memory_space<hbm>> -> memref<400xi32, #tpu.memory_space<hbm>>
    %dma_wait3A_40 = tpu.memref_slice %arg3[%mul3A_2] : memref<1638400xi32, #tpu.memory_space<hbm>> -> memref<400xi32, #tpu.memory_space<hbm>>
    tpu.wait_dma2 semaphore(%arg15 : memref<!tpu.dma_semaphore, #tpu.memory_space<semaphore_mem>>) src(%dma_wait3A_40 : memref<400xi32, #tpu.memory_space<hbm>>) dst(%arg11 : memref<400xi32, #tpu.memory_space<vmem>>)
    %dma_start3A_41 = arith.constant 0 : i32
    %dma_start3A_42 = arith.constant 0 : i32
    %dma_start3A_43 = tpu.memref_slice %arg4[%dma_start3A_41, %dma_start3A_42] : memref<50048x32xf32, #tpu.memory_space<hbm>> -> memref<50048x32xf32, #tpu.memory_space<hbm>>
    tpu.enqueue_indirect_dma source(%dma_start3A_43 : memref<50048x32xf32, #tpu.memory_space<hbm>>) target(%arg13 : memref<400x32xf32, #tpu.memory_space<vmem>>) offsets(%arg9 : memref<400xi32, #tpu.memory_space<vmem>>) semaphore(%arg17 : memref<!tpu.dma_semaphore, #tpu.memory_space<semaphore_mem>>)
    %dma_wait3A_44 = arith.constant 0 : i32
    %dma_wait3A_45 = arith.constant 0 : i32
    %dma_wait3A_46 = tpu.memref_slice %arg4[%dma_wait3A_44, %dma_wait3A_45] : memref<50048x32xf32, #tpu.memory_space<hbm>> -> memref<50048x32xf32, #tpu.memory_space<hbm>>
    tpu.wait_indirect_dma semaphore(%arg17 : memref<!tpu.dma_semaphore, #tpu.memory_space<semaphore_mem>>) src(%dma_wait3A_46 : memref<50048x32xf32, #tpu.memory_space<hbm>>) dst(%arg13 : memref<400x32xf32, #tpu.memory_space<vmem>>)
    "tpu.region"() ({
      %run_scoped3A = tpu.sem_alloc : memref<!tpu.dma_semaphore, #tpu.memory_space<semaphore_mem>>
      %dma_start3A_52 = arith.constant 0 : i32
      %dma_start3A_53 = arith.constant 0 : i32
      %dma_start3A_54 = tpu.memref_slice %arg7[%dma_start3A_52, %dma_start3A_53] : memref<50048x32xf32, #tpu.memory_space<vmem_shared>> -> memref<50048x32xf32, #tpu.memory_space<vmem_shared>>
      tpu.enqueue_indirect_dma source(%arg13 : memref<400x32xf32, #tpu.memory_space<vmem>>) target(%dma_start3A_54 : memref<50048x32xf32, #tpu.memory_space<vmem_shared>>) offsets(%arg11 : memref<400xi32, #tpu.memory_space<vmem>>) semaphore(%run_scoped3A : memref<!tpu.dma_semaphore, #tpu.memory_space<semaphore_mem>>) {add = true}
      %dma_wait3A_55 = arith.constant 0 : i32
      %dma_wait3A_56 = arith.constant 0 : i32
      %dma_wait3A_57 = tpu.memref_slice %arg7[%dma_wait3A_55, %dma_wait3A_56] : memref<50048x32xf32, #tpu.memory_space<vmem_shared>> -> memref<50048x32xf32, #tpu.memory_space<vmem_shared>>
      tpu.wait_indirect_dma semaphore(%run_scoped3A : memref<!tpu.dma_semaphore, #tpu.memory_space<semaphore_mem>>) src(%arg13 : memref<400x32xf32, #tpu.memory_space<vmem>>) dst(%dma_wait3A_57 : memref<50048x32xf32, #tpu.memory_space<vmem_shared>>)
      tpu.yield
    }) : () -> ()
    %barrier3A_47 = arith.constant 0 : index
    tpu.barrier barrier_id(%barrier3A_47)
    %mul3A_48 = arith.constant 3128 : i32
    %mul3A_49 = arith.muli %arg1, %mul3A_48 : i32
    %mul3A_50 = arith.constant 3128 : i32
    %mul3A_51 = arith.muli %arg1, %mul3A_50 : i32
    "tpu.region"() ({
      %run_scoped3A = tpu.sem_alloc : memref<!tpu.dma_semaphore, #tpu.memory_space<semaphore_mem>>
      %dma_start3A_52 = arith.constant 0 : i32
      %dma_start3A_53 = tpu.memref_slice %arg6[%arg0, %mul3A_51, %dma_start3A_52] : memref<2x50048x32xf32, #tpu.memory_space<hbm>> -> memref<1x3128x32xf32, #tpu.memory_space<hbm>>
      %dma_start3A_54 = tpu.memref_squeeze %dma_start3A_53 : memref<1x3128x32xf32, #tpu.memory_space<hbm>> -> memref<3128x32xf32, #tpu.memory_space<hbm>>
      %dma_start3A_55 = arith.constant 0 : i32
      %dma_start3A_56 = tpu.memref_slice %arg7[%mul3A_49, %dma_start3A_55] : memref<50048x32xf32, #tpu.memory_space<vmem_shared>> -> memref<3128x32xf32, #tpu.memory_space<vmem_shared>>
      tpu.enqueue_dma source(%dma_start3A_56 : memref<3128x32xf32, #tpu.memory_space<vmem_shared>>) target(%dma_start3A_54 : memref<3128x32xf32, #tpu.memory_space<hbm>>) target_semaphore(%run_scoped3A : memref<!tpu.dma_semaphore, #tpu.memory_space<semaphore_mem>>)
      %dma_wait3A_57 = arith.constant 0 : i32
      %dma_wait3A_58 = tpu.memref_slice %arg6[%arg0, %mul3A_51, %dma_wait3A_57] : memref<2x50048x32xf32, #tpu.memory_space<hbm>> -> memref<1x3128x32xf32, #tpu.memory_space<hbm>>
      %dma_wait3A_59 = tpu.memref_squeeze %dma_wait3A_58 : memref<1x3128x32xf32, #tpu.memory_space<hbm>> -> memref<3128x32xf32, #tpu.memory_space<hbm>>
      %dma_wait3A_60 = arith.constant 0 : i32
      %dma_wait3A_61 = tpu.memref_slice %arg7[%mul3A_49, %dma_wait3A_60] : memref<50048x32xf32, #tpu.memory_space<vmem_shared>> -> memref<3128x32xf32, #tpu.memory_space<vmem_shared>>
      tpu.wait_dma2 semaphore(%run_scoped3A : memref<!tpu.dma_semaphore, #tpu.memory_space<semaphore_mem>>) src(%dma_wait3A_61 : memref<3128x32xf32, #tpu.memory_space<vmem_shared>>) dst(%dma_wait3A_59 : memref<3128x32xf32, #tpu.memory_space<hbm>>)
      tpu.yield
    }) : () -> ()
    return
  }
}

#map = affine_map<(d0, d1) -> (0, 0)>
#map1 = affine_map<(d0, d1) -> (0)>
module attributes {stable_mosaic.version = 14 : i64} {
  func.func @_k_gather(%arg0: i32, %arg1: i32, %arg2: memref<50048x32xf32, #tpu.memory_space<hbm>>, %arg3: memref<16384xi32, #tpu.memory_space<hbm>>, %arg4: memref<16384xi32, #tpu.memory_space<hbm>>, %arg5: memref<16384x32xf32, #tpu.memory_space<hbm>>, %arg6: memref<16384x32xf32, #tpu.memory_space<hbm>>, %arg7: memref<512xi32, #tpu.memory_space<vmem>>, %arg8: memref<512xi32, #tpu.memory_space<vmem>>, %arg9: memref<512x32xf32, #tpu.memory_space<vmem>>, %arg10: memref<512x32xf32, #tpu.memory_space<vmem>>, %arg11: memref<!tpu.dma_semaphore, #tpu.memory_space<semaphore_mem>>) attributes {dimension_semantics = [#tpu.dimension_semantics<core_parallel>, #tpu.dimension_semantics<subcore_parallel>], iteration_bounds = array<i64: 2, 16>, scalar_prefetch = 0 : i64, scratch_operands = 5 : i64, tpu.core_type = #tpu.core_type<sc_vector_subcore>, window_params = [{transform_indices = #map}, {transform_indices = #map1}, {transform_indices = #map1}, {transform_indices = #map}, {transform_indices = #map}]} {
    %mul3A = arith.constant 2 : i32
    %mul3A_0 = arith.muli %arg1, %mul3A : i32
    %add3A = arith.addi %mul3A_0, %arg0 : i32
    %mul3A_1 = arith.constant 512 : i32
    %mul3A_2 = arith.muli %add3A, %mul3A_1 : i32
    "tpu.region"() ({
      %run_scoped3A = tpu.sem_alloc : memref<!tpu.dma_semaphore, #tpu.memory_space<semaphore_mem>>
      %dma_start3A_19 = tpu.memref_slice %arg3[%mul3A_2] : memref<16384xi32, #tpu.memory_space<hbm>> -> memref<512xi32, #tpu.memory_space<hbm>>
      %dma_start3A_20 = tpu.memref_slice %arg3[%mul3A_2] : memref<16384xi32, #tpu.memory_space<hbm>> -> memref<512xi32, #tpu.memory_space<hbm>>
      tpu.enqueue_dma source(%dma_start3A_20 : memref<512xi32, #tpu.memory_space<hbm>>) target(%arg7 : memref<512xi32, #tpu.memory_space<vmem>>) target_semaphore(%run_scoped3A : memref<!tpu.dma_semaphore, #tpu.memory_space<semaphore_mem>>)
      %dma_wait3A_21 = tpu.memref_slice %arg3[%mul3A_2] : memref<16384xi32, #tpu.memory_space<hbm>> -> memref<512xi32, #tpu.memory_space<hbm>>
      %dma_wait3A_22 = tpu.memref_slice %arg3[%mul3A_2] : memref<16384xi32, #tpu.memory_space<hbm>> -> memref<512xi32, #tpu.memory_space<hbm>>
      tpu.wait_dma2 semaphore(%run_scoped3A : memref<!tpu.dma_semaphore, #tpu.memory_space<semaphore_mem>>) src(%dma_wait3A_22 : memref<512xi32, #tpu.memory_space<hbm>>) dst(%arg7 : memref<512xi32, #tpu.memory_space<vmem>>)
      tpu.yield
    }) : () -> ()
    "tpu.region"() ({
      %run_scoped3A = tpu.sem_alloc : memref<!tpu.dma_semaphore, #tpu.memory_space<semaphore_mem>>
      %dma_start3A_19 = tpu.memref_slice %arg4[%mul3A_2] : memref<16384xi32, #tpu.memory_space<hbm>> -> memref<512xi32, #tpu.memory_space<hbm>>
      %dma_start3A_20 = tpu.memref_slice %arg4[%mul3A_2] : memref<16384xi32, #tpu.memory_space<hbm>> -> memref<512xi32, #tpu.memory_space<hbm>>
      tpu.enqueue_dma source(%dma_start3A_20 : memref<512xi32, #tpu.memory_space<hbm>>) target(%arg8 : memref<512xi32, #tpu.memory_space<vmem>>) target_semaphore(%run_scoped3A : memref<!tpu.dma_semaphore, #tpu.memory_space<semaphore_mem>>)
      %dma_wait3A_21 = tpu.memref_slice %arg4[%mul3A_2] : memref<16384xi32, #tpu.memory_space<hbm>> -> memref<512xi32, #tpu.memory_space<hbm>>
      %dma_wait3A_22 = tpu.memref_slice %arg4[%mul3A_2] : memref<16384xi32, #tpu.memory_space<hbm>> -> memref<512xi32, #tpu.memory_space<hbm>>
      tpu.wait_dma2 semaphore(%run_scoped3A : memref<!tpu.dma_semaphore, #tpu.memory_space<semaphore_mem>>) src(%dma_wait3A_22 : memref<512xi32, #tpu.memory_space<hbm>>) dst(%arg8 : memref<512xi32, #tpu.memory_space<vmem>>)
      tpu.yield
    }) : () -> ()
    %scan3A = arith.constant 0 : i32
    %scan3A_3 = arith.constant 0 : i32
    %scan3A_4 = arith.constant 32 : i32
    %scan3A_5 = arith.addi %scan3A_3, %scan3A_4 : i32
    %scan3A_6 = arith.constant 1 : i32
    %scan3A_7 = scf.for %scan3A_19 = %scan3A_3 to %scan3A_5 step %scan3A_6 iter_args(%scan3A_20 = %scan3A) -> (i32)  : i32 {
      %mul3A_21 = arith.constant 16 : i32
      %mul3A_22 = arith.muli %scan3A_19, %mul3A_21 : i32
      %multiple_of3A = tpu.assume_multiple %mul3A_22, 8 : i32
      %get3A = arith.index_cast %multiple_of3A : i32 to index
      %get3A_23 = tpu.vector_load %arg8[%get3A] {strides = array<i32>} : memref<512xi32, #tpu.memory_space<vmem>>, vector<16xi32>,
      %get3A_24 = vector.shape_cast %get3A_23 : vector<16xi32> to vector<16xi32>
      %add3A_25 = arith.constant 25000 : i32
      %add3A_26 = vector.broadcast %add3A_25 : i32 to vector<16xi32>
      %add3A_27 = arith.addi %get3A_24, %add3A_26 : vector<16xi32>
      %swap3A = arith.index_cast %multiple_of3A : i32 to index
      %swap3A_28 = tpu.vector_load %arg8[%swap3A] {strides = array<i32>} : memref<512xi32, #tpu.memory_space<vmem>>, vector<16xi32>,
      %swap3A_29 = vector.shape_cast %swap3A_28 : vector<16xi32> to vector<16xi32>
      %swap3A_30 = vector.shape_cast %add3A_27 : vector<16xi32> to vector<16xi32>
      tpu.vector_store %arg8[%swap3A], %swap3A_30 {strides = array<i32>} : memref<512xi32, #tpu.memory_space<vmem>>, vector<16xi32>,
      %scan3A_31 = arith.constant 0 : i32
      scf.yield %scan3A_31 : i32
    }
    %scan3A_8 = arith.constant 32 : i32
    %dma_start3A = arith.constant 0 : i32
    %dma_start3A_9 = arith.constant 0 : i32
    %dma_start3A_10 = tpu.memref_slice %arg2[%dma_start3A, %dma_start3A_9] : memref<50048x32xf32, #tpu.memory_space<hbm>> -> memref<50048x32xf32, #tpu.memory_space<hbm>>
    tpu.enqueue_indirect_dma source(%dma_start3A_10 : memref<50048x32xf32, #tpu.memory_space<hbm>>) target(%arg9 : memref<512x32xf32, #tpu.memory_space<vmem>>) offsets(%arg7 : memref<512xi32, #tpu.memory_space<vmem>>) semaphore(%arg11 : memref<!tpu.dma_semaphore, #tpu.memory_space<semaphore_mem>>)
    %dma_wait3A = arith.constant 0 : i32
    %dma_wait3A_11 = arith.constant 0 : i32
    %dma_wait3A_12 = tpu.memref_slice %arg2[%dma_wait3A, %dma_wait3A_11] : memref<50048x32xf32, #tpu.memory_space<hbm>> -> memref<50048x32xf32, #tpu.memory_space<hbm>>
    tpu.wait_indirect_dma semaphore(%arg11 : memref<!tpu.dma_semaphore, #tpu.memory_space<semaphore_mem>>) src(%dma_wait3A_12 : memref<50048x32xf32, #tpu.memory_space<hbm>>) dst(%arg9 : memref<512x32xf32, #tpu.memory_space<vmem>>)
    %dma_start3A_13 = arith.constant 0 : i32
    %dma_start3A_14 = arith.constant 0 : i32
    %dma_start3A_15 = tpu.memref_slice %arg2[%dma_start3A_13, %dma_start3A_14] : memref<50048x32xf32, #tpu.memory_space<hbm>> -> memref<50048x32xf32, #tpu.memory_space<hbm>>
    tpu.enqueue_indirect_dma source(%dma_start3A_15 : memref<50048x32xf32, #tpu.memory_space<hbm>>) target(%arg10 : memref<512x32xf32, #tpu.memory_space<vmem>>) offsets(%arg8 : memref<512xi32, #tpu.memory_space<vmem>>) semaphore(%arg11 : memref<!tpu.dma_semaphore, #tpu.memory_space<semaphore_mem>>)
    %dma_wait3A_16 = arith.constant 0 : i32
    %dma_wait3A_17 = arith.constant 0 : i32
    %dma_wait3A_18 = tpu.memref_slice %arg2[%dma_wait3A_16, %dma_wait3A_17] : memref<50048x32xf32, #tpu.memory_space<hbm>> -> memref<50048x32xf32, #tpu.memory_space<hbm>>
    tpu.wait_indirect_dma semaphore(%arg11 : memref<!tpu.dma_semaphore, #tpu.memory_space<semaphore_mem>>) src(%dma_wait3A_18 : memref<50048x32xf32, #tpu.memory_space<hbm>>) dst(%arg10 : memref<512x32xf32, #tpu.memory_space<vmem>>)
    "tpu.region"() ({
      %run_scoped3A = tpu.sem_alloc : memref<!tpu.dma_semaphore, #tpu.memory_space<semaphore_mem>>
      %dma_start3A_19 = arith.constant 0 : i32
      %dma_start3A_20 = tpu.memref_slice %arg5[%mul3A_2, %dma_start3A_19] : memref<16384x32xf32, #tpu.memory_space<hbm>> -> memref<512x32xf32, #tpu.memory_space<hbm>>
      %dma_start3A_21 = arith.constant 0 : i32
      %dma_start3A_22 = tpu.memref_slice %arg5[%mul3A_2, %dma_start3A_21] : memref<16384x32xf32, #tpu.memory_space<hbm>> -> memref<512x32xf32, #tpu.memory_space<hbm>>
      tpu.enqueue_dma source(%arg9 : memref<512x32xf32, #tpu.memory_space<vmem>>) target(%dma_start3A_22 : memref<512x32xf32, #tpu.memory_space<hbm>>) target_semaphore(%run_scoped3A : memref<!tpu.dma_semaphore, #tpu.memory_space<semaphore_mem>>)
      %dma_wait3A_23 = arith.constant 0 : i32
      %dma_wait3A_24 = tpu.memref_slice %arg5[%mul3A_2, %dma_wait3A_23] : memref<16384x32xf32, #tpu.memory_space<hbm>> -> memref<512x32xf32, #tpu.memory_space<hbm>>
      %dma_wait3A_25 = arith.constant 0 : i32
      %dma_wait3A_26 = tpu.memref_slice %arg5[%mul3A_2, %dma_wait3A_25] : memref<16384x32xf32, #tpu.memory_space<hbm>> -> memref<512x32xf32, #tpu.memory_space<hbm>>
      tpu.wait_dma2 semaphore(%run_scoped3A : memref<!tpu.dma_semaphore, #tpu.memory_space<semaphore_mem>>) src(%arg9 : memref<512x32xf32, #tpu.memory_space<vmem>>) dst(%dma_wait3A_26 : memref<512x32xf32, #tpu.memory_space<hbm>>)
      tpu.yield
    }) : () -> ()
    "tpu.region"() ({
      %run_scoped3A = tpu.sem_alloc : memref<!tpu.dma_semaphore, #tpu.memory_space<semaphore_mem>>
      %dma_start3A_19 = arith.constant 0 : i32
      %dma_start3A_20 = tpu.memref_slice %arg6[%mul3A_2, %dma_start3A_19] : memref<16384x32xf32, #tpu.memory_space<hbm>> -> memref<512x32xf32, #tpu.memory_space<hbm>>
      %dma_start3A_21 = arith.constant 0 : i32
      %dma_start3A_22 = tpu.memref_slice %arg6[%mul3A_2, %dma_start3A_21] : memref<16384x32xf32, #tpu.memory_space<hbm>> -> memref<512x32xf32, #tpu.memory_space<hbm>>
      tpu.enqueue_dma source(%arg10 : memref<512x32xf32, #tpu.memory_space<vmem>>) target(%dma_start3A_22 : memref<512x32xf32, #tpu.memory_space<hbm>>) target_semaphore(%run_scoped3A : memref<!tpu.dma_semaphore, #tpu.memory_space<semaphore_mem>>)
      %dma_wait3A_23 = arith.constant 0 : i32
      %dma_wait3A_24 = tpu.memref_slice %arg6[%mul3A_2, %dma_wait3A_23] : memref<16384x32xf32, #tpu.memory_space<hbm>> -> memref<512x32xf32, #tpu.memory_space<hbm>>
      %dma_wait3A_25 = arith.constant 0 : i32
      %dma_wait3A_26 = tpu.memref_slice %arg6[%mul3A_2, %dma_wait3A_25] : memref<16384x32xf32, #tpu.memory_space<hbm>> -> memref<512x32xf32, #tpu.memory_space<hbm>>
      tpu.wait_dma2 semaphore(%run_scoped3A : memref<!tpu.dma_semaphore, #tpu.memory_space<semaphore_mem>>) src(%arg10 : memref<512x32xf32, #tpu.memory_space<vmem>>) dst(%dma_wait3A_26 : memref<512x32xf32, #tpu.memory_space<hbm>>)
      tpu.yield
    }) : () -> ()
    return
  }
}

module attributes {stable_mosaic.version = 14 : i64} {
  func.func @_k2_body(%arg0: i32, %arg1: memref<3128x32xf32, #tpu.memory_space<vmem>>, %arg2: memref<1x3128x1xf32, #tpu.memory_space<vmem>>, %arg3: memref<1x3128x1xf32, #tpu.memory_space<vmem>>, %arg4: memref<3128x1xf32, #tpu.memory_space<vmem>>, %arg5: memref<3128x32xf32, #tpu.memory_space<vmem>>) attributes {dimension_semantics = [#tpu.dimension_semantics<arbitrary>], iteration_bounds = array<i64: 16>, scalar_prefetch = 0 : i64, scratch_operands = 0 : i64, tpu.core_type = #tpu.core_type<tc>, window_params = [{transform_indices = @transform_0, window_bounds = array<i64: 3128, 32>}, {transform_indices = @transform_1, window_bounds = array<i64: 1, 3128, 1>}, {transform_indices = @transform_2, window_bounds = array<i64: 1, 3128, 1>}, {transform_indices = @transform_3, window_bounds = array<i64: 3128, 1>}, {transform_indices = @transform_4, window_bounds = array<i64: 3128, 32>}]} {
    %get3A = arith.constant 0 : index
    %get3A_0 = arith.constant 0 : index
    %get3A_1 = arith.constant 0 : index
    %get3A_2 = vector.load %arg2[%get3A, %get3A_0, %get3A_1] : memref<1x3128x1xf32, #tpu.memory_space<vmem>>, vector<1x3128x1xf32>
    %get3A_3 = vector.shape_cast %get3A_2 : vector<1x3128x1xf32> to vector<3128x1xf32>
    %get3A_4 = arith.constant 0 : index
    %get3A_5 = arith.constant 0 : index
    %get3A_6 = arith.constant 0 : index
    %get3A_7 = vector.load %arg3[%get3A_4, %get3A_5, %get3A_6] : memref<1x3128x1xf32, #tpu.memory_space<vmem>>, vector<1x3128x1xf32>
    %get3A_8 = vector.shape_cast %get3A_7 : vector<1x3128x1xf32> to vector<3128x1xf32>
    %add3A = arith.addf %get3A_3, %get3A_8 : vector<3128x1xf32>
    %gt3A = arith.constant 0.000000e+00 : f32
    %gt3A_9 = vector.broadcast %gt3A : f32 to vector<3128x1xf32>
    %gt3A_10 = arith.cmpf ogt, %add3A, %gt3A_9 : vector<3128x1xf32>
    %max3A = arith.constant 1.000000e+00 : f32
    %max3A_11 = vector.broadcast %max3A : f32 to vector<3128x1xf32>
    %max3A_12 = arith.maximumf %add3A, %max3A_11 : vector<3128x1xf32>
    %rsqrt3A = math.rsqrt %max3A_12 : vector<3128x1xf32>
    %jit3A = arith.constant 0.000000e+00 : f32
    %broadcast_in_dim3A = vector.broadcast %jit3A : f32 to vector<3128x1xf32>
    %select_n3A = arith.select %gt3A_10, %rsqrt3A, %broadcast_in_dim3A : vector<3128x1xi1>, vector<3128x1xf32>
    %swap3A = arith.constant 0 : index
    %swap3A_13 = arith.constant 0 : index
    %swap3A_14 = vector.load %arg4[%swap3A, %swap3A_13] : memref<3128x1xf32, #tpu.memory_space<vmem>>, vector<3128x1xf32>
    tpu.vector_store %arg4[%swap3A, %swap3A_13], %select_n3A {strides = array<i32>} : memref<3128x1xf32, #tpu.memory_space<vmem>>, vector<3128x1xf32>,
    %get3A_15 = arith.constant 0 : index
    %get3A_16 = arith.constant 0 : index
    %get3A_17 = vector.load %arg1[%get3A_15, %get3A_16] : memref<3128x32xf32, #tpu.memory_space<vmem>>, vector<3128x32xf32>
    %mul3A = vector.broadcast %select_n3A : vector<3128x1xf32> to vector<3128x32xf32>
    %mul3A_18 = arith.mulf %get3A_17, %mul3A : vector<3128x32xf32>
    %swap3A_19 = arith.constant 0 : index
    %swap3A_20 = arith.constant 0 : index
    %swap3A_21 = vector.load %arg5[%swap3A_19, %swap3A_20] : memref<3128x32xf32, #tpu.memory_space<vmem>>, vector<3128x32xf32>
    tpu.vector_store %arg5[%swap3A_19, %swap3A_20], %mul3A_18 {strides = array<i32>} : memref<3128x32xf32, #tpu.memory_space<vmem>>, vector<3128x32xf32>,
    return
  }
  func.func @transform_0(%arg0: i32) -> (i32, i32) {
    %c0_i32 = arith.constant 0 : i32
    %c0_i32_0 = arith.constant 0 : i32
    return %arg0, %c0_i32 : i32, i32
  }
  func.func @transform_1(%arg0: i32) -> (i32, i32, i32) {
    %c0_i32 = arith.constant 0 : i32
    %c0_i32_0 = arith.constant 0 : i32
    %c0_i32_1 = arith.constant 0 : i32
    return %c0_i32, %arg0, %c0_i32_0 : i32, i32, i32
  }
  func.func @transform_2(%arg0: i32) -> (i32, i32, i32) {
    %c1_i32 = arith.constant 1 : i32
    %c0_i32 = arith.constant 0 : i32
    %c0_i32_0 = arith.constant 0 : i32
    return %c1_i32, %arg0, %c0_i32 : i32, i32, i32
  }
  func.func @transform_3(%arg0: i32) -> (i32, i32) {
    %c0_i32 = arith.constant 0 : i32
    %c0_i32_0 = arith.constant 0 : i32
    return %arg0, %c0_i32 : i32, i32
  }
  func.func @transform_4(%arg0: i32) -> (i32, i32) {
    %c0_i32 = arith.constant 0 : i32
    %c0_i32_0 = arith.constant 0 : i32
    return %arg0, %c0_i32 : i32, i32
  }
}

module attributes {stable_mosaic.version = 14 : i64} {
  func.func @_k4_body(%arg0: i32, %arg1: memref<1x3128x32xf32, #tpu.memory_space<vmem>>, %arg2: memref<1x3128x32xf32, #tpu.memory_space<vmem>>, %arg3: memref<3128x1xf32, #tpu.memory_space<vmem>>, %arg4: memref<3128x32xf32, #tpu.memory_space<vmem>>, %arg5: memref<3128x32xf32, #tpu.memory_space<vmem>>, %arg6: memref<3128x32xf32, #tpu.memory_space<vmem>>) attributes {dimension_semantics = [#tpu.dimension_semantics<arbitrary>], iteration_bounds = array<i64: 16>, scalar_prefetch = 0 : i64, scratch_operands = 0 : i64, tpu.core_type = #tpu.core_type<tc>, window_params = [{transform_indices = @transform_0, window_bounds = array<i64: 1, 3128, 32>}, {transform_indices = @transform_1, window_bounds = array<i64: 1, 3128, 32>}, {transform_indices = @transform_2, window_bounds = array<i64: 3128, 1>}, {transform_indices = @transform_3, window_bounds = array<i64: 3128, 32>}, {transform_indices = @transform_4, window_bounds = array<i64: 3128, 32>}, {transform_indices = @transform_5, window_bounds = array<i64: 3128, 32>}]} {
    %get3A = arith.constant 0 : index
    %get3A_0 = arith.constant 0 : index
    %get3A_1 = vector.load %arg3[%get3A, %get3A_0] : memref<3128x1xf32, #tpu.memory_space<vmem>>, vector<3128x1xf32>
    %get3A_2 = arith.constant 0 : index
    %get3A_3 = arith.constant 0 : index
    %get3A_4 = arith.constant 0 : index
    %get3A_5 = vector.load %arg1[%get3A_2, %get3A_3, %get3A_4] : memref<1x3128x32xf32, #tpu.memory_space<vmem>>, vector<1x3128x32xf32>
    %get3A_6 = vector.shape_cast %get3A_5 : vector<1x3128x32xf32> to vector<3128x32xf32>
    %get3A_7 = arith.constant 0 : index
    %get3A_8 = arith.constant 0 : index
    %get3A_9 = arith.constant 0 : index
    %get3A_10 = vector.load %arg2[%get3A_7, %get3A_8, %get3A_9] : memref<1x3128x32xf32, #tpu.memory_space<vmem>>, vector<1x3128x32xf32>
    %get3A_11 = vector.shape_cast %get3A_10 : vector<1x3128x32xf32> to vector<3128x32xf32>
    %add3A = arith.addf %get3A_6, %get3A_11 : vector<3128x32xf32>
    %mul3A = vector.broadcast %get3A_1 : vector<3128x1xf32> to vector<3128x32xf32>
    %mul3A_12 = arith.mulf %add3A, %mul3A : vector<3128x32xf32>
    %get3A_13 = arith.constant 0 : index
    %get3A_14 = arith.constant 0 : index
    %get3A_15 = vector.load %arg4[%get3A_13, %get3A_14] : memref<3128x32xf32, #tpu.memory_space<vmem>>, vector<3128x32xf32>
    %add3A_16 = arith.addf %get3A_15, %mul3A_12 : vector<3128x32xf32>
    %swap3A = arith.constant 0 : index
    %swap3A_17 = arith.constant 0 : index
    %swap3A_18 = vector.load %arg5[%swap3A, %swap3A_17] : memref<3128x32xf32, #tpu.memory_space<vmem>>, vector<3128x32xf32>
    tpu.vector_store %arg5[%swap3A, %swap3A_17], %add3A_16 {strides = array<i32>} : memref<3128x32xf32, #tpu.memory_space<vmem>>, vector<3128x32xf32>,
    %mul3A_19 = vector.broadcast %get3A_1 : vector<3128x1xf32> to vector<3128x32xf32>
    %mul3A_20 = arith.mulf %mul3A_12, %mul3A_19 : vector<3128x32xf32>
    %swap3A_21 = arith.constant 0 : index
    %swap3A_22 = arith.constant 0 : index
    %swap3A_23 = vector.load %arg6[%swap3A_21, %swap3A_22] : memref<3128x32xf32, #tpu.memory_space<vmem>>, vector<3128x32xf32>
    tpu.vector_store %arg6[%swap3A_21, %swap3A_22], %mul3A_20 {strides = array<i32>} : memref<3128x32xf32, #tpu.memory_space<vmem>>, vector<3128x32xf32>,
    return
  }
  func.func @transform_0(%arg0: i32) -> (i32, i32, i32) {
    %c0_i32 = arith.constant 0 : i32
    %c0_i32_0 = arith.constant 0 : i32
    %c0_i32_1 = arith.constant 0 : i32
    return %c0_i32, %arg0, %c0_i32_0 : i32, i32, i32
  }
  func.func @transform_1(%arg0: i32) -> (i32, i32, i32) {
    %c1_i32 = arith.constant 1 : i32
    %c0_i32 = arith.constant 0 : i32
    %c0_i32_0 = arith.constant 0 : i32
    return %c1_i32, %arg0, %c0_i32 : i32, i32, i32
  }
  func.func @transform_2(%arg0: i32) -> (i32, i32) {
    %c0_i32 = arith.constant 0 : i32
    %c0_i32_0 = arith.constant 0 : i32
    return %arg0, %c0_i32 : i32, i32
  }
  func.func @transform_3(%arg0: i32) -> (i32, i32) {
    %c0_i32 = arith.constant 0 : i32
    %c0_i32_0 = arith.constant 0 : i32
    return %arg0, %c0_i32 : i32, i32
  }
  func.func @transform_4(%arg0: i32) -> (i32, i32) {
    %c0_i32 = arith.constant 0 : i32
    %c0_i32_0 = arith.constant 0 : i32
    return %arg0, %c0_i32 : i32, i32
  }
  func.func @transform_5(%arg0: i32) -> (i32, i32) {
    %c0_i32 = arith.constant 0 : i32
    %c0_i32_0 = arith.constant 0 : i32
    return %arg0, %c0_i32 : i32, i32
  }
}

module attributes {stable_mosaic.version = 14 : i64} {
  func.func @_k4_last_body(%arg0: i32, %arg1: memref<1x3128x32xf32, #tpu.memory_space<vmem>>, %arg2: memref<1x3128x32xf32, #tpu.memory_space<vmem>>, %arg3: memref<3128x1xf32, #tpu.memory_space<vmem>>, %arg4: memref<3128x32xf32, #tpu.memory_space<vmem>>, %arg5: memref<3128x32xf32, #tpu.memory_space<vmem>>) attributes {dimension_semantics = [#tpu.dimension_semantics<arbitrary>], iteration_bounds = array<i64: 16>, scalar_prefetch = 0 : i64, scratch_operands = 0 : i64, tpu.core_type = #tpu.core_type<tc>, window_params = [{transform_indices = @transform_0, window_bounds = array<i64: 1, 3128, 32>}, {transform_indices = @transform_1, window_bounds = array<i64: 1, 3128, 32>}, {transform_indices = @transform_2, window_bounds = array<i64: 3128, 1>}, {transform_indices = @transform_3, window_bounds = array<i64: 3128, 32>}, {transform_indices = @transform_4, window_bounds = array<i64: 3128, 32>}]} {
    %get3A = arith.constant 0 : index
    %get3A_0 = arith.constant 0 : index
    %get3A_1 = arith.constant 0 : index
    %get3A_2 = vector.load %arg1[%get3A, %get3A_0, %get3A_1] : memref<1x3128x32xf32, #tpu.memory_space<vmem>>, vector<1x3128x32xf32>
    %get3A_3 = vector.shape_cast %get3A_2 : vector<1x3128x32xf32> to vector<3128x32xf32>
    %get3A_4 = arith.constant 0 : index
    %get3A_5 = arith.constant 0 : index
    %get3A_6 = arith.constant 0 : index
    %get3A_7 = vector.load %arg2[%get3A_4, %get3A_5, %get3A_6] : memref<1x3128x32xf32, #tpu.memory_space<vmem>>, vector<1x3128x32xf32>
    %get3A_8 = vector.shape_cast %get3A_7 : vector<1x3128x32xf32> to vector<3128x32xf32>
    %add3A = arith.addf %get3A_3, %get3A_8 : vector<3128x32xf32>
    %get3A_9 = arith.constant 0 : index
    %get3A_10 = arith.constant 0 : index
    %get3A_11 = vector.load %arg3[%get3A_9, %get3A_10] : memref<3128x1xf32, #tpu.memory_space<vmem>>, vector<3128x1xf32>
    %mul3A = vector.broadcast %get3A_11 : vector<3128x1xf32> to vector<3128x32xf32>
    %mul3A_12 = arith.mulf %add3A, %mul3A : vector<3128x32xf32>
    %get3A_13 = arith.constant 0 : index
    %get3A_14 = arith.constant 0 : index
    %get3A_15 = vector.load %arg4[%get3A_13, %get3A_14] : memref<3128x32xf32, #tpu.memory_space<vmem>>, vector<3128x32xf32>
    %add3A_16 = arith.addf %get3A_15, %mul3A_12 : vector<3128x32xf32>
    %swap3A = arith.constant 0 : index
    %swap3A_17 = arith.constant 0 : index
    %swap3A_18 = vector.load %arg5[%swap3A, %swap3A_17] : memref<3128x32xf32, #tpu.memory_space<vmem>>, vector<3128x32xf32>
    tpu.vector_store %arg5[%swap3A, %swap3A_17], %add3A_16 {strides = array<i32>} : memref<3128x32xf32, #tpu.memory_space<vmem>>, vector<3128x32xf32>,
    return
  }
  func.func @transform_0(%arg0: i32) -> (i32, i32, i32) {
    %c0_i32 = arith.constant 0 : i32
    %c0_i32_0 = arith.constant 0 : i32
    %c0_i32_1 = arith.constant 0 : i32
    return %c0_i32, %arg0, %c0_i32_0 : i32, i32, i32
  }
  func.func @transform_1(%arg0: i32) -> (i32, i32, i32) {
    %c1_i32 = arith.constant 1 : i32
    %c0_i32 = arith.constant 0 : i32
    %c0_i32_0 = arith.constant 0 : i32
    return %c1_i32, %arg0, %c0_i32 : i32, i32, i32
  }
  func.func @transform_2(%arg0: i32) -> (i32, i32) {
    %c0_i32 = arith.constant 0 : i32
    %c0_i32_0 = arith.constant 0 : i32
    return %arg0, %c0_i32 : i32, i32
  }
  func.func @transform_3(%arg0: i32) -> (i32, i32) {
    %c0_i32 = arith.constant 0 : i32
    %c0_i32_0 = arith.constant 0 : i32
    return %arg0, %c0_i32 : i32, i32
  }
  func.func @transform_4(%arg0: i32) -> (i32, i32) {
    %c0_i32 = arith.constant 0 : i32
    %c0_i32_0 = arith.constant 0 : i32
    return %arg0, %c0_i32 : i32, i32
  }
}

module attributes {stable_mosaic.version = 14 : i64} {
  func.func @_k_dot_body(%arg0: i32, %arg1: memref<2048x32xf32, #tpu.memory_space<vmem>>, %arg2: memref<2048x32xf32, #tpu.memory_space<vmem>>, %arg3: memref<2048x1xf32, #tpu.memory_space<vmem>>) attributes {dimension_semantics = [#tpu.dimension_semantics<arbitrary>], iteration_bounds = array<i64: 8>, scalar_prefetch = 0 : i64, scratch_operands = 0 : i64, tpu.core_type = #tpu.core_type<tc>, window_params = [{transform_indices = @transform_0, window_bounds = array<i64: 2048, 32>}, {transform_indices = @transform_1, window_bounds = array<i64: 2048, 32>}, {transform_indices = @transform_2, window_bounds = array<i64: 2048, 1>}]} {
    %get3A = arith.constant 0 : index
    %get3A_0 = arith.constant 0 : index
    %get3A_1 = vector.load %arg1[%get3A, %get3A_0] : memref<2048x32xf32, #tpu.memory_space<vmem>>, vector<2048x32xf32>
    %get3A_2 = arith.constant 0 : index
    %get3A_3 = arith.constant 0 : index
    %get3A_4 = vector.load %arg2[%get3A_2, %get3A_3] : memref<2048x32xf32, #tpu.memory_space<vmem>>, vector<2048x32xf32>
    %mul3A = arith.mulf %get3A_1, %get3A_4 : vector<2048x32xf32>
    %reduce_sum3A = arith.constant dense<0.000000e+00> : vector<2048xf32>
    %reduce_sum3A_5 = vector.multi_reduction <add>, %mul3A, %reduce_sum3A [1] : vector<2048x32xf32> to vector<2048xf32>
    %broadcast_in_dim3A = vector.shape_cast %reduce_sum3A_5 : vector<2048xf32> to vector<2048x1xf32>
    %mul3A_6 = arith.constant 6.250000e-02 : f32
    %mul3A_7 = vector.broadcast %mul3A_6 : f32 to vector<2048x1xf32>
    %mul3A_8 = arith.mulf %broadcast_in_dim3A, %mul3A_7 : vector<2048x1xf32>
    %swap3A = arith.constant 0 : index
    %swap3A_9 = arith.constant 0 : index
    %swap3A_10 = vector.load %arg3[%swap3A, %swap3A_9] : memref<2048x1xf32, #tpu.memory_space<vmem>>, vector<2048x1xf32>
    tpu.vector_store %arg3[%swap3A, %swap3A_9], %mul3A_8 {strides = array<i32>} : memref<2048x1xf32, #tpu.memory_space<vmem>>, vector<2048x1xf32>,
    return
  }
  func.func @transform_0(%arg0: i32) -> (i32, i32) {
    %c0_i32 = arith.constant 0 : i32
    %c0_i32_0 = arith.constant 0 : i32
    return %arg0, %c0_i32 : i32, i32
  }
  func.func @transform_1(%arg0: i32) -> (i32, i32) {
    %c0_i32 = arith.constant 0 : i32
    %c0_i32_0 = arith.constant 0 : i32
    return %arg0, %c0_i32 : i32, i32
  }
  func.func @transform_2(%arg0: i32) -> (i32, i32) {
    %c0_i32 = arith.constant 0 : i32
    %c0_i32_0 = arith.constant 0 : i32
    return %arg0, %c0_i32 : i32, i32
  }
}

</mosaic_0001>

<sc_bundles>
// kernel: kernel.12.cloned.1.call-start
scs
__scs_entry_jumppad:
0x0: {  	(pc) =	sbr.rel $0x88, $3  }
0x1: {  	(tag) =	ssettag $0x0;
	lr =	simm.s32 $0x1  }
0x2: {  	[smem:$0x3F9C] =	sst lr;
	_ =	strace $0xD0000000  }
0x3: {  	_ = 	snop  }
0x4: {  	_ = 	snop  }
0x5: {  	_ = 	snop  }
0x6: {  	_ = 	snop  }
0x7: {  	_ = 	snop  }
__scs_overlays_trampoline_lowered:
0x8: {  	[smem:$0x3FAB] =	sst s0  }
0x9: {  	[smem:$0x3FAC] =	sst s1  }
0xa: {  	[smem:$0x3FAD] =	sst s2  }
0xb: {  	[smem:$0x3FAE] =	sst s3  }
0xc: {  	[smem:$0x3FAF] =	sst s4  }
0xd: {  	[smem:$0x3FB0] =	sst s5  }
0xe: {  	[smem:$0x3FB1] =	sst s6  }
0xf: {  	[smem:$0x3FB2] =	sst s7  }
0x10: {  	[smem:$0x3FB3] =	sst s8  }
0x11: {  	[smem:$0x3FB4] =	sst s9;
	s0 =	simm.s32 @!p0 $0x0  }
0x12: {  	s1 =	sld [smem:$0x3F9A];
	s0 =	simm.s32 @p0 $0x1  }
0x13: {  	[smem:$0x3FB5] =	sst s0;
	s0 =	simm.s32 @!p1 $0x0  }
0x14: {  	s2 =	sld [smem:$0x3F99];
	s0 =	simm.s32 @p1 $0x1  }
0x15: {  	[smem:$0x3FB6] =	sst s0;
	s0 =	simm.s32 @!p2 $0x0  }
0x16: {  	s3 =	sld [smem:$0x3FDB];
	s0 =	simm.s32 @p2 $0x1  }
0x17: {  	s4 =	simm.s32 $0x1BF5;
	[smem:$0x3FB8] =	sst s0  }
0x18: {  	s0 =	sld [smem:$0x3F9B];
	_ =	swait.ge [sflag:s4], $0x0  }
0x19: {  	s7 =	sld [smem:$0x3F9C]  }
0x1a: {  	s8 =	sadd.s32 $0xFFFFE003, lr  }
0x1b: {  	s9 =	sadd.s32 $0xFFFFFEF7, lr;
	s5 =	simm.s32 $0xFFFFFFFF;
	p2 =	slt.u32 s8, $0xFFFFF086  }
0x1c: {  	p1 =	slt.u32 s9, $0xF7A;
	s5 =	simm.s32 @!p2 $0x0  }
0x1d: {  	s5 =	simm.s32 @p1 $0x1;
	p0 =	seq.s32 s7, s2  }
0x1e: {  	s7 =	smul.u32 @!p0 $0xF7A, s2;
	p2 =	seq.s32 @!p0 s5, $0x0  }
0x1f: {  	s9 =	smul.u32 $0xF7A, s1;
	s8 =	simm.s32 @!p0 $0x1BF5;
	p2 =	por !p2, p0  }
0x20: {  	[sflag:s8] =	ssyncset.s32 @!p0 $0xFFFFF086;
	s6 =	sadd.s32 @!p0 s3, s7;
	s7 =	simm.s32 @!p0 $0x108  }
0x21: {  	s3 =	sadd.s32 s3, s9;
	s6 =	sadd.s32 @!p0 $0x88, s6;
	s7 =	simm.s32 @p2 $0x1082  }
0x22: {  	[simem:s7], [sflag:s8] =	dma.local @!p0 [hbm:s6], $0xF7A  }
0x23: {  	s9 =	sor.u32 $0xD0000000, s2;
	s6 =	simm.s32 $0x108;
	_ =	swait.ge @!p0 [sflag:s8], $0x0  }
0x24: {  	s3 =	sadd.s32 $0x88, s3;
	s6 =	simm.s32 @!p1 $0x1082;
	[sflag:s4] =	ssyncset.s32 $0xFFFFF086  }
0x25: {  	[simem:s6], [sflag:s4] =	dma.local [hbm:s3], $0xF7A  }
0x26: {  	[smem:$0x3F9C] =	sst s1;
	(tag) =	ssettag s2;
	_ =	strace s9  }
0x27: {  	s1 =	sld [smem:$0x3FAC]  }
0x28: {  	s2 =	sld [smem:$0x3FAD]  }
0x29: {  	s4 =	sld [smem:$0x3FAF]  }
0x2a: {  	p0 =	seq.s32 s5, $0x0;
	s5 =	sld [smem:$0x3FB0]  }
0x2b: {  	s6 =	sld [smem:$0x3FB1]  }
0x2c: {  	s7 =	sld [smem:$0x3FB2]  }
0x2d: {  	s3 =	simm.s32 $0x108;
	s8 =	sld [smem:$0x3FB3]  }
0x2e: {  	s3 =	simm.s32 @!p0 $0x1082;
	s9 =	sld [smem:$0x3FB4]  }
0x2f: {  	lr =	sadd.s32 s0, s3;
	s0 =	sld [smem:$0x3FAB]  }
0x30: {  	s3 =	sld [smem:$0x3FAE]  }
0x31: {  	[smem:$0x3FB7] =	sst s10  }
0x32: {  	s10 =	sld [smem:$0x3FB5];
	_ =	sdelay $0x3  }
0x33: {  	p0 =	seq.s32 s10, $0x1;
	s10 =	sld [smem:$0x3FB7];
	_ =	sdelay $0x3  }
0x34: {  	[smem:$0x3FB7] =	sst s10  }
0x35: {  	s10 =	sld [smem:$0x3FB6];
	_ =	sdelay $0x3  }
0x36: {  	p1 =	seq.s32 s10, $0x1;
	s10 =	sld [smem:$0x3FB7];
	_ =	sdelay $0x3  }
0x37: {  	[smem:$0x3FB7] =	sst s10  }
0x38: {  	s10 =	sld [smem:$0x3FB8]  }
0x39: {  	_ = 	snop;
	(pc) =	sbr.ind lr, $3  }
0x3a: {  	_ = 	snop  }
0x3b: {  	_ = 	snop  }
0x3c: {  	p2 =	seq.s32 s10, $0x1;
	s10 =	sld [smem:$0x3FB7]  }
0x3d: {  	_ =	shalt  }
0x3e: {  	_ =	shalt  }
0x3f: {  	_ =	shalt  }
0x40: {  	_ =	shalt  }
0x41: {  	_ =	shalt  }
0x42: {  	_ =	shalt  }
0x43: {  	_ =	shalt  }
0x44: {  	_ =	shalt  }
0x45: {  	_ =	shalt  }
0x46: {  	_ =	shalt  }
0x47: {  	_ =	shalt  }
0x48: {  	_ =	shalt  }
0x49: {  	_ =	shalt  }
0x4a: {  	_ =	shalt  }
0x4b: {  	_ =	shalt  }
0x4c: {  	_ =	shalt  }
0x4d: {  	_ =	shalt  }
0x4e: {  	_ =	shalt  }
0x4f: {  	_ =	shalt  }
0x50: {  	_ =	shalt  }
0x51: {  	_ =	shalt  }
0x52: {  	_ =	shalt  }
0x53: {  	_ =	shalt  }
0x54: {  	_ =	shalt  }
0x55: {  	_ =	shalt  }
0x56: {  	_ =	shalt  }
0x57: {  	_ =	shalt  }
0x58: {  	_ =	shalt  }
0x59: {  	_ =	shalt  }
0x5a: {  	_ =	shalt  }
0x5b: {  	_ =	shalt  }
0x5c: {  	_ =	shalt  }
0x5d: {  	_ =	shalt  }
0x5e: {  	_ =	shalt  }
0x5f: {  	_ =	shalt  }
0x60: {  	_ =	shalt  }
0x61: {  	_ =	shalt  }
0x62: {  	_ =	shalt  }
0x63: {  	_ =	shalt  }
0x64: {  	_ =	shalt  }
0x65: {  	_ =	shalt  }
0x66: {  	_ =	shalt  }
0x67: {  	_ =	shalt  }
0x68: {  	_ =	shalt  }
0x69: {  	_ =	shalt  }
0x6a: {  	_ =	shalt  }
0x6b: {  	_ =	shalt  }
0x6c: {  	_ =	shalt  }
0x6d: {  	_ =	shalt  }
0x6e: {  	_ =	shalt  }
0x6f: {  	_ =	shalt  }
0x70: {  	_ =	shalt  }
0x71: {  	_ =	shalt  }
0x72: {  	_ =	shalt  }
0x73: {  	_ =	shalt  }
0x74: {  	_ =	shalt  }
0x75: {  	_ =	shalt  }
0x76: {  	_ =	shalt  }
0x77: {  	_ =	shalt  }
0x78: {  	_ =	shalt  }
0x79: {  	_ =	shalt  }
0x7a: {  	_ =	shalt  }
0x7b: {  	_ =	shalt  }
0x7c: {  	_ =	shalt  }
0x7d: {  	_ =	shalt  }
0x7e: {  	_ =	shalt  }
0x7f: {  	_ =	shalt  }
0x80: {  	_ =	shalt  }
0x81: {  	_ =	shalt  }
0x82: {  	_ =	shalt  }
0x83: {  	_ =	shalt  }
0x84: {  	_ =	shalt  }
0x85: {  	_ =	shalt  }
0x86: {  	_ =	shalt  }
0x87: {  	_ =	shalt  }
.Lfunc_end0:
.L_simem_size_0:
called_computation_lowered:
.L_overlay_start_0:
0x88: {  	s2 =	sld [smem:$0x3FD9]  }
0x89: {  	s3 =	sld [smem:$0x3FFE];
	_ =	sdelay $0x1  }
0x8a: {  	s1 =	srdreg.scid  }
0x8b: {  	s0 =	sand.u32 $0x1, s1  }
0x8c: {  	s17 =	sshll.u32 s0, $0xA;
	s2 =	sadd.s32 s3, s2  }
0x8d: {  	s2 =	sadd.s32 s2, s17  }
0x8e: {  	[smem:$0x3FC3] =	sst s2  }
0x8f: {  	_ = 	snop  }
0x90: {  	s2 =	sld [smem:$0x3FD0];
	(tm) =	ssettm $0x1  }
0x91: {  	s18 =	sld [smem:$0x3FFB];
	_ =	sdelay $0x3  }
0x92: {  	_ =	strace s18  }
0x93: {  	s3 =	sld [smem:$0x3FFC];
	_ =	sdelay $0x3  }
0x94: {  	_ =	strace s3  }
0x95: {  	s3 =	sld [smem:$0x3FFD];
	_ =	sdelay $0x3  }
0x96: {  	_ =	strace s3  }
0x97: {  	_ =	strace $0x8FFFFFFF  }
0x98: {  	s19 =	sld [smem:$0x3FDB];
	_ =	sdelay $0x1  }
0x99: {  	s4 =	simm.s32 $_scs_section_size  }
0x9a: {  	s5 =	simm.s32 $_size__tile_overlayer_lowered;
	s6 =	simm.s32 $_tile_overlayer_lowered  }
0x9b: {  	s22 =	simm.s32 $0x1BFF;
	s21 =	sshll.u32 s6, $0x1;
	s3 =	sadd.s32 s4, s19  }
0x9c: {  	s7 =	simm.s32 $0x0;
	s20 =	sshll.u32 s5, $0x1;
	s5 =	sadd.s32 s21, s3  }
0x9d: {  	[timem:s7], [sflag:s22] =	dma.local [hbm:s5], s20  }
0x9e: {  	_ =	swait.ge [sflag:s22], s20  }
0x9f: {  	s4 =	ssub.s32 $0x0, s20;
	[sflag:s22] =	ssyncset.done $0x0  }
0xa0: {  	[sflag:s22] =	ssyncadd.s32 s4;
	_ =	sdelay $0x1  }
0xa1: {  	s23 =	simm.s32 $0x1B8B  }
0xa2: {  	_ =	swait.ge [sflag:s23], $0x1  }
0xa3: {  	[sflag:s23] =	ssyncset.done $0x0  }
0xa4: {  	s25 =	simm.s32 $0x1B8E;
	s24 =	sld [smem:$0x3FFE];
	[sflag:s23] =	ssyncadd.s32 $0xFFFFFFFF  }
0xa5: {  	s26 =	simm.s32 $execute0_lowered;
	[smem:$0x3FD2] =	sst s25  }
0xa6: {  	s5 =	sshll.u32 s26, $0x1;
	_ =	strace $0x80000046;
	[dreg:$0x1] =	wrdreg $0xFFFFFFFF  }
0xa7: {  	s28 =	simm.s32 $_size_execute0_lowered;
	s3 =	sadd.s32 s3, s5;
	[dreg:$0x0] =	wrdreg $0x0  }
0xa8: {  	s5 =	sshll.u32 s28, $0x1;
	[dreg:$0x2] =	wrdreg s3  }
0xa9: {  	[dreg:$0x3] =	wrdreg s5  }
0xaa: {  	[dreg:$0x4] =	wrdreg $0xC0  }
0xab: {  	_ =	task [dreg:s7], $0x5FFFF  }
0xac: {  	[dreg:$0x1] =	wrdreg $0xFFFFFFFF  }
0xad: {  	[dreg:$0x0] =	wrdreg $0x60  }
0xae: {  	[dreg:$0x2] =	wrdreg s24  }
0xaf: {  	[dreg:$0x3] =	wrdreg s2  }
0xb0: {  	[dreg:$0x4] =	wrdreg $0x0  }
0xb1: {  	[dreg:$0x5] =	wrdreg $0x9  }
0xb2: {  	_ =	task.clear_ibuf [dreg:s7], $0x6FFFF;
	_ =	strace $0x90000046  }
0xb3: {  	s29 =	simm.s32 $0x9;
	_ =	strace $0x80000048  }
0xb4: {  	_ =	swait.ge [sflag:s29], $0x1  }
0xb5: {  	[sflag:s29] =	ssyncadd.s32 $0xFFFFFFFF  }
0xb6: {  	_ =	strace $0x90000048  }
0xb7: {  	_ =	sfence  }
0xb8: {  	s30 =	sld [smem:$0x0];
	_ =	sdelay $0x2  }
0xb9: {  	s31 =	sshll.u32 s1, $0xD;
	s1 =	sshrl.u32 s1, $0x2  }
0xba: {  	s3 =	sand.u32 $0x4000, s31;
	s1 =	sadd.s32 s1, s30  }
0xbb: {  	s0 =	sor.u32 s3, s0;
	s1 =	sshll.u32 s1, $0x11  }
0xbc: {  	s0 =	sor.u32 s1, s0  }
0xbd: {  	s0 =	sadd.s32 $0x8F2B, s0  }
0xbe: {  	[sflag:s0] =	ssyncadd.remote.s32 $0x1  }
0xbf: {  	_ =	sfence.sel $0xFFFF  }
0xc0: {  	[dreg:$0x0] =	wrdreg $0xFFFFFFFF;
	(pc) =	sbr.abs _section_cstart, $3  }
0xc1: {  	[dreg:$0x1] =	wrdreg $0xFFFFFFFF  }
0xc2: {  	_ =	task.clear_ibuf [dreg:s7], $0x2FFFF;
	_ =	strace $0x9FFFFFFF  }
0xc3: {  	(tm) =	ssettm $0x7FFFFFFF  }
tec
execute0_lowered:
.L_overlay_start_1:
0x0: {  	(tag) =	ssettag $0x1  }
0x1: {  	s5 =	rddreg [dreg:$0x0]  }
0x2: {  	s2 =	rddreg [dreg:$0x1]  }
0x3: {  	s3 =	rddreg [dreg:$0x2]  }
0x4: {  	s0 =	rddreg [dreg:$0x3];
	s4 =	simm.s32 $0x0;
	s1 =	stileid.u32  }
0x5: {  	s6 =	srdreg.scid;
	s16 =	simm.s32 $0xC38;
	s17 =	simm.s32 $0xDC8  }
0x6: {  	s18 =	simm.s32 $0x1;
	s19 =	simm.s32 $0x190;
	s20 =	simm.s32 $0x2  }
0x7: {  	s21 =	simm.s32 $0x0;
	[smem:$0x7FF] =	sst s4;
	s7 =	smul.u32 $0xC38, s1  }
0x8: {  	s6 =	sand.u32 $0x1, s6;
	s12 =	sadd.s32 $0x1800, s5;
	s10 =	sshll.u32 s1, $0x1  }
0x9: {  	s25 =	smul.u32 $0x19000, s1;
	s26 =	sshll.u32 s1, $0x6;
	_ =	strace $0x80000047  }
0xa: {  	s8 =	smul.u32 $0xC380, s6;
	s10 =	sor.u32 s6, s10;
	s11 =	ssub.s32 $0x2, s6  }
0xb: {  	s15 =	smul.u32 $0xC800, s6;
	s6 =	sor.u32 $0x1C03, s26;
	s9 =	sshrl.u32 s7, $0x3  }
0xc: {  	s10 =	smul.u32 $0xC800, s10;
	s24 =	sshrl.u32 s11, $0x1;
	s14 =	sadd.s32 s7, s3  }
0xd: {  	s9 =	sadd.s32 s9, s5;
	s8 =	sadd.s32 s7, s8;
	s11 =	ssub.s32 s11, s24  }
0xe: {  	s29 =	sadd.s32 s15, s25;
	s8 =	sshrl.u32 s8, $0x3;
	s28 =	sshrl.u32 s10, $0x3  }
0xf: {  	s30 =	sor.u32 $0x4B0, s29;
	s15 =	sor.u32 $0x320, s29;
	s10 =	smax.u32 s11, $0x1  }
0x10: {  	s13 =	sadd.s32 s8, s5;
	s5 =	sadd.s32 $0x97800, s9;
	s7 =	sadd.s32 s12, s28  }
0x11: {  	s31 =	sshrl.u32 s30, $0x3;
	s15 =	sshrl.u32 s15, $0x3;
	s8 =	sadd.s32 $0x32, s7  }
0x12: {  	s9 =	sadd.s32 $0x99200, s13;
	s11 =	sadd.s32 s31, s12;
	s12 =	sadd.s32 s15, s12  }
0x13: {  	s13 =	sshrl.u32 s14, $0x3;
	s14 =	simm.s32 $0x3;
	s15 =	simm.s32 $0xF58  }
.LBB2_1:
0x14: {  	[spmem:s13], [sflag:s6] =	dma.local [hbm:s5], $0x187  }
0x15: {  	_ =	swait.ge [sflag:s14], $0x187  }
0x16: {  	[sflag:s14] =	ssyncset.done $0x0  }
0x17: {  	[sflag:s14] =	ssyncadd.s32 $0xFFFFFE79  }
0x18: {  	[tilespmem:s15], [sflag:$0x3] =	stream.linear.gather [hbm4b:s2+s4], $0x190, $0x38;
	[tilespmem:$0x10E8] =	vst v63  }
0x19: {  	_ =	swait.ge [sflag:s14], $0x190  }
0x1a: {  	[sflag:s14] =	ssyncset.done $0x0  }
0x1b: {  	[sflag:s14] =	ssyncadd.s32 $0xFFFFFE70  }
0x1c: {  	[bflag:$0x0] =	sbarrier.arrive $0xFFFF  }
0x1d: {  	[tilespmem:s16], [sflag:$0x1] =	stream.linear.gather [hbm4b:s7+s4], $0x190, $0x38;
	[tilespmem:$0x10E8] =	vst v63  }
0x1e: {  	_ = 	snop  }
0x1f: {  	[tilespmem:s17], [sflag:$0x2] =	stream.linear.gather [hbm4b:s8+s4], $0x190, $0x38;
	[tilespmem:$0x10E8] =	vst v63  }
0x20: {  	_ =	swait.ge [sflag:s18], $0x190  }
0x21: {  	[sflag:s18] =	ssyncset.done $0x0  }
0x22: {  	[sflag:s18] =	ssyncadd.s32 $0xFFFFFE70  }
0x23: {  	[spmem:s3] =	stream.indirect.scatter.add.f32 [tilespmem:s15], [sflag:$0x3], $0x1, s16, s19, $0xb8;
	[tilespmem:$0x10E8] =	vst v63  }
0x24: {  	_ =	swait.ge [sflag:s14], $0x190  }
0x25: {  	[sflag:s14] =	ssyncset.done $0x0  }
0x26: {  	s22 =	sadd.s32 $0x0, s12;
	[sflag:s14] =	ssyncadd.s32 $0xFFFFFE70  }
0x27: {  	[tilespmem:s16], [sflag:$0x1] =	stream.linear.gather [hbm4b:s22+s4], $0x190, $0x38;
	[tilespmem:$0x10E8] =	vst v63  }
0x28: {  	_ =	swait.ge [sflag:s20], $0x190  }
0x29: {  	[sflag:s20] =	ssyncset.done $0x0  }
0x2a: {  	[sflag:s20] =	ssyncadd.s32 $0xFFFFFE70  }
0x2b: {  	[spmem:s3] =	stream.indirect.scatter.add.f32 [tilespmem:s15], [sflag:$0x3], $0x1, s17, s19, $0xb8;
	[tilespmem:$0x10E8] =	vst v63  }
0x2c: {  	_ =	swait.ge [sflag:s14], $0x190  }
0x2d: {  	[sflag:s14] =	ssyncset.done $0x0  }
0x2e: {  	s23 =	sadd.s32 $0x0, s11;
	s22 =	simm.s32 $0x64;
	[sflag:s14] =	ssyncadd.s32 $0xFFFFFE70  }
.LBB2_2:
0x2f: {  	[tilespmem:s17], [sflag:$0x2] =	stream.linear.gather [hbm4b:s23+s4], $0x190, $0x38;
	[tilespmem:$0x10E8] =	vst v63  }
0x30: {  	s23 =	smov.u32 s22  }
0x31: {  	p0 =	sne.s32 s22, $0x1838;
	s22 =	sadd.s32 $0x64, s22;
	_ =	swait.ge [sflag:s18], $0x190  }
0x32: {  	[sflag:s18] =	ssyncset.done $0x0  }
0x33: {  	[sflag:s18] =	ssyncadd.s32 $0xFFFFFE70  }
0x34: {  	[spmem:s3] =	stream.indirect.scatter.add.f32 [tilespmem:s15], [sflag:$0x3], $0x1, s16, s19, $0xb8;
	[tilespmem:$0x10E8] =	vst v63  }
0x35: {  	_ =	swait.ge [sflag:s14], $0x190  }
0x36: {  	[sflag:s14] =	ssyncset.done $0x0  }
0x37: {  	s24 =	sadd.s32 s23, s12;
	[sflag:s14] =	ssyncadd.s32 $0xFFFFFE70  }
0x38: {  	[tilespmem:s16], [sflag:$0x1] =	stream.linear.gather [hbm4b:s24+s4], $0x190, $0x38;
	[tilespmem:$0x10E8] =	vst v63  }
0x39: {  	_ =	swait.ge [sflag:s20], $0x190  }
0x3a: {  	[sflag:s20] =	ssyncset.done $0x0  }
.Ltmp0:
0x3b: {  	[sflag:s20] =	ssyncadd.s32 $0xFFFFFE70;
	(pc) =	sbr.rel @p0 .LBB2_2-.Ltmp0, $4  }
0x3c: {  	[spmem:s3] =	stream.indirect.scatter.add.f32 [tilespmem:s15], [sflag:$0x3], $0x1, s17, s19, $0xb8;
	[tilespmem:$0x10E8] =	vst v63  }
0x3d: {  	_ =	swait.ge [sflag:s14], $0x190  }
0x3e: {  	[sflag:s14] =	ssyncset.done $0x0  }
0x3f: {  	s23 =	sadd.s32 s23, s11;
	[sflag:s14] =	ssyncadd.s32 $0xFFFFFE70  }
0x40: {  	[tilespmem:s17], [sflag:$0x2] =	stream.linear.gather [hbm4b:s23+s4], $0x190, $0x38;
	[tilespmem:$0x10E8] =	vst v63  }
0x41: {  	_ =	swait.ge [sflag:s18], $0x190  }
0x42: {  	[sflag:s18] =	ssyncset.done $0x0  }
0x43: {  	[sflag:s18] =	ssyncadd.s32 $0xFFFFFE70  }
0x44: {  	[spmem:s3] =	stream.indirect.scatter.add.f32 [tilespmem:s15], [sflag:$0x3], $0x1, s16, s19, $0xb8;
	[tilespmem:$0x10E8] =	vst v63  }
0x45: {  	_ =	swait.ge [sflag:s14], $0x190  }
0x46: {  	[sflag:s14] =	ssyncset.done $0x0  }
0x47: {  	[sflag:s14] =	ssyncadd.s32 $0xFFFFFE70  }
0x48: {  	_ =	swait.ge [sflag:s20], $0x190  }
0x49: {  	[sflag:s20] =	ssyncset.done $0x0  }
0x4a: {  	[sflag:s20] =	ssyncadd.s32 $0xFFFFFE70  }
0x4b: {  	[spmem:s3] =	stream.indirect.scatter.add.f32 [tilespmem:s15], [sflag:$0x3], $0x1, s17, s19, $0xb8;
	[tilespmem:$0x10E8] =	vst v63  }
0x4c: {  	_ =	swait.ge [sflag:s14], $0x190  }
0x4d: {  	s21 =	sadd.s32 $0x1, s21;
	[sflag:s14] =	ssyncset.done $0x0  }
0x4e: {  	p0 =	sne.s32 s21, s10;
	[sflag:s14] =	ssyncadd.s32 $0xFFFFFE70  }
.Ltmp1:
0x4f: {  	[bflag:$0x0] =	sbarrier.arrive $0xFFFF;
	(pc) =	sbr.rel @p0 .LBB2_1-.Ltmp1, $4  }
0x50: {  	[hbm:s9], [sflag:s6] =	dma.local [spmem:s13], $0x187  }
0x51: {  	_ =	swait.ge [sflag:s14], $0x187  }
0x52: {  	[sflag:s14] =	ssyncset.done $0x0  }
0x53: {  	[sflag:s14] =	ssyncadd.s32 $0xFFFFFE79  }
0x54: {  	_ =	sfence.sel $0x180000  }
0x55: {  	[bflag:$0x0] =	sbarrier.arrive $0xFFFF  }
0x56: {  	p0 =	sne.s32 s1, $0x0;
	_ =	strace $0x90000047  }
0x57: {  	s0 =	sadd.s32 @!p0 $0x100000, s0;
	[bflag:$0x2] =	sbarrier.arrive $0xFFFF  }
0x58: {  	[sflag:s0] =	ssyncadd.tile.s32 @!p0 $0x1;
	_ =	shalt  }
.Lfunc_end2:
_tile_overlayer_lowered:
.L_overlay_start_2:
0x59: {  	(tag) =	ssettag $0x2  }
0x5a: {  	s0 =	rddreg [dreg:$0x0];
	s2 =	stileid.u32  }
0x5b: {  	s1 =	rddreg [dreg:$0x1];
	p0 =	sne.s32 s2, $0x0  }
0x5c: {  	s3 =	rddreg [dreg:$0x2];
	[bflag:$0x3] =	sbarrier.arrive $0xFFFF;
	s2 =	simm.s32 @!p0 $0x1C03  }
0x5d: {  	[timem:s3], [sflag:s2] =	dma.local @!p0 [hbm:s0], s1  }
0x5e: {  	s0 =	simm.s32 @!p0 $0x3  }
0x5f: {  	_ =	swait.ge @!p0 [sflag:s0], s1  }
0x60: {  	s1 =	ssub.s32 @!p0 $0x0, s1;
	[sflag:s0] =	ssyncset.done @!p0 $0x0  }
0x61: {  	[sflag:s0] =	ssyncadd.s32 @!p0 s1  }
0x62: {  	[bflag:$0x3] =	sbarrier.arrive $0xFFFF  }
0x63: {  	_ =	shalt  }

// kernel: kernel.15.cloned.1.call-start
scs
__scs_entry_jumppad:
0x0: {  	(pc) =	sbr.rel $0x88, $3  }
0x1: {  	(tag) =	ssettag $0x0;
	lr =	simm.s32 $0x1  }
0x2: {  	[smem:$0x3F9C] =	sst lr;
	_ =	strace $0xD0000000  }
0x3: {  	_ = 	snop  }
0x4: {  	_ = 	snop  }
0x5: {  	_ = 	snop  }
0x6: {  	_ = 	snop  }
0x7: {  	_ = 	snop  }
__scs_overlays_trampoline_lowered:
0x8: {  	[smem:$0x3FAB] =	sst s0  }
0x9: {  	[smem:$0x3FAC] =	sst s1  }
0xa: {  	[smem:$0x3FAD] =	sst s2  }
0xb: {  	[smem:$0x3FAE] =	sst s3  }
0xc: {  	[smem:$0x3FAF] =	sst s4  }
0xd: {  	[smem:$0x3FB0] =	sst s5  }
0xe: {  	[smem:$0x3FB1] =	sst s6  }
0xf: {  	[smem:$0x3FB2] =	sst s7  }
0x10: {  	[smem:$0x3FB3] =	sst s8  }
0x11: {  	[smem:$0x3FB4] =	sst s9;
	s0 =	simm.s32 @!p0 $0x0  }
0x12: {  	s1 =	sld [smem:$0x3F9A];
	s0 =	simm.s32 @p0 $0x1  }
0x13: {  	[smem:$0x3FB5] =	sst s0;
	s0 =	simm.s32 @!p1 $0x0  }
0x14: {  	s2 =	sld [smem:$0x3F99];
	s0 =	simm.s32 @p1 $0x1  }
0x15: {  	[smem:$0x3FB6] =	sst s0;
	s0 =	simm.s32 @!p2 $0x0  }
0x16: {  	s3 =	sld [smem:$0x3FDB];
	s0 =	simm.s32 @p2 $0x1  }
0x17: {  	s4 =	simm.s32 $0x1BF5;
	[smem:$0x3FB8] =	sst s0  }
0x18: {  	s0 =	sld [smem:$0x3F9B];
	_ =	swait.ge [sflag:s4], $0x0  }
0x19: {  	s7 =	sld [smem:$0x3F9C]  }
0x1a: {  	s8 =	sadd.s32 $0xFFFFE003, lr  }
0x1b: {  	s9 =	sadd.s32 $0xFFFFFEF7, lr;
	s5 =	simm.s32 $0xFFFFFFFF;
	p2 =	slt.u32 s8, $0xFFFFF086  }
0x1c: {  	p1 =	slt.u32 s9, $0xF7A;
	s5 =	simm.s32 @!p2 $0x0  }
0x1d: {  	s5 =	simm.s32 @p1 $0x1;
	p0 =	seq.s32 s7, s2  }
0x1e: {  	s7 =	smul.u32 @!p0 $0xF7A, s2;
	p2 =	seq.s32 @!p0 s5, $0x0  }
0x1f: {  	s9 =	smul.u32 $0xF7A, s1;
	s8 =	simm.s32 @!p0 $0x1BF5;
	p2 =	por !p2, p0  }
0x20: {  	[sflag:s8] =	ssyncset.s32 @!p0 $0xFFFFF086;
	s6 =	sadd.s32 @!p0 s3, s7;
	s7 =	simm.s32 @!p0 $0x108  }
0x21: {  	s3 =	sadd.s32 s3, s9;
	s6 =	sadd.s32 @!p0 $0x88, s6;
	s7 =	simm.s32 @p2 $0x1082  }
0x22: {  	[simem:s7], [sflag:s8] =	dma.local @!p0 [hbm:s6], $0xF7A  }
0x23: {  	s9 =	sor.u32 $0xD0000000, s2;
	s6 =	simm.s32 $0x108;
	_ =	swait.ge @!p0 [sflag:s8], $0x0  }
0x24: {  	s3 =	sadd.s32 $0x88, s3;
	s6 =	simm.s32 @!p1 $0x1082;
	[sflag:s4] =	ssyncset.s32 $0xFFFFF086  }
0x25: {  	[simem:s6], [sflag:s4] =	dma.local [hbm:s3], $0xF7A  }
0x26: {  	[smem:$0x3F9C] =	sst s1;
	(tag) =	ssettag s2;
	_ =	strace s9  }
0x27: {  	s1 =	sld [smem:$0x3FAC]  }
0x28: {  	s2 =	sld [smem:$0x3FAD]  }
0x29: {  	s4 =	sld [smem:$0x3FAF]  }
0x2a: {  	p0 =	seq.s32 s5, $0x0;
	s5 =	sld [smem:$0x3FB0]  }
0x2b: {  	s6 =	sld [smem:$0x3FB1]  }
0x2c: {  	s7 =	sld [smem:$0x3FB2]  }
0x2d: {  	s3 =	simm.s32 $0x108;
	s8 =	sld [smem:$0x3FB3]  }
0x2e: {  	s3 =	simm.s32 @!p0 $0x1082;
	s9 =	sld [smem:$0x3FB4]  }
0x2f: {  	lr =	sadd.s32 s0, s3;
	s0 =	sld [smem:$0x3FAB]  }
0x30: {  	s3 =	sld [smem:$0x3FAE]  }
0x31: {  	[smem:$0x3FB7] =	sst s10  }
0x32: {  	s10 =	sld [smem:$0x3FB5];
	_ =	sdelay $0x3  }
0x33: {  	p0 =	seq.s32 s10, $0x1;
	s10 =	sld [smem:$0x3FB7];
	_ =	sdelay $0x3  }
0x34: {  	[smem:$0x3FB7] =	sst s10  }
0x35: {  	s10 =	sld [smem:$0x3FB6];
	_ =	sdelay $0x3  }
0x36: {  	p1 =	seq.s32 s10, $0x1;
	s10 =	sld [smem:$0x3FB7];
	_ =	sdelay $0x3  }
0x37: {  	[smem:$0x3FB7] =	sst s10  }
0x38: {  	s10 =	sld [smem:$0x3FB8]  }
0x39: {  	_ = 	snop;
	(pc) =	sbr.ind lr, $3  }
0x3a: {  	_ = 	snop  }
0x3b: {  	_ = 	snop  }
0x3c: {  	p2 =	seq.s32 s10, $0x1;
	s10 =	sld [smem:$0x3FB7]  }
0x3d: {  	_ =	shalt  }
0x3e: {  	_ =	shalt  }
0x3f: {  	_ =	shalt  }
0x40: {  	_ =	shalt  }
0x41: {  	_ =	shalt  }
0x42: {  	_ =	shalt  }
0x43: {  	_ =	shalt  }
0x44: {  	_ =	shalt  }
0x45: {  	_ =	shalt  }
0x46: {  	_ =	shalt  }
0x47: {  	_ =	shalt  }
0x48: {  	_ =	shalt  }
0x49: {  	_ =	shalt  }
0x4a: {  	_ =	shalt  }
0x4b: {  	_ =	shalt  }
0x4c: {  	_ =	shalt  }
0x4d: {  	_ =	shalt  }
0x4e: {  	_ =	shalt  }
0x4f: {  	_ =	shalt  }
0x50: {  	_ =	shalt  }
0x51: {  	_ =	shalt  }
0x52: {  	_ =	shalt  }
0x53: {  	_ =	shalt  }
0x54: {  	_ =	shalt  }
0x55: {  	_ =	shalt  }
0x56: {  	_ =	shalt  }
0x57: {  	_ =	shalt  }
0x58: {  	_ =	shalt  }
0x59: {  	_ =	shalt  }
0x5a: {  	_ =	shalt  }
0x5b: {  	_ =	shalt  }
0x5c: {  	_ =	shalt  }
0x5d: {  	_ =	shalt  }
0x5e: {  	_ =	shalt  }
0x5f: {  	_ =	shalt  }
0x60: {  	_ =	shalt  }
0x61: {  	_ =	shalt  }
0x62: {  	_ =	shalt  }
0x63: {  	_ =	shalt  }
0x64: {  	_ =	shalt  }
0x65: {  	_ =	shalt  }
0x66: {  	_ =	shalt  }
0x67: {  	_ =	shalt  }
0x68: {  	_ =	shalt  }
0x69: {  	_ =	shalt  }
0x6a: {  	_ =	shalt  }
0x6b: {  	_ =	shalt  }
0x6c: {  	_ =	shalt  }
0x6d: {  	_ =	shalt  }
0x6e: {  	_ =	shalt  }
0x6f: {  	_ =	shalt  }
0x70: {  	_ =	shalt  }
0x71: {  	_ =	shalt  }
0x72: {  	_ =	shalt  }
0x73: {  	_ =	shalt  }
0x74: {  	_ =	shalt  }
0x75: {  	_ =	shalt  }
0x76: {  	_ =	shalt  }
0x77: {  	_ =	shalt  }
0x78: {  	_ =	shalt  }
0x79: {  	_ =	shalt  }
0x7a: {  	_ =	shalt  }
0x7b: {  	_ =	shalt  }
0x7c: {  	_ =	shalt  }
0x7d: {  	_ =	shalt  }
0x7e: {  	_ =	shalt  }
0x7f: {  	_ =	shalt  }
0x80: {  	_ =	shalt  }
0x81: {  	_ =	shalt  }
0x82: {  	_ =	shalt  }
0x83: {  	_ =	shalt  }
0x84: {  	_ =	shalt  }
0x85: {  	_ =	shalt  }
0x86: {  	_ =	shalt  }
0x87: {  	_ =	shalt  }
.Lfunc_end0:
.L_simem_size_0:
called_computation.1_lowered:
.L_overlay_start_0:
0x88: {  	s2 =	sld [smem:$0x3FD9]  }
0x89: {  	s3 =	sld [smem:$0x3FFE];
	_ =	sdelay $0x1  }
0x8a: {  	s1 =	srdreg.scid  }
0x8b: {  	s0 =	sand.u32 $0x1, s1  }
0x8c: {  	s16 =	sshll.u32 s0, $0xA;
	s2 =	sadd.s32 s3, s2  }
0x8d: {  	s2 =	sadd.s32 s2, s16  }
0x8e: {  	[smem:$0x3FC3] =	sst s2  }
0x8f: {  	_ = 	snop  }
0x90: {  	(tm) =	ssettm $0x1  }
0x91: {  	s17 =	sld [smem:$0x3FFB];
	_ =	sdelay $0x3  }
0x92: {  	_ =	strace s17  }
0x93: {  	s2 =	sld [smem:$0x3FFC];
	_ =	sdelay $0x3  }
0x94: {  	_ =	strace s2  }
0x95: {  	s2 =	sld [smem:$0x3FFD];
	_ =	sdelay $0x3  }
0x96: {  	_ =	strace s2  }
0x97: {  	_ =	strace $0x8FFFFFFF  }
0x98: {  	s18 =	sld [smem:$0x3FDB];
	_ =	sdelay $0x1  }
0x99: {  	s19 =	simm.s32 $_scs_section_size  }
0x9a: {  	s4 =	simm.s32 $_size__tile_overlayer_lowered;
	s5 =	simm.s32 $_tile_overlayer_lowered  }
0x9b: {  	s22 =	simm.s32 $0x1BFF;
	s21 =	sshll.u32 s5, $0x1;
	s2 =	sadd.s32 s19, s18  }
0x9c: {  	s6 =	simm.s32 $0x0;
	s20 =	sshll.u32 s4, $0x1;
	s4 =	sadd.s32 s21, s2  }
0x9d: {  	[timem:s6], [sflag:s22] =	dma.local [hbm:s4], s20  }
0x9e: {  	_ =	swait.ge [sflag:s22], s20  }
0x9f: {  	s3 =	ssub.s32 $0x0, s20;
	[sflag:s22] =	ssyncset.done $0x0  }
0xa0: {  	[sflag:s22] =	ssyncadd.s32 s3;
	_ =	sdelay $0x1  }
0xa1: {  	s23 =	simm.s32 $0x1B8B  }
0xa2: {  	_ =	swait.ge [sflag:s23], $0x1  }
0xa3: {  	[sflag:s23] =	ssyncset.done $0x0  }
0xa4: {  	s25 =	simm.s32 $0x1B8E;
	s24 =	sld [smem:$0x3FFE];
	[sflag:s23] =	ssyncadd.s32 $0xFFFFFFFF  }
0xa5: {  	s26 =	simm.s32 $execute0_lowered;
	[smem:$0x3FD2] =	sst s25  }
0xa6: {  	s4 =	sshll.u32 s26, $0x1;
	_ =	strace $0x80000049;
	[dreg:$0x1] =	wrdreg $0xFFFFFFFF  }
0xa7: {  	s28 =	simm.s32 $_size_execute0_lowered;
	s2 =	sadd.s32 s2, s4;
	[dreg:$0x0] =	wrdreg $0x0  }
0xa8: {  	s4 =	sshll.u32 s28, $0x1;
	[dreg:$0x2] =	wrdreg s2  }
0xa9: {  	[dreg:$0x3] =	wrdreg s4  }
0xaa: {  	[dreg:$0x4] =	wrdreg $0xC0  }
0xab: {  	_ =	task [dreg:s6], $0x5FFFF  }
0xac: {  	[dreg:$0x1] =	wrdreg $0xFFFFFFFF  }
0xad: {  	[dreg:$0x0] =	wrdreg $0x60  }
0xae: {  	[dreg:$0x2] =	wrdreg s24  }
0xaf: {  	[dreg:$0x3] =	wrdreg $0x0  }
0xb0: {  	[dreg:$0x4] =	wrdreg $0x9  }
0xb1: {  	_ =	task.clear_ibuf [dreg:s6], $0x5FFFF;
	_ =	strace $0x90000049  }
0xb2: {  	s29 =	simm.s32 $0x9;
	_ =	strace $0x8000004B  }
0xb3: {  	_ =	swait.ge [sflag:s29], $0x1  }
0xb4: {  	[sflag:s29] =	ssyncadd.s32 $0xFFFFFFFF  }
0xb5: {  	_ =	strace $0x9000004B  }
0xb6: {  	_ =	sfence  }
0xb7: {  	s30 =	sld [smem:$0x0];
	_ =	sdelay $0x2  }
0xb8: {  	s31 =	sshll.u32 s1, $0xD;
	s1 =	sshrl.u32 s1, $0x2  }
0xb9: {  	s3 =	sand.u32 $0x4000, s31;
	s1 =	sadd.s32 s1, s30  }
0xba: {  	s0 =	sor.u32 s3, s0;
	s1 =	sshll.u32 s1, $0x11  }
0xbb: {  	s0 =	sor.u32 s1, s0  }
0xbc: {  	s0 =	sadd.s32 $0x8F2B, s0  }
0xbd: {  	[sflag:s0] =	ssyncadd.remote.s32 $0x1  }
0xbe: {  	_ =	sfence.sel $0xFFFF  }
0xbf: {  	[dreg:$0x0] =	wrdreg $0xFFFFFFFF;
	(pc) =	sbr.abs _section_cstart, $3  }
0xc0: {  	[dreg:$0x1] =	wrdreg $0xFFFFFFFF  }
0xc1: {  	_ =	task.clear_ibuf [dreg:s6], $0x2FFFF;
	_ =	strace $0x9FFFFFFF  }
0xc2: {  	(tm) =	ssettm $0x7FFFFFFF  }
0xc3: {  	_ =	shalt  }
tec
execute0_lowered:
.L_overlay_start_1:
0x0: {  	(tag) =	ssettag $0x1  }
0x1: {  	s0 =	rddreg [dreg:$0x0]  }
0x2: {  	s2 =	rddreg [dreg:$0x1]  }
0x3: {  	s3 =	simm.s32 $0x0;
	s1 =	stileid.u32;
	s4 =	srdreg.scid  }
0x4: {  	s19 =	simm.s32 $0x18700;
	s20 =	simm.s32 $0x18A20;
	s28 =	simm.s32 $0x2  }
0x5: {  	s29 =	simm.s32 $0x1BF40;
	s30 =	simm.s32 $0x4;
	s31 =	simm.s32 $0x0  }
0x6: {  	[smem:$0x7FF] =	sst s3;
	s5 =	smul.u32 $0x18700, s1;
	s7 =	sand.u32 $0x1, s4  }
0x7: {  	s16 =	sadd.s32 $0x65800, s0;
	s15 =	sadd.s32 $0x33800, s0;
	s4 =	sadd.s32 $0x1800, s0  }
0x8: {  	s10 =	sshll.u32 s1, $0x1;
	s24 =	sshll.u32 s1, $0x6;
	s11 =	smul.u32 $0x19000, s1  }
0x9: {  	_ =	strace $0x8000004A;
	s6 =	smul.u32 $0x187000, s7;
	s9 =	ssub.s32 $0x2, s7  }
0xa: {  	s10 =	sor.u32 s7, s10;
	s13 =	smul.u32 $0xC800, s7;
	s8 =	sshrl.u32 s5, $0x3  }
0xb: {  	s21 =	sshrl.u32 s9, $0x1;
	s22 =	smul.u32 $0xC800, s10;
	s17 =	sadd.s32 s5, s2  }
0xc: {  	s8 =	sadd.s32 s8, s0;
	s6 =	sadd.s32 s5, s6;
	s12 =	ssub.s32 s9, s21  }
0xd: {  	s13 =	sadd.s32 s13, s11;
	s17 =	sshrl.u32 s17, $0x3;
	s21 =	simm.s32 $0x18890  }
0xe: {  	s6 =	sshrl.u32 s6, $0x3;
	s23 =	sadd.s32 $0x15FC00, s8;
	s9 =	sshrl.u32 s22, $0x3  }
0xf: {  	s26 =	sor.u32 $0x4B0, s13;
	s13 =	sor.u32 $0x320, s13;
	s12 =	smax.u32 s12, $0x1  }
0x10: {  	s22 =	simm.s32 $0x18BB0;
	s0 =	sadd.s32 s6, s0;
	[dreg:$0x3] =	wrdreg s23  }
0x11: {  	s6 =	sor.u32 $0x1C05, s24;
	s7 =	sadd.s32 s16, s9;
	s8 =	sadd.s32 s15, s9  }
0x12: {  	s25 =	sor.u32 $0x32, s9;
	s18 =	sshrl.u32 s13, $0x3;
	s23 =	simm.s32 $0x1  }
0x13: {  	s24 =	simm.s32 $0x190;
	s9 =	sadd.s32 s16, s25;
	s10 =	sadd.s32 s15, s25  }
0x14: {  	s11 =	sadd.s32 $0x190A00, s0;
	s0 =	sshrl.u32 s26, $0x3;
	s25 =	simm.s32 $0x18D40  }
0x15: {  	s26 =	simm.s32 $0x3;
	s13 =	sadd.s32 s0, s15;
	s14 =	sadd.s32 s0, s16  }
0x16: {  	s15 =	sadd.s32 s18, s15;
	s16 =	sadd.s32 s18, s16;
	s18 =	simm.s32 $0x5  }
.LBB2_1:
0x17: {  	s0 =	rddreg [dreg:$0x3]  }
0x18: {  	[spmem:s17], [sflag:s6] =	dma.local [hbm:s0], $0x30E0  }
0x19: {  	_ =	swait.ge [sflag:s18], $0x30E0  }
0x1a: {  	[sflag:s18] =	ssyncset.done $0x0  }
0x1b: {  	[sflag:s18] =	ssyncadd.s32 $0xFFFFCF20  }
0x1c: {  	[bflag:$0x0] =	sbarrier.arrive $0xFFFF  }
0x1d: {  	[tilespmem:s19], [sflag:$0x1] =	stream.linear.gather [hbm4b:s7+s3], $0x190, $0x38;
	[tilespmem:$0x1F140] =	vst v63  }
0x1e: {  	_ = 	snop  }
0x1f: {  	[tilespmem:s20], [sflag:$0x1] =	stream.linear.gather [hbm4b:s8+s3], $0x190, $0x38;
	[tilespmem:$0x1F140] =	vst v63  }
0x20: {  	_ = 	snop  }
0x21: {  	[tilespmem:s21], [sflag:$0x2] =	stream.linear.gather [hbm4b:s9+s3], $0x190, $0x38;
	[tilespmem:$0x1F140] =	vst v63  }
0x22: {  	_ = 	snop  }
0x23: {  	[tilespmem:s22], [sflag:$0x2] =	stream.linear.gather [hbm4b:s10+s3], $0x190, $0x38;
	[tilespmem:$0x1F140] =	vst v63  }
0x24: {  	_ =	swait.ge [sflag:s23], $0x190  }
0x25: {  	[sflag:s23] =	ssyncset.done $0x0  }
0x26: {  	[sflag:s23] =	ssyncadd.s32 $0xFFFFFE70  }
0x27: {  	_ =	swait.ge [sflag:s23], $0x190  }
0x28: {  	[sflag:s23] =	ssyncset.done $0x0  }
0x29: {  	[sflag:s23] =	ssyncadd.s32 $0xFFFFFE70  }
0x2a: {  	[tilespmem:s25], [sflag:$0x3] =	stream.indirect.gather [hbm4b:s4+s24], $0x20, s19, s24, $0xb8;
	[tilespmem:$0x1F140] =	vst v63  }
0x2b: {  	_ =	swait.ge [sflag:s26], $0x3200  }
0x2c: {  	[sflag:s26] =	ssyncset.done $0x0  }
0x2d: {  	[sflag:s26] =	ssyncadd.s32 $0xFFFFCE00  }
0x2e: {  	[spmem:s2] =	stream.indirect.scatter.add.f32 [tilespmem:s25], [sflag:$0x5], $0x20, s20, s24, $0xb8;
	[tilespmem:$0x1F140] =	vst v63  }
0x2f: {  	_ =	swait.ge [sflag:s18], $0x3200  }
0x30: {  	[sflag:s18] =	ssyncset.done $0x0  }
0x31: {  	s1 =	sadd.s32 $0x0, s16;
	[sflag:s18] =	ssyncadd.s32 $0xFFFFCE00  }
0x32: {  	[tilespmem:s19], [sflag:$0x1] =	stream.linear.gather [hbm4b:s1+s3], $0x190, $0x38;
	[tilespmem:$0x1F140] =	vst v63  }
0x33: {  	s5 =	sadd.s32 $0x0, s15  }
0x34: {  	[tilespmem:s20], [sflag:$0x1] =	stream.linear.gather [hbm4b:s5+s3], $0x190, $0x38;
	[tilespmem:$0x1F140] =	vst v63  }
0x35: {  	_ =	swait.ge [sflag:s28], $0x190  }
0x36: {  	[sflag:s28] =	ssyncset.done $0x0  }
0x37: {  	[sflag:s28] =	ssyncadd.s32 $0xFFFFFE70  }
0x38: {  	_ =	swait.ge [sflag:s28], $0x190  }
0x39: {  	[sflag:s28] =	ssyncset.done $0x0  }
0x3a: {  	[sflag:s28] =	ssyncadd.s32 $0xFFFFFE70  }
0x3b: {  	[tilespmem:s29], [sflag:$0x4] =	stream.indirect.gather [hbm4b:s4+s24], $0x20, s21, s24, $0xb8;
	[tilespmem:$0x1F140] =	vst v63  }
0x3c: {  	_ =	swait.ge [sflag:s30], $0x3200  }
0x3d: {  	[sflag:s30] =	ssyncset.done $0x0  }
0x3e: {  	[sflag:s30] =	ssyncadd.s32 $0xFFFFCE00  }
0x3f: {  	[spmem:s2] =	stream.indirect.scatter.add.f32 [tilespmem:s29], [sflag:$0x5], $0x20, s22, s24, $0xb8;
	[tilespmem:$0x1F140] =	vst v63  }
0x40: {  	_ =	swait.ge [sflag:s18], $0x3200  }
0x41: {  	[sflag:s18] =	ssyncset.done $0x0  }
0x42: {  	s1 =	sadd.s32 $0x0, s14;
	[sflag:s18] =	ssyncadd.s32 $0xFFFFCE00  }
0x43: {  	[tilespmem:s21], [sflag:$0x2] =	stream.linear.gather [hbm4b:s1+s3], $0x190, $0x38;
	[tilespmem:$0x1F140] =	vst v63  }
0x44: {  	s5 =	sadd.s32 $0x0, s13  }
0x45: {  	[tilespmem:s22], [sflag:$0x2] =	stream.linear.gather [hbm4b:s5+s3], $0x190, $0x38;
	[tilespmem:$0x1F140] =	vst v63  }
0x46: {  	_ =	swait.ge [sflag:s23], $0x190  }
0x47: {  	[sflag:s23] =	ssyncset.done $0x0  }
0x48: {  	[sflag:s23] =	ssyncadd.s32 $0xFFFFFE70  }
0x49: {  	_ =	swait.ge [sflag:s23], $0x190  }
0x4a: {  	[sflag:s23] =	ssyncset.done $0x0  }
0x4b: {  	s0 =	simm.s32 $0x64;
	[sflag:s23] =	ssyncadd.s32 $0xFFFFFE70  }
.LBB2_2:
0x4c: {  	[tilespmem:s25], [sflag:$0x3] =	stream.indirect.gather [hbm4b:s4+s24], $0x20, s19, s24, $0xb8;
	[tilespmem:$0x1F140] =	vst v63  }
0x4d: {  	s1 =	smov.u32 s0  }
0x4e: {  	p0 =	sne.s32 s0, $0x1838;
	s0 =	sadd.s32 $0x64, s0;
	_ =	swait.ge [sflag:s26], $0x3200  }
0x4f: {  	[sflag:s26] =	ssyncset.done $0x0  }
0x50: {  	[sflag:s26] =	ssyncadd.s32 $0xFFFFCE00  }
0x51: {  	[spmem:s2] =	stream.indirect.scatter.add.f32 [tilespmem:s25], [sflag:$0x5], $0x20, s20, s24, $0xb8;
	[tilespmem:$0x1F140] =	vst v63  }
0x52: {  	_ =	swait.ge [sflag:s18], $0x3200  }
0x53: {  	[sflag:s18] =	ssyncset.done $0x0  }
0x54: {  	s5 =	sadd.s32 s1, s16;
	[sflag:s18] =	ssyncadd.s32 $0xFFFFCE00  }
0x55: {  	[tilespmem:s19], [sflag:$0x1] =	stream.linear.gather [hbm4b:s5+s3], $0x190, $0x38;
	[tilespmem:$0x1F140] =	vst v63  }
0x56: {  	s5 =	sadd.s32 s1, s15  }
0x57: {  	[tilespmem:s20], [sflag:$0x1] =	stream.linear.gather [hbm4b:s5+s3], $0x190, $0x38;
	[tilespmem:$0x1F140] =	vst v63  }
0x58: {  	_ =	swait.ge [sflag:s28], $0x190  }
0x59: {  	[sflag:s28] =	ssyncset.done $0x0  }
0x5a: {  	[sflag:s28] =	ssyncadd.s32 $0xFFFFFE70  }
0x5b: {  	_ =	swait.ge [sflag:s28], $0x190  }
0x5c: {  	[sflag:s28] =	ssyncset.done $0x0  }
0x5d: {  	[sflag:s28] =	ssyncadd.s32 $0xFFFFFE70  }
0x5e: {  	[tilespmem:s29], [sflag:$0x4] =	stream.indirect.gather [hbm4b:s4+s24], $0x20, s21, s24, $0xb8;
	[tilespmem:$0x1F140] =	vst v63  }
0x5f: {  	_ =	swait.ge [sflag:s30], $0x3200  }
0x60: {  	[sflag:s30] =	ssyncset.done $0x0  }
0x61: {  	[sflag:s30] =	ssyncadd.s32 $0xFFFFCE00  }
0x62: {  	[spmem:s2] =	stream.indirect.scatter.add.f32 [tilespmem:s29], [sflag:$0x5], $0x20, s22, s24, $0xb8;
	[tilespmem:$0x1F140] =	vst v63  }
0x63: {  	_ =	swait.ge [sflag:s18], $0x3200  }
0x64: {  	[sflag:s18] =	ssyncset.done $0x0  }
0x65: {  	s5 =	sadd.s32 s1, s14;
	[sflag:s18] =	ssyncadd.s32 $0xFFFFCE00  }
0x66: {  	[tilespmem:s21], [sflag:$0x2] =	stream.linear.gather [hbm4b:s5+s3], $0x190, $0x38;
	[tilespmem:$0x1F140] =	vst v63  }
0x67: {  	s1 =	sadd.s32 s1, s13  }
0x68: {  	[tilespmem:s22], [sflag:$0x2] =	stream.linear.gather [hbm4b:s1+s3], $0x190, $0x38;
	[tilespmem:$0x1F140] =	vst v63  }
0x69: {  	_ =	swait.ge [sflag:s23], $0x190  }
.Ltmp0:
0x6a: {  	[sflag:s23] =	ssyncset.done $0x0;
	(pc) =	sbr.rel @p0 .LBB2_2-.Ltmp0, $4  }
0x6b: {  	[sflag:s23] =	ssyncadd.s32 $0xFFFFFE70  }
0x6c: {  	_ =	swait.ge [sflag:s23], $0x190  }
0x6d: {  	[sflag:s23] =	ssyncset.done $0x0  }
0x6e: {  	[sflag:s23] =	ssyncadd.s32 $0xFFFFFE70  }
0x6f: {  	[tilespmem:s25], [sflag:$0x3] =	stream.indirect.gather [hbm4b:s4+s24], $0x20, s19, s24, $0xb8;
	[tilespmem:$0x1F140] =	vst v63  }
0x70: {  	_ =	swait.ge [sflag:s26], $0x3200  }
0x71: {  	[sflag:s26] =	ssyncset.done $0x0  }
0x72: {  	[sflag:s26] =	ssyncadd.s32 $0xFFFFCE00  }
0x73: {  	[spmem:s2] =	stream.indirect.scatter.add.f32 [tilespmem:s25], [sflag:$0x5], $0x20, s20, s24, $0xb8;
	[tilespmem:$0x1F140] =	vst v63  }
0x74: {  	_ =	swait.ge [sflag:s18], $0x3200  }
0x75: {  	[sflag:s18] =	ssyncset.done $0x0  }
0x76: {  	[sflag:s18] =	ssyncadd.s32 $0xFFFFCE00  }
0x77: {  	_ =	swait.ge [sflag:s28], $0x190  }
0x78: {  	[sflag:s28] =	ssyncset.done $0x0  }
0x79: {  	[sflag:s28] =	ssyncadd.s32 $0xFFFFFE70  }
0x7a: {  	_ =	swait.ge [sflag:s28], $0x190  }
0x7b: {  	[sflag:s28] =	ssyncset.done $0x0  }
0x7c: {  	[sflag:s28] =	ssyncadd.s32 $0xFFFFFE70  }
0x7d: {  	[tilespmem:s29], [sflag:$0x4] =	stream.indirect.gather [hbm4b:s4+s24], $0x20, s21, s24, $0xb8;
	[tilespmem:$0x1F140] =	vst v63  }
0x7e: {  	_ =	swait.ge [sflag:s30], $0x3200  }
0x7f: {  	[sflag:s30] =	ssyncset.done $0x0  }
0x80: {  	[sflag:s30] =	ssyncadd.s32 $0xFFFFCE00  }
0x81: {  	[spmem:s2] =	stream.indirect.scatter.add.f32 [tilespmem:s29], [sflag:$0x5], $0x20, s22, s24, $0xb8;
	[tilespmem:$0x1F140] =	vst v63  }
0x82: {  	_ =	swait.ge [sflag:s18], $0x3200  }
0x83: {  	s31 =	sadd.s32 $0x1, s31;
	[sflag:s18] =	ssyncset.done $0x0  }
0x84: {  	p0 =	sne.s32 s31, s12;
	[sflag:s18] =	ssyncadd.s32 $0xFFFFCE00  }
.Ltmp1:
0x85: {  	[bflag:$0x0] =	sbarrier.arrive $0xFFFF;
	(pc) =	sbr.rel @p0 .LBB2_1-.Ltmp1, $4  }
0x86: {  	[hbm:s11], [sflag:s6] =	dma.local [spmem:s17], $0x30E0  }
0x87: {  	_ =	swait.ge [sflag:s18], $0x30E0  }
0x88: {  	[sflag:s18] =	ssyncset.done $0x0  }
0x89: {  	[sflag:s18] =	ssyncadd.s32 $0xFFFFCF20  }
0x8a: {  	_ =	sfence.sel $0x180000  }
0x8b: {  	[bflag:$0x0] =	sbarrier.arrive $0xFFFF  }
0x8c: {  	_ =	strace $0x9000004A  }
0x8d: {  	s0 =	stileid.u32;
	[bflag:$0x2] =	sbarrier.arrive $0xFFFF  }
0x8e: {  	p0 =	sne.s32 s0, $0x0;
	s0 =	rddreg [dreg:$0x2]  }
0x8f: {  	s0 =	sadd.s32 @!p0 $0x100000, s0  }
0x90: {  	[sflag:s0] =	ssyncadd.tile.s32 @!p0 $0x1;
	_ =	shalt  }
.Lfunc_end2:
_tile_overlayer_lowered:
.L_overlay_start_2:
0x91: {  	(tag) =	ssettag $0x2  }
0x92: {  	s0 =	rddreg [dreg:$0x0];
	s2 =	stileid.u32  }
0x93: {  	s1 =	rddreg [dreg:$0x1];
	p0 =	sne.s32 s2, $0x0  }
0x94: {  	s3 =	rddreg [dreg:$0x2];
	[bflag:$0x3] =	sbarrier.arrive $0xFFFF;
	s2 =	simm.s32 @!p0 $0x1C05  }
0x95: {  	[timem:s3], [sflag:s2] =	dma.local @!p0 [hbm:s0], s1  }
0x96: {  	s0 =	simm.s32 @!p0 $0x5  }
0x97: {  	_ =	swait.ge @!p0 [sflag:s0], s1  }
0x98: {  	s1 =	ssub.s32 @!p0 $0x0, s1;
	[sflag:s0] =	ssyncset.done @!p0 $0x0  }
0x99: {  	[sflag:s0] =	ssyncadd.s32 @!p0 s1  }
0x9a: {  	[bflag:$0x3] =	sbarrier.arrive $0xFFFF  }
0x9b: {  	_ =	shalt  }

// kernel: kernel.18.cloned.1.call-start
scs
__scs_entry_jumppad:
0x0: {  	(pc) =	sbr.rel $0x88, $3  }
0x1: {  	(tag) =	ssettag $0x0;
	lr =	simm.s32 $0x1  }
0x2: {  	[smem:$0x3F9C] =	sst lr;
	_ =	strace $0xD0000000  }
0x3: {  	_ = 	snop  }
0x4: {  	_ = 	snop  }
0x5: {  	_ = 	snop  }
0x6: {  	_ = 	snop  }
0x7: {  	_ = 	snop  }
__scs_overlays_trampoline_lowered:
0x8: {  	[smem:$0x3FAB] =	sst s0  }
0x9: {  	[smem:$0x3FAC] =	sst s1  }
0xa: {  	[smem:$0x3FAD] =	sst s2  }
0xb: {  	[smem:$0x3FAE] =	sst s3  }
0xc: {  	[smem:$0x3FAF] =	sst s4  }
0xd: {  	[smem:$0x3FB0] =	sst s5  }
0xe: {  	[smem:$0x3FB1] =	sst s6  }
0xf: {  	[smem:$0x3FB2] =	sst s7  }
0x10: {  	[smem:$0x3FB3] =	sst s8  }
0x11: {  	[smem:$0x3FB4] =	sst s9;
	s0 =	simm.s32 @!p0 $0x0  }
0x12: {  	s1 =	sld [smem:$0x3F9A];
	s0 =	simm.s32 @p0 $0x1  }
0x13: {  	[smem:$0x3FB5] =	sst s0;
	s0 =	simm.s32 @!p1 $0x0  }
0x14: {  	s2 =	sld [smem:$0x3F99];
	s0 =	simm.s32 @p1 $0x1  }
0x15: {  	[smem:$0x3FB6] =	sst s0;
	s0 =	simm.s32 @!p2 $0x0  }
0x16: {  	s3 =	sld [smem:$0x3FDB];
	s0 =	simm.s32 @p2 $0x1  }
0x17: {  	s4 =	simm.s32 $0x1BF5;
	[smem:$0x3FB8] =	sst s0  }
0x18: {  	s0 =	sld [smem:$0x3F9B];
	_ =	swait.ge [sflag:s4], $0x0  }
0x19: {  	s7 =	sld [smem:$0x3F9C]  }
0x1a: {  	s8 =	sadd.s32 $0xFFFFE003, lr  }
0x1b: {  	s9 =	sadd.s32 $0xFFFFFEF7, lr;
	s5 =	simm.s32 $0xFFFFFFFF;
	p2 =	slt.u32 s8, $0xFFFFF086  }
0x1c: {  	p1 =	slt.u32 s9, $0xF7A;
	s5 =	simm.s32 @!p2 $0x0  }
0x1d: {  	s5 =	simm.s32 @p1 $0x1;
	p0 =	seq.s32 s7, s2  }
0x1e: {  	s7 =	smul.u32 @!p0 $0xF7A, s2;
	p2 =	seq.s32 @!p0 s5, $0x0  }
0x1f: {  	s9 =	smul.u32 $0xF7A, s1;
	s8 =	simm.s32 @!p0 $0x1BF5;
	p2 =	por !p2, p0  }
0x20: {  	[sflag:s8] =	ssyncset.s32 @!p0 $0xFFFFF086;
	s6 =	sadd.s32 @!p0 s3, s7;
	s7 =	simm.s32 @!p0 $0x108  }
0x21: {  	s3 =	sadd.s32 s3, s9;
	s6 =	sadd.s32 @!p0 $0x88, s6;
	s7 =	simm.s32 @p2 $0x1082  }
0x22: {  	[simem:s7], [sflag:s8] =	dma.local @!p0 [hbm:s6], $0xF7A  }
0x23: {  	s9 =	sor.u32 $0xD0000000, s2;
	s6 =	simm.s32 $0x108;
	_ =	swait.ge @!p0 [sflag:s8], $0x0  }
0x24: {  	s3 =	sadd.s32 $0x88, s3;
	s6 =	simm.s32 @!p1 $0x1082;
	[sflag:s4] =	ssyncset.s32 $0xFFFFF086  }
0x25: {  	[simem:s6], [sflag:s4] =	dma.local [hbm:s3], $0xF7A  }
0x26: {  	[smem:$0x3F9C] =	sst s1;
	(tag) =	ssettag s2;
	_ =	strace s9  }
0x27: {  	s1 =	sld [smem:$0x3FAC]  }
0x28: {  	s2 =	sld [smem:$0x3FAD]  }
0x29: {  	s4 =	sld [smem:$0x3FAF]  }
0x2a: {  	p0 =	seq.s32 s5, $0x0;
	s5 =	sld [smem:$0x3FB0]  }
0x2b: {  	s6 =	sld [smem:$0x3FB1]  }
0x2c: {  	s7 =	sld [smem:$0x3FB2]  }
0x2d: {  	s3 =	simm.s32 $0x108;
	s8 =	sld [smem:$0x3FB3]  }
0x2e: {  	s3 =	simm.s32 @!p0 $0x1082;
	s9 =	sld [smem:$0x3FB4]  }
0x2f: {  	lr =	sadd.s32 s0, s3;
	s0 =	sld [smem:$0x3FAB]  }
0x30: {  	s3 =	sld [smem:$0x3FAE]  }
0x31: {  	[smem:$0x3FB7] =	sst s10  }
0x32: {  	s10 =	sld [smem:$0x3FB5];
	_ =	sdelay $0x3  }
0x33: {  	p0 =	seq.s32 s10, $0x1;
	s10 =	sld [smem:$0x3FB7];
	_ =	sdelay $0x3  }
0x34: {  	[smem:$0x3FB7] =	sst s10  }
0x35: {  	s10 =	sld [smem:$0x3FB6];
	_ =	sdelay $0x3  }
0x36: {  	p1 =	seq.s32 s10, $0x1;
	s10 =	sld [smem:$0x3FB7];
	_ =	sdelay $0x3  }
0x37: {  	[smem:$0x3FB7] =	sst s10  }
0x38: {  	s10 =	sld [smem:$0x3FB8]  }
0x39: {  	_ = 	snop;
	(pc) =	sbr.ind lr, $3  }
0x3a: {  	_ = 	snop  }
0x3b: {  	_ = 	snop  }
0x3c: {  	p2 =	seq.s32 s10, $0x1;
	s10 =	sld [smem:$0x3FB7]  }
0x3d: {  	_ =	shalt  }
0x3e: {  	_ =	shalt  }
0x3f: {  	_ =	shalt  }
0x40: {  	_ =	shalt  }
0x41: {  	_ =	shalt  }
0x42: {  	_ =	shalt  }
0x43: {  	_ =	shalt  }
0x44: {  	_ =	shalt  }
0x45: {  	_ =	shalt  }
0x46: {  	_ =	shalt  }
0x47: {  	_ =	shalt  }
0x48: {  	_ =	shalt  }
0x49: {  	_ =	shalt  }
0x4a: {  	_ =	shalt  }
0x4b: {  	_ =	shalt  }
0x4c: {  	_ =	shalt  }
0x4d: {  	_ =	shalt  }
0x4e: {  	_ =	shalt  }
0x4f: {  	_ =	shalt  }
0x50: {  	_ =	shalt  }
0x51: {  	_ =	shalt  }
0x52: {  	_ =	shalt  }
0x53: {  	_ =	shalt  }
0x54: {  	_ =	shalt  }
0x55: {  	_ =	shalt  }
0x56: {  	_ =	shalt  }
0x57: {  	_ =	shalt  }
0x58: {  	_ =	shalt  }
0x59: {  	_ =	shalt  }
0x5a: {  	_ =	shalt  }
0x5b: {  	_ =	shalt  }
0x5c: {  	_ =	shalt  }
0x5d: {  	_ =	shalt  }
0x5e: {  	_ =	shalt  }
0x5f: {  	_ =	shalt  }
0x60: {  	_ =	shalt  }
0x61: {  	_ =	shalt  }
0x62: {  	_ =	shalt  }
0x63: {  	_ =	shalt  }
0x64: {  	_ =	shalt  }
0x65: {  	_ =	shalt  }
0x66: {  	_ =	shalt  }
0x67: {  	_ =	shalt  }
0x68: {  	_ =	shalt  }
0x69: {  	_ =	shalt  }
0x6a: {  	_ =	shalt  }
0x6b: {  	_ =	shalt  }
0x6c: {  	_ =	shalt  }
0x6d: {  	_ =	shalt  }
0x6e: {  	_ =	shalt  }
0x6f: {  	_ =	shalt  }
0x70: {  	_ =	shalt  }
0x71: {  	_ =	shalt  }
0x72: {  	_ =	shalt  }
0x73: {  	_ =	shalt  }
0x74: {  	_ =	shalt  }
0x75: {  	_ =	shalt  }
0x76: {  	_ =	shalt  }
0x77: {  	_ =	shalt  }
0x78: {  	_ =	shalt  }
0x79: {  	_ =	shalt  }
0x7a: {  	_ =	shalt  }
0x7b: {  	_ =	shalt  }
0x7c: {  	_ =	shalt  }
0x7d: {  	_ =	shalt  }
0x7e: {  	_ =	shalt  }
0x7f: {  	_ =	shalt  }
0x80: {  	_ =	shalt  }
0x81: {  	_ =	shalt  }
0x82: {  	_ =	shalt  }
0x83: {  	_ =	shalt  }
0x84: {  	_ =	shalt  }
0x85: {  	_ =	shalt  }
0x86: {  	_ =	shalt  }
0x87: {  	_ =	shalt  }
.Lfunc_end0:
.L_simem_size_0:
called_computation.2_lowered:
.L_overlay_start_0:
0x88: {  	s2 =	sld [smem:$0x3FD9]  }
0x89: {  	s3 =	sld [smem:$0x3FFE];
	_ =	sdelay $0x1  }
0x8a: {  	s1 =	srdreg.scid  }
0x8b: {  	s0 =	sand.u32 $0x1, s1  }
0x8c: {  	s16 =	sshll.u32 s0, $0xA;
	s2 =	sadd.s32 s3, s2  }
0x8d: {  	s2 =	sadd.s32 s2, s16  }
0x8e: {  	[smem:$0x3FC3] =	sst s2  }
0x8f: {  	_ = 	snop  }
0x90: {  	(tm) =	ssettm $0x1  }
0x91: {  	s17 =	sld [smem:$0x3FFB];
	_ =	sdelay $0x3  }
0x92: {  	_ =	strace s17  }
0x93: {  	s2 =	sld [smem:$0x3FFC];
	_ =	sdelay $0x3  }
0x94: {  	_ =	strace s2  }
0x95: {  	s2 =	sld [smem:$0x3FFD];
	_ =	sdelay $0x3  }
0x96: {  	_ =	strace s2  }
0x97: {  	_ =	strace $0x8FFFFFFF  }
0x98: {  	s18 =	sld [smem:$0x3FDB];
	_ =	sdelay $0x1  }
0x99: {  	s19 =	simm.s32 $_scs_section_size  }
0x9a: {  	s4 =	simm.s32 $_size__tile_overlayer_lowered;
	s5 =	simm.s32 $_tile_overlayer_lowered  }
0x9b: {  	s22 =	simm.s32 $0x1BFF;
	s21 =	sshll.u32 s5, $0x1;
	s2 =	sadd.s32 s19, s18  }
0x9c: {  	s6 =	simm.s32 $0x0;
	s20 =	sshll.u32 s4, $0x1;
	s4 =	sadd.s32 s21, s2  }
0x9d: {  	[timem:s6], [sflag:s22] =	dma.local [hbm:s4], s20  }
0x9e: {  	_ =	swait.ge [sflag:s22], s20  }
0x9f: {  	s3 =	ssub.s32 $0x0, s20;
	[sflag:s22] =	ssyncset.done $0x0  }
0xa0: {  	[sflag:s22] =	ssyncadd.s32 s3;
	_ =	sdelay $0x1  }
0xa1: {  	s23 =	simm.s32 $0x1B8B  }
0xa2: {  	_ =	swait.ge [sflag:s23], $0x1  }
0xa3: {  	[sflag:s23] =	ssyncset.done $0x0  }
0xa4: {  	s25 =	simm.s32 $0x1B8E;
	s24 =	sld [smem:$0x3FFE];
	[sflag:s23] =	ssyncadd.s32 $0xFFFFFFFF  }
0xa5: {  	s26 =	simm.s32 $execute0_lowered;
	[smem:$0x3FD2] =	sst s25  }
0xa6: {  	s4 =	sshll.u32 s26, $0x1;
	_ =	strace $0x8000004C;
	[dreg:$0x1] =	wrdreg $0xFFFFFFFF  }
0xa7: {  	s28 =	simm.s32 $_size_execute0_lowered;
	s2 =	sadd.s32 s2, s4;
	[dreg:$0x0] =	wrdreg $0x0  }
0xa8: {  	s4 =	sshll.u32 s28, $0x1;
	[dreg:$0x2] =	wrdreg s2  }
0xa9: {  	[dreg:$0x3] =	wrdreg s4  }
0xaa: {  	[dreg:$0x4] =	wrdreg $0xC0  }
0xab: {  	_ =	task [dreg:s6], $0x5FFFF  }
0xac: {  	[dreg:$0x1] =	wrdreg $0xFFFFFFFF  }
0xad: {  	[dreg:$0x0] =	wrdreg $0x60  }
0xae: {  	[dreg:$0x2] =	wrdreg s24  }
0xaf: {  	[dreg:$0x3] =	wrdreg $0x0  }
0xb0: {  	[dreg:$0x4] =	wrdreg $0x9  }
0xb1: {  	_ =	task.clear_ibuf [dreg:s6], $0x5FFFF;
	_ =	strace $0x9000004C  }
0xb2: {  	s29 =	simm.s32 $0x9;
	_ =	strace $0x8000004E  }
0xb3: {  	_ =	swait.ge [sflag:s29], $0x1  }
0xb4: {  	[sflag:s29] =	ssyncadd.s32 $0xFFFFFFFF  }
0xb5: {  	_ =	strace $0x9000004E  }
0xb6: {  	_ =	sfence  }
0xb7: {  	s30 =	sld [smem:$0x0];
	_ =	sdelay $0x2  }
0xb8: {  	s31 =	sshll.u32 s1, $0xD;
	s1 =	sshrl.u32 s1, $0x2  }
0xb9: {  	s3 =	sand.u32 $0x4000, s31;
	s1 =	sadd.s32 s1, s30  }
0xba: {  	s0 =	sor.u32 s3, s0;
	s1 =	sshll.u32 s1, $0x11  }
0xbb: {  	s0 =	sor.u32 s1, s0  }
0xbc: {  	s0 =	sadd.s32 $0x8F2B, s0  }
0xbd: {  	[sflag:s0] =	ssyncadd.remote.s32 $0x1  }
0xbe: {  	_ =	sfence.sel $0xFFFF  }
0xbf: {  	[dreg:$0x0] =	wrdreg $0xFFFFFFFF;
	(pc) =	sbr.abs _section_cstart, $3  }
0xc0: {  	[dreg:$0x1] =	wrdreg $0xFFFFFFFF  }
0xc1: {  	_ =	task.clear_ibuf [dreg:s6], $0x2FFFF;
	_ =	strace $0x9FFFFFFF  }
0xc2: {  	(tm) =	ssettm $0x7FFFFFFF  }
0xc3: {  	_ =	shalt  }
tec
execute0_lowered:
.L_overlay_start_1:
0x0: {  	(tag) =	ssettag $0x1  }
0x1: {  	s0 =	rddreg [dreg:$0x0]  }
0x2: {  	s2 =	rddreg [dreg:$0x1]  }
0x3: {  	s3 =	simm.s32 $0x0;
	s1 =	stileid.u32;
	s4 =	srdreg.scid  }
0x4: {  	s19 =	simm.s32 $0x18700;
	s20 =	simm.s32 $0x18A20;
	s28 =	simm.s32 $0x2  }
0x5: {  	s29 =	simm.s32 $0x1BF40;
	s30 =	simm.s32 $0x4;
	s31 =	simm.s32 $0x0  }
0x6: {  	[smem:$0x7FF] =	sst s3;
	s5 =	smul.u32 $0x18700, s1;
	s7 =	sand.u32 $0x1, s4  }
0x7: {  	s16 =	sadd.s32 $0x65800, s0;
	s15 =	sadd.s32 $0x33800, s0;
	s4 =	sadd.s32 $0x1800, s0  }
0x8: {  	s10 =	sshll.u32 s1, $0x1;
	s24 =	sshll.u32 s1, $0x6;
	s11 =	smul.u32 $0x19000, s1  }
0x9: {  	_ =	strace $0x8000004D;
	s6 =	smul.u32 $0x187000, s7;
	s9 =	ssub.s32 $0x2, s7  }
0xa: {  	s10 =	sor.u32 s7, s10;
	s13 =	smul.u32 $0xC800, s7;
	s8 =	sshrl.u32 s5, $0x3  }
0xb: {  	s21 =	sshrl.u32 s9, $0x1;
	s22 =	smul.u32 $0xC800, s10;
	s17 =	sadd.s32 s5, s2  }
0xc: {  	s8 =	sadd.s32 s8, s0;
	s6 =	sadd.s32 s5, s6;
	s12 =	ssub.s32 s9, s21  }
0xd: {  	s13 =	sadd.s32 s13, s11;
	s17 =	sshrl.u32 s17, $0x3;
	s21 =	simm.s32 $0x18890  }
0xe: {  	s6 =	sshrl.u32 s6, $0x3;
	s23 =	sadd.s32 $0x15FC00, s8;
	s9 =	sshrl.u32 s22, $0x3  }
0xf: {  	s26 =	sor.u32 $0x4B0, s13;
	s13 =	sor.u32 $0x320, s13;
	s12 =	smax.u32 s12, $0x1  }
0x10: {  	s22 =	simm.s32 $0x18BB0;
	s0 =	sadd.s32 s6, s0;
	[dreg:$0x3] =	wrdreg s23  }
0x11: {  	s6 =	sor.u32 $0x1C05, s24;
	s7 =	sadd.s32 s16, s9;
	s8 =	sadd.s32 s15, s9  }
0x12: {  	s25 =	sor.u32 $0x32, s9;
	s18 =	sshrl.u32 s13, $0x3;
	s23 =	simm.s32 $0x1  }
0x13: {  	s24 =	simm.s32 $0x190;
	s9 =	sadd.s32 s16, s25;
	s10 =	sadd.s32 s15, s25  }
0x14: {  	s11 =	sadd.s32 $0x46DC00, s0;
	s0 =	sshrl.u32 s26, $0x3;
	s25 =	simm.s32 $0x18D40  }
0x15: {  	s26 =	simm.s32 $0x3;
	s13 =	sadd.s32 s0, s15;
	s14 =	sadd.s32 s0, s16  }
0x16: {  	s15 =	sadd.s32 s18, s15;
	s16 =	sadd.s32 s18, s16;
	s18 =	simm.s32 $0x5  }
.LBB2_1:
0x17: {  	s0 =	rddreg [dreg:$0x3]  }
0x18: {  	[spmem:s17], [sflag:s6] =	dma.local [hbm:s0], $0x30E0  }
0x19: {  	_ =	swait.ge [sflag:s18], $0x30E0  }
0x1a: {  	[sflag:s18] =	ssyncset.done $0x0  }
0x1b: {  	[sflag:s18] =	ssyncadd.s32 $0xFFFFCF20  }
0x1c: {  	[bflag:$0x0] =	sbarrier.arrive $0xFFFF  }
0x1d: {  	[tilespmem:s19], [sflag:$0x1] =	stream.linear.gather [hbm4b:s7+s3], $0x190, $0x38;
	[tilespmem:$0x1F140] =	vst v63  }
0x1e: {  	_ = 	snop  }
0x1f: {  	[tilespmem:s20], [sflag:$0x1] =	stream.linear.gather [hbm4b:s8+s3], $0x190, $0x38;
	[tilespmem:$0x1F140] =	vst v63  }
0x20: {  	_ = 	snop  }
0x21: {  	[tilespmem:s21], [sflag:$0x2] =	stream.linear.gather [hbm4b:s9+s3], $0x190, $0x38;
	[tilespmem:$0x1F140] =	vst v63  }
0x22: {  	_ = 	snop  }
0x23: {  	[tilespmem:s22], [sflag:$0x2] =	stream.linear.gather [hbm4b:s10+s3], $0x190, $0x38;
	[tilespmem:$0x1F140] =	vst v63  }
0x24: {  	_ =	swait.ge [sflag:s23], $0x190  }
0x25: {  	[sflag:s23] =	ssyncset.done $0x0  }
0x26: {  	[sflag:s23] =	ssyncadd.s32 $0xFFFFFE70  }
0x27: {  	_ =	swait.ge [sflag:s23], $0x190  }
0x28: {  	[sflag:s23] =	ssyncset.done $0x0  }
0x29: {  	[sflag:s23] =	ssyncadd.s32 $0xFFFFFE70  }
0x2a: {  	[tilespmem:s25], [sflag:$0x3] =	stream.indirect.gather [hbm4b:s4+s24], $0x20, s19, s24, $0xb8;
	[tilespmem:$0x1F140] =	vst v63  }
0x2b: {  	_ =	swait.ge [sflag:s26], $0x3200  }
0x2c: {  	[sflag:s26] =	ssyncset.done $0x0  }
0x2d: {  	[sflag:s26] =	ssyncadd.s32 $0xFFFFCE00  }
0x2e: {  	[spmem:s2] =	stream.indirect.scatter.add.f32 [tilespmem:s25], [sflag:$0x5], $0x20, s20, s24, $0xb8;
	[tilespmem:$0x1F140] =	vst v63  }
0x2f: {  	_ =	swait.ge [sflag:s18], $0x3200  }
0x30: {  	[sflag:s18] =	ssyncset.done $0x0  }
0x31: {  	s1 =	sadd.s32 $0x0, s16;
	[sflag:s18] =	ssyncadd.s32 $0xFFFFCE00  }
0x32: {  	[tilespmem:s19], [sflag:$0x1] =	stream.linear.gather [hbm4b:s1+s3], $0x190, $0x38;
	[tilespmem:$0x1F140] =	vst v63  }
0x33: {  	s5 =	sadd.s32 $0x0, s15  }
0x34: {  	[tilespmem:s20], [sflag:$0x1] =	stream.linear.gather [hbm4b:s5+s3], $0x190, $0x38;
	[tilespmem:$0x1F140] =	vst v63  }
0x35: {  	_ =	swait.ge [sflag:s28], $0x190  }
0x36: {  	[sflag:s28] =	ssyncset.done $0x0  }
0x37: {  	[sflag:s28] =	ssyncadd.s32 $0xFFFFFE70  }
0x38: {  	_ =	swait.ge [sflag:s28], $0x190  }
0x39: {  	[sflag:s28] =	ssyncset.done $0x0  }
0x3a: {  	[sflag:s28] =	ssyncadd.s32 $0xFFFFFE70  }
0x3b: {  	[tilespmem:s29], [sflag:$0x4] =	stream.indirect.gather [hbm4b:s4+s24], $0x20, s21, s24, $0xb8;
	[tilespmem:$0x1F140] =	vst v63  }
0x3c: {  	_ =	swait.ge [sflag:s30], $0x3200  }
0x3d: {  	[sflag:s30] =	ssyncset.done $0x0  }
0x3e: {  	[sflag:s30] =	ssyncadd.s32 $0xFFFFCE00  }
0x3f: {  	[spmem:s2] =	stream.indirect.scatter.add.f32 [tilespmem:s29], [sflag:$0x5], $0x20, s22, s24, $0xb8;
	[tilespmem:$0x1F140] =	vst v63  }
0x40: {  	_ =	swait.ge [sflag:s18], $0x3200  }
0x41: {  	[sflag:s18] =	ssyncset.done $0x0  }
0x42: {  	s1 =	sadd.s32 $0x0, s14;
	[sflag:s18] =	ssyncadd.s32 $0xFFFFCE00  }
0x43: {  	[tilespmem:s21], [sflag:$0x2] =	stream.linear.gather [hbm4b:s1+s3], $0x190, $0x38;
	[tilespmem:$0x1F140] =	vst v63  }
0x44: {  	s5 =	sadd.s32 $0x0, s13  }
0x45: {  	[tilespmem:s22], [sflag:$0x2] =	stream.linear.gather [hbm4b:s5+s3], $0x190, $0x38;
	[tilespmem:$0x1F140] =	vst v63  }
0x46: {  	_ =	swait.ge [sflag:s23], $0x190  }
0x47: {  	[sflag:s23] =	ssyncset.done $0x0  }
0x48: {  	[sflag:s23] =	ssyncadd.s32 $0xFFFFFE70  }
0x49: {  	_ =	swait.ge [sflag:s23], $0x190  }
0x4a: {  	[sflag:s23] =	ssyncset.done $0x0  }
0x4b: {  	s0 =	simm.s32 $0x64;
	[sflag:s23] =	ssyncadd.s32 $0xFFFFFE70  }
.LBB2_2:
0x4c: {  	[tilespmem:s25], [sflag:$0x3] =	stream.indirect.gather [hbm4b:s4+s24], $0x20, s19, s24, $0xb8;
	[tilespmem:$0x1F140] =	vst v63  }
0x4d: {  	s1 =	smov.u32 s0  }
0x4e: {  	p0 =	sne.s32 s0, $0x1838;
	s0 =	sadd.s32 $0x64, s0;
	_ =	swait.ge [sflag:s26], $0x3200  }
0x4f: {  	[sflag:s26] =	ssyncset.done $0x0  }
0x50: {  	[sflag:s26] =	ssyncadd.s32 $0xFFFFCE00  }
0x51: {  	[spmem:s2] =	stream.indirect.scatter.add.f32 [tilespmem:s25], [sflag:$0x5], $0x20, s20, s24, $0xb8;
	[tilespmem:$0x1F140] =	vst v63  }
0x52: {  	_ =	swait.ge [sflag:s18], $0x3200  }
0x53: {  	[sflag:s18] =	ssyncset.done $0x0  }
0x54: {  	s5 =	sadd.s32 s1, s16;
	[sflag:s18] =	ssyncadd.s32 $0xFFFFCE00  }
0x55: {  	[tilespmem:s19], [sflag:$0x1] =	stream.linear.gather [hbm4b:s5+s3], $0x190, $0x38;
	[tilespmem:$0x1F140] =	vst v63  }
0x56: {  	s5 =	sadd.s32 s1, s15  }
0x57: {  	[tilespmem:s20], [sflag:$0x1] =	stream.linear.gather [hbm4b:s5+s3], $0x190, $0x38;
	[tilespmem:$0x1F140] =	vst v63  }
0x58: {  	_ =	swait.ge [sflag:s28], $0x190  }
0x59: {  	[sflag:s28] =	ssyncset.done $0x0  }
0x5a: {  	[sflag:s28] =	ssyncadd.s32 $0xFFFFFE70  }
0x5b: {  	_ =	swait.ge [sflag:s28], $0x190  }
0x5c: {  	[sflag:s28] =	ssyncset.done $0x0  }
0x5d: {  	[sflag:s28] =	ssyncadd.s32 $0xFFFFFE70  }
0x5e: {  	[tilespmem:s29], [sflag:$0x4] =	stream.indirect.gather [hbm4b:s4+s24], $0x20, s21, s24, $0xb8;
	[tilespmem:$0x1F140] =	vst v63  }
0x5f: {  	_ =	swait.ge [sflag:s30], $0x3200  }
0x60: {  	[sflag:s30] =	ssyncset.done $0x0  }
0x61: {  	[sflag:s30] =	ssyncadd.s32 $0xFFFFCE00  }
0x62: {  	[spmem:s2] =	stream.indirect.scatter.add.f32 [tilespmem:s29], [sflag:$0x5], $0x20, s22, s24, $0xb8;
	[tilespmem:$0x1F140] =	vst v63  }
0x63: {  	_ =	swait.ge [sflag:s18], $0x3200  }
0x64: {  	[sflag:s18] =	ssyncset.done $0x0  }
0x65: {  	s5 =	sadd.s32 s1, s14;
	[sflag:s18] =	ssyncadd.s32 $0xFFFFCE00  }
0x66: {  	[tilespmem:s21], [sflag:$0x2] =	stream.linear.gather [hbm4b:s5+s3], $0x190, $0x38;
	[tilespmem:$0x1F140] =	vst v63  }
0x67: {  	s1 =	sadd.s32 s1, s13  }
0x68: {  	[tilespmem:s22], [sflag:$0x2] =	stream.linear.gather [hbm4b:s1+s3], $0x190, $0x38;
	[tilespmem:$0x1F140] =	vst v63  }
0x69: {  	_ =	swait.ge [sflag:s23], $0x190  }
.Ltmp0:
0x6a: {  	[sflag:s23] =	ssyncset.done $0x0;
	(pc) =	sbr.rel @p0 .LBB2_2-.Ltmp0, $4  }
0x6b: {  	[sflag:s23] =	ssyncadd.s32 $0xFFFFFE70  }
0x6c: {  	_ =	swait.ge [sflag:s23], $0x190  }
0x6d: {  	[sflag:s23] =	ssyncset.done $0x0  }
0x6e: {  	[sflag:s23] =	ssyncadd.s32 $0xFFFFFE70  }
0x6f: {  	[tilespmem:s25], [sflag:$0x3] =	stream.indirect.gather [hbm4b:s4+s24], $0x20, s19, s24, $0xb8;
	[tilespmem:$0x1F140] =	vst v63  }
0x70: {  	_ =	swait.ge [sflag:s26], $0x3200  }
0x71: {  	[sflag:s26] =	ssyncset.done $0x0  }
0x72: {  	[sflag:s26] =	ssyncadd.s32 $0xFFFFCE00  }
0x73: {  	[spmem:s2] =	stream.indirect.scatter.add.f32 [tilespmem:s25], [sflag:$0x5], $0x20, s20, s24, $0xb8;
	[tilespmem:$0x1F140] =	vst v63  }
0x74: {  	_ =	swait.ge [sflag:s18], $0x3200  }
0x75: {  	[sflag:s18] =	ssyncset.done $0x0  }
0x76: {  	[sflag:s18] =	ssyncadd.s32 $0xFFFFCE00  }
0x77: {  	_ =	swait.ge [sflag:s28], $0x190  }
0x78: {  	[sflag:s28] =	ssyncset.done $0x0  }
0x79: {  	[sflag:s28] =	ssyncadd.s32 $0xFFFFFE70  }
0x7a: {  	_ =	swait.ge [sflag:s28], $0x190  }
0x7b: {  	[sflag:s28] =	ssyncset.done $0x0  }
0x7c: {  	[sflag:s28] =	ssyncadd.s32 $0xFFFFFE70  }
0x7d: {  	[tilespmem:s29], [sflag:$0x4] =	stream.indirect.gather [hbm4b:s4+s24], $0x20, s21, s24, $0xb8;
	[tilespmem:$0x1F140] =	vst v63  }
0x7e: {  	_ =	swait.ge [sflag:s30], $0x3200  }
0x7f: {  	[sflag:s30] =	ssyncset.done $0x0  }
0x80: {  	[sflag:s30] =	ssyncadd.s32 $0xFFFFCE00  }
0x81: {  	[spmem:s2] =	stream.indirect.scatter.add.f32 [tilespmem:s29], [sflag:$0x5], $0x20, s22, s24, $0xb8;
	[tilespmem:$0x1F140] =	vst v63  }
0x82: {  	_ =	swait.ge [sflag:s18], $0x3200  }
0x83: {  	s31 =	sadd.s32 $0x1, s31;
	[sflag:s18] =	ssyncset.done $0x0  }
0x84: {  	p0 =	sne.s32 s31, s12;
	[sflag:s18] =	ssyncadd.s32 $0xFFFFCE00  }
.Ltmp1:
0x85: {  	[bflag:$0x0] =	sbarrier.arrive $0xFFFF;
	(pc) =	sbr.rel @p0 .LBB2_1-.Ltmp1, $4  }
0x86: {  	[hbm:s11], [sflag:s6] =	dma.local [spmem:s17], $0x30E0  }
0x87: {  	_ =	swait.ge [sflag:s18], $0x30E0  }
0x88: {  	[sflag:s18] =	ssyncset.done $0x0  }
0x89: {  	[sflag:s18] =	ssyncadd.s32 $0xFFFFCF20  }
0x8a: {  	_ =	sfence.sel $0x180000  }
0x8b: {  	[bflag:$0x0] =	sbarrier.arrive $0xFFFF  }
0x8c: {  	_ =	strace $0x9000004D  }
0x8d: {  	s0 =	stileid.u32;
	[bflag:$0x2] =	sbarrier.arrive $0xFFFF  }
0x8e: {  	p0 =	sne.s32 s0, $0x0;
	s0 =	rddreg [dreg:$0x2]  }
0x8f: {  	s0 =	sadd.s32 @!p0 $0x100000, s0  }
0x90: {  	[sflag:s0] =	ssyncadd.tile.s32 @!p0 $0x1;
	_ =	shalt  }
.Lfunc_end2:
_tile_overlayer_lowered:
.L_overlay_start_2:
0x91: {  	(tag) =	ssettag $0x2  }
0x92: {  	s0 =	rddreg [dreg:$0x0];
	s2 =	stileid.u32  }
0x93: {  	s1 =	rddreg [dreg:$0x1];
	p0 =	sne.s32 s2, $0x0  }
0x94: {  	s3 =	rddreg [dreg:$0x2];
	[bflag:$0x3] =	sbarrier.arrive $0xFFFF;
	s2 =	simm.s32 @!p0 $0x1C05  }
0x95: {  	[timem:s3], [sflag:s2] =	dma.local @!p0 [hbm:s0], s1  }
0x96: {  	s0 =	simm.s32 @!p0 $0x5  }
0x97: {  	_ =	swait.ge @!p0 [sflag:s0], s1  }
0x98: {  	s1 =	ssub.s32 @!p0 $0x0, s1;
	[sflag:s0] =	ssyncset.done @!p0 $0x0  }
0x99: {  	[sflag:s0] =	ssyncadd.s32 @!p0 s1  }
0x9a: {  	[bflag:$0x3] =	sbarrier.arrive $0xFFFF  }
0x9b: {  	_ =	shalt  }

// kernel: kernel.21.cloned.1.call-start
scs
__scs_entry_jumppad:
0x0: {  	(pc) =	sbr.rel $0x88, $3  }
0x1: {  	(tag) =	ssettag $0x0;
	lr =	simm.s32 $0x1  }
0x2: {  	[smem:$0x3F9C] =	sst lr;
	_ =	strace $0xD0000000  }
0x3: {  	_ = 	snop  }
0x4: {  	_ = 	snop  }
0x5: {  	_ = 	snop  }
0x6: {  	_ = 	snop  }
0x7: {  	_ = 	snop  }
__scs_overlays_trampoline_lowered:
0x8: {  	[smem:$0x3FAB] =	sst s0  }
0x9: {  	[smem:$0x3FAC] =	sst s1  }
0xa: {  	[smem:$0x3FAD] =	sst s2  }
0xb: {  	[smem:$0x3FAE] =	sst s3  }
0xc: {  	[smem:$0x3FAF] =	sst s4  }
0xd: {  	[smem:$0x3FB0] =	sst s5  }
0xe: {  	[smem:$0x3FB1] =	sst s6  }
0xf: {  	[smem:$0x3FB2] =	sst s7  }
0x10: {  	[smem:$0x3FB3] =	sst s8  }
0x11: {  	[smem:$0x3FB4] =	sst s9;
	s0 =	simm.s32 @!p0 $0x0  }
0x12: {  	s1 =	sld [smem:$0x3F9A];
	s0 =	simm.s32 @p0 $0x1  }
0x13: {  	[smem:$0x3FB5] =	sst s0;
	s0 =	simm.s32 @!p1 $0x0  }
0x14: {  	s2 =	sld [smem:$0x3F99];
	s0 =	simm.s32 @p1 $0x1  }
0x15: {  	[smem:$0x3FB6] =	sst s0;
	s0 =	simm.s32 @!p2 $0x0  }
0x16: {  	s3 =	sld [smem:$0x3FDB];
	s0 =	simm.s32 @p2 $0x1  }
0x17: {  	s4 =	simm.s32 $0x1BF5;
	[smem:$0x3FB8] =	sst s0  }
0x18: {  	s0 =	sld [smem:$0x3F9B];
	_ =	swait.ge [sflag:s4], $0x0  }
0x19: {  	s7 =	sld [smem:$0x3F9C]  }
0x1a: {  	s8 =	sadd.s32 $0xFFFFE003, lr  }
0x1b: {  	s9 =	sadd.s32 $0xFFFFFEF7, lr;
	s5 =	simm.s32 $0xFFFFFFFF;
	p2 =	slt.u32 s8, $0xFFFFF086  }
0x1c: {  	p1 =	slt.u32 s9, $0xF7A;
	s5 =	simm.s32 @!p2 $0x0  }
0x1d: {  	s5 =	simm.s32 @p1 $0x1;
	p0 =	seq.s32 s7, s2  }
0x1e: {  	s7 =	smul.u32 @!p0 $0xF7A, s2;
	p2 =	seq.s32 @!p0 s5, $0x0  }
0x1f: {  	s9 =	smul.u32 $0xF7A, s1;
	s8 =	simm.s32 @!p0 $0x1BF5;
	p2 =	por !p2, p0  }
0x20: {  	[sflag:s8] =	ssyncset.s32 @!p0 $0xFFFFF086;
	s6 =	sadd.s32 @!p0 s3, s7;
	s7 =	simm.s32 @!p0 $0x108  }
0x21: {  	s3 =	sadd.s32 s3, s9;
	s6 =	sadd.s32 @!p0 $0x88, s6;
	s7 =	simm.s32 @p2 $0x1082  }
0x22: {  	[simem:s7], [sflag:s8] =	dma.local @!p0 [hbm:s6], $0xF7A  }
0x23: {  	s9 =	sor.u32 $0xD0000000, s2;
	s6 =	simm.s32 $0x108;
	_ =	swait.ge @!p0 [sflag:s8], $0x0  }
0x24: {  	s3 =	sadd.s32 $0x88, s3;
	s6 =	simm.s32 @!p1 $0x1082;
	[sflag:s4] =	ssyncset.s32 $0xFFFFF086  }
0x25: {  	[simem:s6], [sflag:s4] =	dma.local [hbm:s3], $0xF7A  }
0x26: {  	[smem:$0x3F9C] =	sst s1;
	(tag) =	ssettag s2;
	_ =	strace s9  }
0x27: {  	s1 =	sld [smem:$0x3FAC]  }
0x28: {  	s2 =	sld [smem:$0x3FAD]  }
0x29: {  	s4 =	sld [smem:$0x3FAF]  }
0x2a: {  	p0 =	seq.s32 s5, $0x0;
	s5 =	sld [smem:$0x3FB0]  }
0x2b: {  	s6 =	sld [smem:$0x3FB1]  }
0x2c: {  	s7 =	sld [smem:$0x3FB2]  }
0x2d: {  	s3 =	simm.s32 $0x108;
	s8 =	sld [smem:$0x3FB3]  }
0x2e: {  	s3 =	simm.s32 @!p0 $0x1082;
	s9 =	sld [smem:$0x3FB4]  }
0x2f: {  	lr =	sadd.s32 s0, s3;
	s0 =	sld [smem:$0x3FAB]  }
0x30: {  	s3 =	sld [smem:$0x3FAE]  }
0x31: {  	[smem:$0x3FB7] =	sst s10  }
0x32: {  	s10 =	sld [smem:$0x3FB5];
	_ =	sdelay $0x3  }
0x33: {  	p0 =	seq.s32 s10, $0x1;
	s10 =	sld [smem:$0x3FB7];
	_ =	sdelay $0x3  }
0x34: {  	[smem:$0x3FB7] =	sst s10  }
0x35: {  	s10 =	sld [smem:$0x3FB6];
	_ =	sdelay $0x3  }
0x36: {  	p1 =	seq.s32 s10, $0x1;
	s10 =	sld [smem:$0x3FB7];
	_ =	sdelay $0x3  }
0x37: {  	[smem:$0x3FB7] =	sst s10  }
0x38: {  	s10 =	sld [smem:$0x3FB8]  }
0x39: {  	_ = 	snop;
	(pc) =	sbr.ind lr, $3  }
0x3a: {  	_ = 	snop  }
0x3b: {  	_ = 	snop  }
0x3c: {  	p2 =	seq.s32 s10, $0x1;
	s10 =	sld [smem:$0x3FB7]  }
0x3d: {  	_ =	shalt  }
0x3e: {  	_ =	shalt  }
0x3f: {  	_ =	shalt  }
0x40: {  	_ =	shalt  }
0x41: {  	_ =	shalt  }
0x42: {  	_ =	shalt  }
0x43: {  	_ =	shalt  }
0x44: {  	_ =	shalt  }
0x45: {  	_ =	shalt  }
0x46: {  	_ =	shalt  }
0x47: {  	_ =	shalt  }
0x48: {  	_ =	shalt  }
0x49: {  	_ =	shalt  }
0x4a: {  	_ =	shalt  }
0x4b: {  	_ =	shalt  }
0x4c: {  	_ =	shalt  }
0x4d: {  	_ =	shalt  }
0x4e: {  	_ =	shalt  }
0x4f: {  	_ =	shalt  }
0x50: {  	_ =	shalt  }
0x51: {  	_ =	shalt  }
0x52: {  	_ =	shalt  }
0x53: {  	_ =	shalt  }
0x54: {  	_ =	shalt  }
0x55: {  	_ =	shalt  }
0x56: {  	_ =	shalt  }
0x57: {  	_ =	shalt  }
0x58: {  	_ =	shalt  }
0x59: {  	_ =	shalt  }
0x5a: {  	_ =	shalt  }
0x5b: {  	_ =	shalt  }
0x5c: {  	_ =	shalt  }
0x5d: {  	_ =	shalt  }
0x5e: {  	_ =	shalt  }
0x5f: {  	_ =	shalt  }
0x60: {  	_ =	shalt  }
0x61: {  	_ =	shalt  }
0x62: {  	_ =	shalt  }
0x63: {  	_ =	shalt  }
0x64: {  	_ =	shalt  }
0x65: {  	_ =	shalt  }
0x66: {  	_ =	shalt  }
0x67: {  	_ =	shalt  }
0x68: {  	_ =	shalt  }
0x69: {  	_ =	shalt  }
0x6a: {  	_ =	shalt  }
0x6b: {  	_ =	shalt  }
0x6c: {  	_ =	shalt  }
0x6d: {  	_ =	shalt  }
0x6e: {  	_ =	shalt  }
0x6f: {  	_ =	shalt  }
0x70: {  	_ =	shalt  }
0x71: {  	_ =	shalt  }
0x72: {  	_ =	shalt  }
0x73: {  	_ =	shalt  }
0x74: {  	_ =	shalt  }
0x75: {  	_ =	shalt  }
0x76: {  	_ =	shalt  }
0x77: {  	_ =	shalt  }
0x78: {  	_ =	shalt  }
0x79: {  	_ =	shalt  }
0x7a: {  	_ =	shalt  }
0x7b: {  	_ =	shalt  }
0x7c: {  	_ =	shalt  }
0x7d: {  	_ =	shalt  }
0x7e: {  	_ =	shalt  }
0x7f: {  	_ =	shalt  }
0x80: {  	_ =	shalt  }
0x81: {  	_ =	shalt  }
0x82: {  	_ =	shalt  }
0x83: {  	_ =	shalt  }
0x84: {  	_ =	shalt  }
0x85: {  	_ =	shalt  }
0x86: {  	_ =	shalt  }
0x87: {  	_ =	shalt  }
.Lfunc_end0:
.L_simem_size_0:
called_computation.3_lowered:
.L_overlay_start_0:
0x88: {  	s2 =	sld [smem:$0x3FD9]  }
0x89: {  	s3 =	sld [smem:$0x3FFE];
	_ =	sdelay $0x1  }
0x8a: {  	s1 =	srdreg.scid  }
0x8b: {  	s0 =	sand.u32 $0x1, s1  }
0x8c: {  	s16 =	sshll.u32 s0, $0xA;
	s2 =	sadd.s32 s3, s2  }
0x8d: {  	s2 =	sadd.s32 s2, s16  }
0x8e: {  	[smem:$0x3FC3] =	sst s2  }
0x8f: {  	_ = 	snop  }
0x90: {  	(tm) =	ssettm $0x1  }
0x91: {  	s17 =	sld [smem:$0x3FFB];
	_ =	sdelay $0x3  }
0x92: {  	_ =	strace s17  }
0x93: {  	s2 =	sld [smem:$0x3FFC];
	_ =	sdelay $0x3  }
0x94: {  	_ =	strace s2  }
0x95: {  	s2 =	sld [smem:$0x3FFD];
	_ =	sdelay $0x3  }
0x96: {  	_ =	strace s2  }
0x97: {  	_ =	strace $0x8FFFFFFF  }
0x98: {  	s18 =	sld [smem:$0x3FDB];
	_ =	sdelay $0x1  }
0x99: {  	s19 =	simm.s32 $_scs_section_size  }
0x9a: {  	s4 =	simm.s32 $_size__tile_overlayer_lowered;
	s5 =	simm.s32 $_tile_overlayer_lowered  }
0x9b: {  	s22 =	simm.s32 $0x1BFF;
	s21 =	sshll.u32 s5, $0x1;
	s2 =	sadd.s32 s19, s18  }
0x9c: {  	s6 =	simm.s32 $0x0;
	s20 =	sshll.u32 s4, $0x1;
	s4 =	sadd.s32 s21, s2  }
0x9d: {  	[timem:s6], [sflag:s22] =	dma.local [hbm:s4], s20  }
0x9e: {  	_ =	swait.ge [sflag:s22], s20  }
0x9f: {  	s3 =	ssub.s32 $0x0, s20;
	[sflag:s22] =	ssyncset.done $0x0  }
0xa0: {  	[sflag:s22] =	ssyncadd.s32 s3;
	_ =	sdelay $0x1  }
0xa1: {  	s23 =	simm.s32 $0x1B8B  }
0xa2: {  	_ =	swait.ge [sflag:s23], $0x1  }
0xa3: {  	[sflag:s23] =	ssyncset.done $0x0  }
0xa4: {  	s25 =	simm.s32 $0x1B8E;
	s24 =	sld [smem:$0x3FFE];
	[sflag:s23] =	ssyncadd.s32 $0xFFFFFFFF  }
0xa5: {  	s26 =	simm.s32 $execute0_lowered;
	[smem:$0x3FD2] =	sst s25  }
0xa6: {  	s4 =	sshll.u32 s26, $0x1;
	_ =	strace $0x8000004F;
	[dreg:$0x1] =	wrdreg $0xFFFFFFFF  }
0xa7: {  	s28 =	simm.s32 $_size_execute0_lowered;
	s2 =	sadd.s32 s2, s4;
	[dreg:$0x0] =	wrdreg $0x0  }
0xa8: {  	s4 =	sshll.u32 s28, $0x1;
	[dreg:$0x2] =	wrdreg s2  }
0xa9: {  	[dreg:$0x3] =	wrdreg s4  }
0xaa: {  	[dreg:$0x4] =	wrdreg $0xC0  }
0xab: {  	_ =	task [dreg:s6], $0x5FFFF  }
0xac: {  	[dreg:$0x1] =	wrdreg $0xFFFFFFFF  }
0xad: {  	[dreg:$0x0] =	wrdreg $0x60  }
0xae: {  	[dreg:$0x2] =	wrdreg s24  }
0xaf: {  	[dreg:$0x3] =	wrdreg $0x0  }
0xb0: {  	[dreg:$0x4] =	wrdreg $0x9  }
0xb1: {  	_ =	task.clear_ibuf [dreg:s6], $0x5FFFF;
	_ =	strace $0x9000004F  }
0xb2: {  	s29 =	simm.s32 $0x9;
	_ =	strace $0x80000051  }
0xb3: {  	_ =	swait.ge [sflag:s29], $0x1  }
0xb4: {  	[sflag:s29] =	ssyncadd.s32 $0xFFFFFFFF  }
0xb5: {  	_ =	strace $0x90000051  }
0xb6: {  	_ =	sfence  }
0xb7: {  	s30 =	sld [smem:$0x0];
	_ =	sdelay $0x2  }
0xb8: {  	s31 =	sshll.u32 s1, $0xD;
	s1 =	sshrl.u32 s1, $0x2  }
0xb9: {  	s3 =	sand.u32 $0x4000, s31;
	s1 =	sadd.s32 s1, s30  }
0xba: {  	s0 =	sor.u32 s3, s0;
	s1 =	sshll.u32 s1, $0x11  }
0xbb: {  	s0 =	sor.u32 s1, s0  }
0xbc: {  	s0 =	sadd.s32 $0x8F2B, s0  }
0xbd: {  	[sflag:s0] =	ssyncadd.remote.s32 $0x1  }
0xbe: {  	_ =	sfence.sel $0xFFFF  }
0xbf: {  	[dreg:$0x0] =	wrdreg $0xFFFFFFFF;
	(pc) =	sbr.abs _section_cstart, $3  }
0xc0: {  	[dreg:$0x1] =	wrdreg $0xFFFFFFFF  }
0xc1: {  	_ =	task.clear_ibuf [dreg:s6], $0x2FFFF;
	_ =	strace $0x9FFFFFFF  }
0xc2: {  	(tm) =	ssettm $0x7FFFFFFF  }
0xc3: {  	_ =	shalt  }
tec
execute0_lowered:
.L_overlay_start_1:
0x0: {  	(tag) =	ssettag $0x1  }
0x1: {  	s0 =	rddreg [dreg:$0x0]  }
0x2: {  	s2 =	rddreg [dreg:$0x1]  }
0x3: {  	s3 =	simm.s32 $0x0;
	s1 =	stileid.u32;
	s4 =	srdreg.scid  }
0x4: {  	s19 =	simm.s32 $0x18700;
	s20 =	simm.s32 $0x18A20;
	s28 =	simm.s32 $0x2  }
0x5: {  	s29 =	simm.s32 $0x1BF40;
	s30 =	simm.s32 $0x4;
	s31 =	simm.s32 $0x0  }
0x6: {  	[smem:$0x7FF] =	sst s3;
	s5 =	smul.u32 $0x18700, s1;
	s7 =	sand.u32 $0x1, s4  }
0x7: {  	s16 =	sadd.s32 $0x65800, s0;
	s15 =	sadd.s32 $0x33800, s0;
	s4 =	sadd.s32 $0x1800, s0  }
0x8: {  	s10 =	sshll.u32 s1, $0x1;
	s24 =	sshll.u32 s1, $0x6;
	s11 =	smul.u32 $0x19000, s1  }
0x9: {  	_ =	strace $0x80000050;
	s6 =	smul.u32 $0x187000, s7;
	s9 =	ssub.s32 $0x2, s7  }
0xa: {  	s10 =	sor.u32 s7, s10;
	s13 =	smul.u32 $0xC800, s7;
	s8 =	sshrl.u32 s5, $0x3  }
0xb: {  	s21 =	sshrl.u32 s9, $0x1;
	s22 =	smul.u32 $0xC800, s10;
	s17 =	sadd.s32 s5, s2  }
0xc: {  	s8 =	sadd.s32 s8, s0;
	s6 =	sadd.s32 s5, s6;
	s12 =	ssub.s32 s9, s21  }
0xd: {  	s13 =	sadd.s32 s13, s11;
	s17 =	sshrl.u32 s17, $0x3;
	s21 =	simm.s32 $0x18890  }
0xe: {  	s6 =	sshrl.u32 s6, $0x3;
	s23 =	sadd.s32 $0x15FC00, s8;
	s9 =	sshrl.u32 s22, $0x3  }
0xf: {  	s26 =	sor.u32 $0x4B0, s13;
	s13 =	sor.u32 $0x320, s13;
	s12 =	smax.u32 s12, $0x1  }
0x10: {  	s22 =	simm.s32 $0x18BB0;
	s0 =	sadd.s32 s6, s0;
	[dreg:$0x3] =	wrdreg s23  }
0x11: {  	s6 =	sor.u32 $0x1C05, s24;
	s7 =	sadd.s32 s16, s9;
	s8 =	sadd.s32 s15, s9  }
0x12: {  	s25 =	sor.u32 $0x32, s9;
	s18 =	sshrl.u32 s13, $0x3;
	s23 =	simm.s32 $0x1  }
0x13: {  	s24 =	simm.s32 $0x190;
	s9 =	sadd.s32 s16, s25;
	s10 =	sadd.s32 s15, s25  }
0x14: {  	s11 =	sadd.s32 $0x190A00, s0;
	s0 =	sshrl.u32 s26, $0x3;
	s25 =	simm.s32 $0x18D40  }
0x15: {  	s26 =	simm.s32 $0x3;
	s13 =	sadd.s32 s0, s15;
	s14 =	sadd.s32 s0, s16  }
0x16: {  	s15 =	sadd.s32 s18, s15;
	s16 =	sadd.s32 s18, s16;
	s18 =	simm.s32 $0x5  }
.LBB2_1:
0x17: {  	s0 =	rddreg [dreg:$0x3]  }
0x18: {  	[spmem:s17], [sflag:s6] =	dma.local [hbm:s0], $0x30E0  }
0x19: {  	_ =	swait.ge [sflag:s18], $0x30E0  }
0x1a: {  	[sflag:s18] =	ssyncset.done $0x0  }
0x1b: {  	[sflag:s18] =	ssyncadd.s32 $0xFFFFCF20  }
0x1c: {  	[bflag:$0x0] =	sbarrier.arrive $0xFFFF  }
0x1d: {  	[tilespmem:s19], [sflag:$0x1] =	stream.linear.gather [hbm4b:s7+s3], $0x190, $0x38;
	[tilespmem:$0x1F140] =	vst v63  }
0x1e: {  	_ = 	snop  }
0x1f: {  	[tilespmem:s20], [sflag:$0x1] =	stream.linear.gather [hbm4b:s8+s3], $0x190, $0x38;
	[tilespmem:$0x1F140] =	vst v63  }
0x20: {  	_ = 	snop  }
0x21: {  	[tilespmem:s21], [sflag:$0x2] =	stream.linear.gather [hbm4b:s9+s3], $0x190, $0x38;
	[tilespmem:$0x1F140] =	vst v63  }
0x22: {  	_ = 	snop  }
0x23: {  	[tilespmem:s22], [sflag:$0x2] =	stream.linear.gather [hbm4b:s10+s3], $0x190, $0x38;
	[tilespmem:$0x1F140] =	vst v63  }
0x24: {  	_ =	swait.ge [sflag:s23], $0x190  }
0x25: {  	[sflag:s23] =	ssyncset.done $0x0  }
0x26: {  	[sflag:s23] =	ssyncadd.s32 $0xFFFFFE70  }
0x27: {  	_ =	swait.ge [sflag:s23], $0x190  }
0x28: {  	[sflag:s23] =	ssyncset.done $0x0  }
0x29: {  	[sflag:s23] =	ssyncadd.s32 $0xFFFFFE70  }
0x2a: {  	[tilespmem:s25], [sflag:$0x3] =	stream.indirect.gather [hbm4b:s4+s24], $0x20, s19, s24, $0xb8;
	[tilespmem:$0x1F140] =	vst v63  }
0x2b: {  	_ =	swait.ge [sflag:s26], $0x3200  }
0x2c: {  	[sflag:s26] =	ssyncset.done $0x0  }
0x2d: {  	[sflag:s26] =	ssyncadd.s32 $0xFFFFCE00  }
0x2e: {  	[spmem:s2] =	stream.indirect.scatter.add.f32 [tilespmem:s25], [sflag:$0x5], $0x20, s20, s24, $0xb8;
	[tilespmem:$0x1F140] =	vst v63  }
0x2f: {  	_ =	swait.ge [sflag:s18], $0x3200  }
0x30: {  	[sflag:s18] =	ssyncset.done $0x0  }
0x31: {  	s1 =	sadd.s32 $0x0, s16;
	[sflag:s18] =	ssyncadd.s32 $0xFFFFCE00  }
0x32: {  	[tilespmem:s19], [sflag:$0x1] =	stream.linear.gather [hbm4b:s1+s3], $0x190, $0x38;
	[tilespmem:$0x1F140] =	vst v63  }
0x33: {  	s5 =	sadd.s32 $0x0, s15  }
0x34: {  	[tilespmem:s20], [sflag:$0x1] =	stream.linear.gather [hbm4b:s5+s3], $0x190, $0x38;
	[tilespmem:$0x1F140] =	vst v63  }
0x35: {  	_ =	swait.ge [sflag:s28], $0x190  }
0x36: {  	[sflag:s28] =	ssyncset.done $0x0  }
0x37: {  	[sflag:s28] =	ssyncadd.s32 $0xFFFFFE70  }
0x38: {  	_ =	swait.ge [sflag:s28], $0x190  }
0x39: {  	[sflag:s28] =	ssyncset.done $0x0  }
0x3a: {  	[sflag:s28] =	ssyncadd.s32 $0xFFFFFE70  }
0x3b: {  	[tilespmem:s29], [sflag:$0x4] =	stream.indirect.gather [hbm4b:s4+s24], $0x20, s21, s24, $0xb8;
	[tilespmem:$0x1F140] =	vst v63  }
0x3c: {  	_ =	swait.ge [sflag:s30], $0x3200  }
0x3d: {  	[sflag:s30] =	ssyncset.done $0x0  }
0x3e: {  	[sflag:s30] =	ssyncadd.s32 $0xFFFFCE00  }
0x3f: {  	[spmem:s2] =	stream.indirect.scatter.add.f32 [tilespmem:s29], [sflag:$0x5], $0x20, s22, s24, $0xb8;
	[tilespmem:$0x1F140] =	vst v63  }
0x40: {  	_ =	swait.ge [sflag:s18], $0x3200  }
0x41: {  	[sflag:s18] =	ssyncset.done $0x0  }
0x42: {  	s1 =	sadd.s32 $0x0, s14;
	[sflag:s18] =	ssyncadd.s32 $0xFFFFCE00  }
0x43: {  	[tilespmem:s21], [sflag:$0x2] =	stream.linear.gather [hbm4b:s1+s3], $0x190, $0x38;
	[tilespmem:$0x1F140] =	vst v63  }
0x44: {  	s5 =	sadd.s32 $0x0, s13  }
0x45: {  	[tilespmem:s22], [sflag:$0x2] =	stream.linear.gather [hbm4b:s5+s3], $0x190, $0x38;
	[tilespmem:$0x1F140] =	vst v63  }
0x46: {  	_ =	swait.ge [sflag:s23], $0x190  }
0x47: {  	[sflag:s23] =	ssyncset.done $0x0  }
0x48: {  	[sflag:s23] =	ssyncadd.s32 $0xFFFFFE70  }
0x49: {  	_ =	swait.ge [sflag:s23], $0x190  }
0x4a: {  	[sflag:s23] =	ssyncset.done $0x0  }
0x4b: {  	s0 =	simm.s32 $0x64;
	[sflag:s23] =	ssyncadd.s32 $0xFFFFFE70  }
.LBB2_2:
0x4c: {  	[tilespmem:s25], [sflag:$0x3] =	stream.indirect.gather [hbm4b:s4+s24], $0x20, s19, s24, $0xb8;
	[tilespmem:$0x1F140] =	vst v63  }
0x4d: {  	s1 =	smov.u32 s0  }
0x4e: {  	p0 =	sne.s32 s0, $0x1838;
	s0 =	sadd.s32 $0x64, s0;
	_ =	swait.ge [sflag:s26], $0x3200  }
0x4f: {  	[sflag:s26] =	ssyncset.done $0x0  }
0x50: {  	[sflag:s26] =	ssyncadd.s32 $0xFFFFCE00  }
0x51: {  	[spmem:s2] =	stream.indirect.scatter.add.f32 [tilespmem:s25], [sflag:$0x5], $0x20, s20, s24, $0xb8;
	[tilespmem:$0x1F140] =	vst v63  }
0x52: {  	_ =	swait.ge [sflag:s18], $0x3200  }
0x53: {  	[sflag:s18] =	ssyncset.done $0x0  }
0x54: {  	s5 =	sadd.s32 s1, s16;
	[sflag:s18] =	ssyncadd.s32 $0xFFFFCE00  }
0x55: {  	[tilespmem:s19], [sflag:$0x1] =	stream.linear.gather [hbm4b:s5+s3], $0x190, $0x38;
	[tilespmem:$0x1F140] =	vst v63  }
0x56: {  	s5 =	sadd.s32 s1, s15  }
0x57: {  	[tilespmem:s20], [sflag:$0x1] =	stream.linear.gather [hbm4b:s5+s3], $0x190, $0x38;
	[tilespmem:$0x1F140] =	vst v63  }
0x58: {  	_ =	swait.ge [sflag:s28], $0x190  }
0x59: {  	[sflag:s28] =	ssyncset.done $0x0  }
0x5a: {  	[sflag:s28] =	ssyncadd.s32 $0xFFFFFE70  }
0x5b: {  	_ =	swait.ge [sflag:s28], $0x190  }
0x5c: {  	[sflag:s28] =	ssyncset.done $0x0  }
0x5d: {  	[sflag:s28] =	ssyncadd.s32 $0xFFFFFE70  }
0x5e: {  	[tilespmem:s29], [sflag:$0x4] =	stream.indirect.gather [hbm4b:s4+s24], $0x20, s21, s24, $0xb8;
	[tilespmem:$0x1F140] =	vst v63  }
0x5f: {  	_ =	swait.ge [sflag:s30], $0x3200  }
0x60: {  	[sflag:s30] =	ssyncset.done $0x0  }
0x61: {  	[sflag:s30] =	ssyncadd.s32 $0xFFFFCE00  }
0x62: {  	[spmem:s2] =	stream.indirect.scatter.add.f32 [tilespmem:s29], [sflag:$0x5], $0x20, s22, s24, $0xb8;
	[tilespmem:$0x1F140] =	vst v63  }
0x63: {  	_ =	swait.ge [sflag:s18], $0x3200  }
0x64: {  	[sflag:s18] =	ssyncset.done $0x0  }
0x65: {  	s5 =	sadd.s32 s1, s14;
	[sflag:s18] =	ssyncadd.s32 $0xFFFFCE00  }
0x66: {  	[tilespmem:s21], [sflag:$0x2] =	stream.linear.gather [hbm4b:s5+s3], $0x190, $0x38;
	[tilespmem:$0x1F140] =	vst v63  }
0x67: {  	s1 =	sadd.s32 s1, s13  }
0x68: {  	[tilespmem:s22], [sflag:$0x2] =	stream.linear.gather [hbm4b:s1+s3], $0x190, $0x38;
	[tilespmem:$0x1F140] =	vst v63  }
0x69: {  	_ =	swait.ge [sflag:s23], $0x190  }
.Ltmp0:
0x6a: {  	[sflag:s23] =	ssyncset.done $0x0;
	(pc) =	sbr.rel @p0 .LBB2_2-.Ltmp0, $4  }
0x6b: {  	[sflag:s23] =	ssyncadd.s32 $0xFFFFFE70  }
0x6c: {  	_ =	swait.ge [sflag:s23], $0x190  }
0x6d: {  	[sflag:s23] =	ssyncset.done $0x0  }
0x6e: {  	[sflag:s23] =	ssyncadd.s32 $0xFFFFFE70  }
0x6f: {  	[tilespmem:s25], [sflag:$0x3] =	stream.indirect.gather [hbm4b:s4+s24], $0x20, s19, s24, $0xb8;
	[tilespmem:$0x1F140] =	vst v63  }
0x70: {  	_ =	swait.ge [sflag:s26], $0x3200  }
0x71: {  	[sflag:s26] =	ssyncset.done $0x0  }
0x72: {  	[sflag:s26] =	ssyncadd.s32 $0xFFFFCE00  }
0x73: {  	[spmem:s2] =	stream.indirect.scatter.add.f32 [tilespmem:s25], [sflag:$0x5], $0x20, s20, s24, $0xb8;
	[tilespmem:$0x1F140] =	vst v63  }
0x74: {  	_ =	swait.ge [sflag:s18], $0x3200  }
0x75: {  	[sflag:s18] =	ssyncset.done $0x0  }
0x76: {  	[sflag:s18] =	ssyncadd.s32 $0xFFFFCE00  }
0x77: {  	_ =	swait.ge [sflag:s28], $0x190  }
0x78: {  	[sflag:s28] =	ssyncset.done $0x0  }
0x79: {  	[sflag:s28] =	ssyncadd.s32 $0xFFFFFE70  }
0x7a: {  	_ =	swait.ge [sflag:s28], $0x190  }
0x7b: {  	[sflag:s28] =	ssyncset.done $0x0  }
0x7c: {  	[sflag:s28] =	ssyncadd.s32 $0xFFFFFE70  }
0x7d: {  	[tilespmem:s29], [sflag:$0x4] =	stream.indirect.gather [hbm4b:s4+s24], $0x20, s21, s24, $0xb8;
	[tilespmem:$0x1F140] =	vst v63  }
0x7e: {  	_ =	swait.ge [sflag:s30], $0x3200  }
0x7f: {  	[sflag:s30] =	ssyncset.done $0x0  }
0x80: {  	[sflag:s30] =	ssyncadd.s32 $0xFFFFCE00  }
0x81: {  	[spmem:s2] =	stream.indirect.scatter.add.f32 [tilespmem:s29], [sflag:$0x5], $0x20, s22, s24, $0xb8;
	[tilespmem:$0x1F140] =	vst v63  }
0x82: {  	_ =	swait.ge [sflag:s18], $0x3200  }
0x83: {  	s31 =	sadd.s32 $0x1, s31;
	[sflag:s18] =	ssyncset.done $0x0  }
0x84: {  	p0 =	sne.s32 s31, s12;
	[sflag:s18] =	ssyncadd.s32 $0xFFFFCE00  }
.Ltmp1:
0x85: {  	[bflag:$0x0] =	sbarrier.arrive $0xFFFF;
	(pc) =	sbr.rel @p0 .LBB2_1-.Ltmp1, $4  }
0x86: {  	[hbm:s11], [sflag:s6] =	dma.local [spmem:s17], $0x30E0  }
0x87: {  	_ =	swait.ge [sflag:s18], $0x30E0  }
0x88: {  	[sflag:s18] =	ssyncset.done $0x0  }
0x89: {  	[sflag:s18] =	ssyncadd.s32 $0xFFFFCF20  }
0x8a: {  	_ =	sfence.sel $0x180000  }
0x8b: {  	[bflag:$0x0] =	sbarrier.arrive $0xFFFF  }
0x8c: {  	_ =	strace $0x90000050  }
0x8d: {  	s0 =	stileid.u32;
	[bflag:$0x2] =	sbarrier.arrive $0xFFFF  }
0x8e: {  	p0 =	sne.s32 s0, $0x0;
	s0 =	rddreg [dreg:$0x2]  }
0x8f: {  	s0 =	sadd.s32 @!p0 $0x100000, s0  }
0x90: {  	[sflag:s0] =	ssyncadd.tile.s32 @!p0 $0x1;
	_ =	shalt  }
.Lfunc_end2:
_tile_overlayer_lowered:
.L_overlay_start_2:
0x91: {  	(tag) =	ssettag $0x2  }
0x92: {  	s0 =	rddreg [dreg:$0x0];
	s2 =	stileid.u32  }
0x93: {  	s1 =	rddreg [dreg:$0x1];
	p0 =	sne.s32 s2, $0x0  }
0x94: {  	s3 =	rddreg [dreg:$0x2];
	[bflag:$0x3] =	sbarrier.arrive $0xFFFF;
	s2 =	simm.s32 @!p0 $0x1C05  }
0x95: {  	[timem:s3], [sflag:s2] =	dma.local @!p0 [hbm:s0], s1  }
0x96: {  	s0 =	simm.s32 @!p0 $0x5  }
0x97: {  	_ =	swait.ge @!p0 [sflag:s0], s1  }
0x98: {  	s1 =	ssub.s32 @!p0 $0x0, s1;
	[sflag:s0] =	ssyncset.done @!p0 $0x0  }
0x99: {  	[sflag:s0] =	ssyncadd.s32 @!p0 s1  }
0x9a: {  	[bflag:$0x3] =	sbarrier.arrive $0xFFFF  }
0x9b: {  	_ =	shalt  }

// kernel: kernel.24.cloned.1.call-start
scs
__scs_entry_jumppad:
0x0: {  	(pc) =	sbr.rel $0x88, $3  }
0x1: {  	(tag) =	ssettag $0x0;
	lr =	simm.s32 $0x1  }
0x2: {  	[smem:$0x3F9C] =	sst lr;
	_ =	strace $0xD0000000  }
0x3: {  	_ = 	snop  }
0x4: {  	_ = 	snop  }
0x5: {  	_ = 	snop  }
0x6: {  	_ = 	snop  }
0x7: {  	_ = 	snop  }
__scs_overlays_trampoline_lowered:
0x8: {  	[smem:$0x3FAB] =	sst s0  }
0x9: {  	[smem:$0x3FAC] =	sst s1  }
0xa: {  	[smem:$0x3FAD] =	sst s2  }
0xb: {  	[smem:$0x3FAE] =	sst s3  }
0xc: {  	[smem:$0x3FAF] =	sst s4  }
0xd: {  	[smem:$0x3FB0] =	sst s5  }
0xe: {  	[smem:$0x3FB1] =	sst s6  }
0xf: {  	[smem:$0x3FB2] =	sst s7  }
0x10: {  	[smem:$0x3FB3] =	sst s8  }
0x11: {  	[smem:$0x3FB4] =	sst s9;
	s0 =	simm.s32 @!p0 $0x0  }
0x12: {  	s1 =	sld [smem:$0x3F9A];
	s0 =	simm.s32 @p0 $0x1  }
0x13: {  	[smem:$0x3FB5] =	sst s0;
	s0 =	simm.s32 @!p1 $0x0  }
0x14: {  	s2 =	sld [smem:$0x3F99];
	s0 =	simm.s32 @p1 $0x1  }
0x15: {  	[smem:$0x3FB6] =	sst s0;
	s0 =	simm.s32 @!p2 $0x0  }
0x16: {  	s3 =	sld [smem:$0x3FDB];
	s0 =	simm.s32 @p2 $0x1  }
0x17: {  	s4 =	simm.s32 $0x1BF5;
	[smem:$0x3FB8] =	sst s0  }
0x18: {  	s0 =	sld [smem:$0x3F9B];
	_ =	swait.ge [sflag:s4], $0x0  }
0x19: {  	s7 =	sld [smem:$0x3F9C]  }
0x1a: {  	s8 =	sadd.s32 $0xFFFFE003, lr  }
0x1b: {  	s9 =	sadd.s32 $0xFFFFFEF7, lr;
	s5 =	simm.s32 $0xFFFFFFFF;
	p2 =	slt.u32 s8, $0xFFFFF086  }
0x1c: {  	p1 =	slt.u32 s9, $0xF7A;
	s5 =	simm.s32 @!p2 $0x0  }
0x1d: {  	s5 =	simm.s32 @p1 $0x1;
	p0 =	seq.s32 s7, s2  }
0x1e: {  	s7 =	smul.u32 @!p0 $0xF7A, s2;
	p2 =	seq.s32 @!p0 s5, $0x0  }
0x1f: {  	s9 =	smul.u32 $0xF7A, s1;
	s8 =	simm.s32 @!p0 $0x1BF5;
	p2 =	por !p2, p0  }
0x20: {  	[sflag:s8] =	ssyncset.s32 @!p0 $0xFFFFF086;
	s6 =	sadd.s32 @!p0 s3, s7;
	s7 =	simm.s32 @!p0 $0x108  }
0x21: {  	s3 =	sadd.s32 s3, s9;
	s6 =	sadd.s32 @!p0 $0x88, s6;
	s7 =	simm.s32 @p2 $0x1082  }
0x22: {  	[simem:s7], [sflag:s8] =	dma.local @!p0 [hbm:s6], $0xF7A  }
0x23: {  	s9 =	sor.u32 $0xD0000000, s2;
	s6 =	simm.s32 $0x108;
	_ =	swait.ge @!p0 [sflag:s8], $0x0  }
0x24: {  	s3 =	sadd.s32 $0x88, s3;
	s6 =	simm.s32 @!p1 $0x1082;
	[sflag:s4] =	ssyncset.s32 $0xFFFFF086  }
0x25: {  	[simem:s6], [sflag:s4] =	dma.local [hbm:s3], $0xF7A  }
0x26: {  	[smem:$0x3F9C] =	sst s1;
	(tag) =	ssettag s2;
	_ =	strace s9  }
0x27: {  	s1 =	sld [smem:$0x3FAC]  }
0x28: {  	s2 =	sld [smem:$0x3FAD]  }
0x29: {  	s4 =	sld [smem:$0x3FAF]  }
0x2a: {  	p0 =	seq.s32 s5, $0x0;
	s5 =	sld [smem:$0x3FB0]  }
0x2b: {  	s6 =	sld [smem:$0x3FB1]  }
0x2c: {  	s7 =	sld [smem:$0x3FB2]  }
0x2d: {  	s3 =	simm.s32 $0x108;
	s8 =	sld [smem:$0x3FB3]  }
0x2e: {  	s3 =	simm.s32 @!p0 $0x1082;
	s9 =	sld [smem:$0x3FB4]  }
0x2f: {  	lr =	sadd.s32 s0, s3;
	s0 =	sld [smem:$0x3FAB]  }
0x30: {  	s3 =	sld [smem:$0x3FAE]  }
0x31: {  	[smem:$0x3FB7] =	sst s10  }
0x32: {  	s10 =	sld [smem:$0x3FB5];
	_ =	sdelay $0x3  }
0x33: {  	p0 =	seq.s32 s10, $0x1;
	s10 =	sld [smem:$0x3FB7];
	_ =	sdelay $0x3  }
0x34: {  	[smem:$0x3FB7] =	sst s10  }
0x35: {  	s10 =	sld [smem:$0x3FB6];
	_ =	sdelay $0x3  }
0x36: {  	p1 =	seq.s32 s10, $0x1;
	s10 =	sld [smem:$0x3FB7];
	_ =	sdelay $0x3  }
0x37: {  	[smem:$0x3FB7] =	sst s10  }
0x38: {  	s10 =	sld [smem:$0x3FB8]  }
0x39: {  	_ = 	snop;
	(pc) =	sbr.ind lr, $3  }
0x3a: {  	_ = 	snop  }
0x3b: {  	_ = 	snop  }
0x3c: {  	p2 =	seq.s32 s10, $0x1;
	s10 =	sld [smem:$0x3FB7]  }
0x3d: {  	_ =	shalt  }
0x3e: {  	_ =	shalt  }
0x3f: {  	_ =	shalt  }
0x40: {  	_ =	shalt  }
0x41: {  	_ =	shalt  }
0x42: {  	_ =	shalt  }
0x43: {  	_ =	shalt  }
0x44: {  	_ =	shalt  }
0x45: {  	_ =	shalt  }
0x46: {  	_ =	shalt  }
0x47: {  	_ =	shalt  }
0x48: {  	_ =	shalt  }
0x49: {  	_ =	shalt  }
0x4a: {  	_ =	shalt  }
0x4b: {  	_ =	shalt  }
0x4c: {  	_ =	shalt  }
0x4d: {  	_ =	shalt  }
0x4e: {  	_ =	shalt  }
0x4f: {  	_ =	shalt  }
0x50: {  	_ =	shalt  }
0x51: {  	_ =	shalt  }
0x52: {  	_ =	shalt  }
0x53: {  	_ =	shalt  }
0x54: {  	_ =	shalt  }
0x55: {  	_ =	shalt  }
0x56: {  	_ =	shalt  }
0x57: {  	_ =	shalt  }
0x58: {  	_ =	shalt  }
0x59: {  	_ =	shalt  }
0x5a: {  	_ =	shalt  }
0x5b: {  	_ =	shalt  }
0x5c: {  	_ =	shalt  }
0x5d: {  	_ =	shalt  }
0x5e: {  	_ =	shalt  }
0x5f: {  	_ =	shalt  }
0x60: {  	_ =	shalt  }
0x61: {  	_ =	shalt  }
0x62: {  	_ =	shalt  }
0x63: {  	_ =	shalt  }
0x64: {  	_ =	shalt  }
0x65: {  	_ =	shalt  }
0x66: {  	_ =	shalt  }
0x67: {  	_ =	shalt  }
0x68: {  	_ =	shalt  }
0x69: {  	_ =	shalt  }
0x6a: {  	_ =	shalt  }
0x6b: {  	_ =	shalt  }
0x6c: {  	_ =	shalt  }
0x6d: {  	_ =	shalt  }
0x6e: {  	_ =	shalt  }
0x6f: {  	_ =	shalt  }
0x70: {  	_ =	shalt  }
0x71: {  	_ =	shalt  }
0x72: {  	_ =	shalt  }
0x73: {  	_ =	shalt  }
0x74: {  	_ =	shalt  }
0x75: {  	_ =	shalt  }
0x76: {  	_ =	shalt  }
0x77: {  	_ =	shalt  }
0x78: {  	_ =	shalt  }
0x79: {  	_ =	shalt  }
0x7a: {  	_ =	shalt  }
0x7b: {  	_ =	shalt  }
0x7c: {  	_ =	shalt  }
0x7d: {  	_ =	shalt  }
0x7e: {  	_ =	shalt  }
0x7f: {  	_ =	shalt  }
0x80: {  	_ =	shalt  }
0x81: {  	_ =	shalt  }
0x82: {  	_ =	shalt  }
0x83: {  	_ =	shalt  }
0x84: {  	_ =	shalt  }
0x85: {  	_ =	shalt  }
0x86: {  	_ =	shalt  }
0x87: {  	_ =	shalt  }
.Lfunc_end0:
.L_simem_size_0:
called_computation.4_lowered:
.L_overlay_start_0:
0x88: {  	s2 =	sld [smem:$0x3FD9]  }
0x89: {  	s3 =	sld [smem:$0x3FFE];
	_ =	sdelay $0x1  }
0x8a: {  	s1 =	srdreg.scid  }
0x8b: {  	s0 =	sand.u32 $0x1, s1  }
0x8c: {  	s17 =	sshll.u32 s0, $0xA;
	s2 =	sadd.s32 s3, s2  }
0x8d: {  	s2 =	sadd.s32 s2, s17  }
0x8e: {  	[smem:$0x3FC3] =	sst s2  }
0x8f: {  	_ = 	snop  }
0x90: {  	s2 =	sld [smem:$0x3FC6]  }
0x91: {  	s18 =	sld [smem:$0x3FC5];
	(tm) =	ssettm $0x1  }
0x92: {  	s4 =	sld [smem:$0x3FFB];
	_ =	sdelay $0x3  }
0x93: {  	_ =	strace s4  }
0x94: {  	s4 =	sld [smem:$0x3FFC];
	_ =	sdelay $0x3  }
0x95: {  	_ =	strace s4  }
0x96: {  	s4 =	sld [smem:$0x3FFD];
	_ =	sdelay $0x3  }
0x97: {  	_ =	strace s4  }
0x98: {  	_ =	strace $0x8FFFFFFF  }
0x99: {  	s19 =	sld [smem:$0x3FDB];
	_ =	sdelay $0x1  }
0x9a: {  	s5 =	simm.s32 $_scs_section_size  }
0x9b: {  	s6 =	simm.s32 $_size__tile_overlayer_lowered;
	s7 =	simm.s32 $_tile_overlayer_lowered  }
0x9c: {  	s22 =	simm.s32 $0x1BFF;
	s21 =	sshll.u32 s7, $0x1;
	s4 =	sadd.s32 s5, s19  }
0x9d: {  	s8 =	simm.s32 $0x0;
	s20 =	sshll.u32 s6, $0x1;
	s6 =	sadd.s32 s21, s4  }
0x9e: {  	[timem:s8], [sflag:s22] =	dma.local [hbm:s6], s20  }
0x9f: {  	_ =	swait.ge [sflag:s22], s20  }
0xa0: {  	s5 =	ssub.s32 $0x0, s20;
	[sflag:s22] =	ssyncset.done $0x0  }
0xa1: {  	[sflag:s22] =	ssyncadd.s32 s5;
	_ =	sdelay $0x1  }
0xa2: {  	s23 =	simm.s32 $0x1B8B  }
0xa3: {  	_ =	swait.ge [sflag:s23], $0x1  }
0xa4: {  	[sflag:s23] =	ssyncset.done $0x0  }
0xa5: {  	s25 =	simm.s32 $0x1B8E;
	s24 =	sld [smem:$0x3FFE];
	[sflag:s23] =	ssyncadd.s32 $0xFFFFFFFF  }
0xa6: {  	s26 =	simm.s32 $execute0_lowered;
	[smem:$0x3FD2] =	sst s25  }
0xa7: {  	s6 =	sshll.u32 s26, $0x1;
	_ =	strace $0x80000052;
	[dreg:$0x1] =	wrdreg $0xFFFFFFFF  }
0xa8: {  	s28 =	simm.s32 $_size_execute0_lowered;
	s4 =	sadd.s32 s4, s6;
	[dreg:$0x0] =	wrdreg $0x0  }
0xa9: {  	s6 =	sshll.u32 s28, $0x1;
	[dreg:$0x2] =	wrdreg s4  }
0xaa: {  	[dreg:$0x3] =	wrdreg s6  }
0xab: {  	[dreg:$0x4] =	wrdreg $0xC0  }
0xac: {  	_ =	task [dreg:s8], $0x5FFFF  }
0xad: {  	[dreg:$0x1] =	wrdreg $0xFFFFFFFF  }
0xae: {  	[dreg:$0x0] =	wrdreg $0x60  }
0xaf: {  	[dreg:$0x2] =	wrdreg s24  }
0xb0: {  	[dreg:$0x3] =	wrdreg s2  }
0xb1: {  	[dreg:$0x4] =	wrdreg s18  }
0xb2: {  	[dreg:$0x5] =	wrdreg $0x9  }
0xb3: {  	_ =	task.clear_ibuf [dreg:s8], $0x6FFFF;
	_ =	strace $0x90000052  }
0xb4: {  	s29 =	simm.s32 $0x9;
	_ =	strace $0x80000054  }
0xb5: {  	_ =	swait.ge [sflag:s29], $0x1  }
0xb6: {  	[sflag:s29] =	ssyncadd.s32 $0xFFFFFFFF  }
0xb7: {  	_ =	strace $0x90000054  }
0xb8: {  	_ =	sfence  }
0xb9: {  	s30 =	sld [smem:$0x0];
	_ =	sdelay $0x2  }
0xba: {  	s31 =	sshll.u32 s1, $0xD;
	s1 =	sshrl.u32 s1, $0x2  }
0xbb: {  	s3 =	sand.u32 $0x4000, s31;
	s1 =	sadd.s32 s1, s30  }
0xbc: {  	s0 =	sor.u32 s3, s0;
	s1 =	sshll.u32 s1, $0x11  }
0xbd: {  	s0 =	sor.u32 s1, s0  }
0xbe: {  	s0 =	sadd.s32 $0x8F2B, s0  }
0xbf: {  	[sflag:s0] =	ssyncadd.remote.s32 $0x1  }
0xc0: {  	_ =	sfence.sel $0xFFFF  }
0xc1: {  	[dreg:$0x0] =	wrdreg $0xFFFFFFFF;
	(pc) =	sbr.abs _section_cstart, $3  }
0xc2: {  	[dreg:$0x1] =	wrdreg $0xFFFFFFFF  }
0xc3: {  	_ =	task.clear_ibuf [dreg:s8], $0x2FFFF;
	_ =	strace $0x9FFFFFFF  }
0xc4: {  	(tm) =	ssettm $0x7FFFFFFF  }
0xc5: {  	_ =	shalt  }
tec
execute0_lowered:
.L_overlay_start_1:
0x0: {  	(tag) =	ssettag $0x1  }
0x1: {  	s4 =	rddreg [dreg:$0x0]  }
0x2: {  	s5 =	rddreg [dreg:$0x1]  }
0x3: {  	s6 =	rddreg [dreg:$0x2]  }
0x4: {  	s0 =	rddreg [dreg:$0x3]  }
0x5: {  	s3 =	srdreg.scid;
	s2 =	simm.s32 $0x0;
	s1 =	stileid.u32  }
0x6: {  	s11 =	simm.s32 $0x400;
	s12 =	simm.s32 $0x1;
	s13 =	simm.s32 $0x4400  }
0x7: {  	s14 =	simm.s32 $0x0;
	s7 =	sand.u32 $0x1, s3;
	[smem:$0x7FF] =	sst s2  }
0x8: {  	s30 =	sshll.u32 s1, $0xA;
	s3 =	sadd.s32 $0x1800, s4;
	s8 =	sshll.u32 s7, $0x9  }
0x9: {  	_ =	strace $0x80000053;
	s7 =	ssub.s32 $0x2, s7;
	s8 =	sor.u32 s8, s30  }
0xa: {  	s31 =	sshrl.u32 s7, $0x1;
	s9 =	sshll.u32 s8, $0x2;
	s8 =	sshrl.u32 s8, $0x3  }
0xb: {  	s10 =	ssub.s32 s7, s31;
	s9 =	sadd.s32 s9, s4;
	s4 =	sadd.s32 s5, s8  }
0xc: {  	s5 =	sadd.s32 s6, s8;
	s8 =	smax.u32 s10, $0x1;
	s10 =	simm.s32 $0x200  }
0xd: {  	s6 =	sadd.s32 $0x42600, s9;
	s7 =	sadd.s32 $0x32600, s9;
	s9 =	simm.s32 $0x2  }
.LBB2_1:
0xe: {  	[tilespmem:s2], [sflag:$0x2] =	stream.linear.gather [hbm4b:s4+s2], $0x200, $0x38;
	[tilespmem:$0x8400] =	vst v63  }
0xf: {  	_ =	swait.ge [sflag:s9], $0x200  }
0x10: {  	[sflag:s9] =	ssyncset.done $0x0  }
0x11: {  	[sflag:s9] =	ssyncadd.s32 $0xFFFFFE00  }
0x12: {  	[tilespmem:s10], [sflag:$0x2] =	stream.linear.gather [hbm4b:s5+s2], $0x200, $0x38;
	[tilespmem:$0x8400] =	vst v63  }
0x13: {  	_ =	swait.ge [sflag:s9], $0x200  }
0x14: {  	[sflag:s9] =	ssyncset.done $0x0  }
0x15: {  	s15 =	simm.s32 $0x0;
	s16 =	simm.s32 $0x40;
	[sflag:s9] =	ssyncadd.s32 $0xFFFFFE00  }
.LBB2_2:
0x16: {  	p0 =	sne.s32 s16, $0x7C0;
	v0 =	vld [tilespmem:s15+$0x200];
	_ =	sdelay $0x1  }
.Ltmp0:
0x17: {  	(pc) =	sbr.rel @p0 .LBB2_2-.Ltmp0, $3  }
0x18: {  	_ =	sdelay $0x1  }
0x19: {  	v0 =	vadd.s32 $0x61A8, v0  }
0x1a: {  	[tilespmem:s15+$0x200] =	vst v0;
	s15 =	sshra.s32 s16, $0x2;
	s16 =	sadd.s32 $0x40, s16  }
0x1b: {  	v0 =	vld [tilespmem:s15+$0x200];
	_ =	sdelay $0x4  }
0x1c: {  	v0 =	vadd.s32 $0x61A8, v0  }
0x1d: {  	[tilespmem:s15+$0x200] =	vst v0  }
0x1e: {  	[tilespmem:s11], [sflag:$0x1] =	stream.indirect.gather [hbm4b:s3+s10], $0x20, s2, s10, $0xb8;
	[tilespmem:$0x8400] =	vst v63  }
0x1f: {  	_ =	swait.ge [sflag:s12], $0x4000  }
0x20: {  	[sflag:s12] =	ssyncset.done $0x0  }
0x21: {  	[sflag:s12] =	ssyncadd.s32 $0xFFFFC000  }
0x22: {  	[tilespmem:s13], [sflag:$0x1] =	stream.indirect.gather [hbm4b:s3+s10], $0x20, s10, s10, $0xb8;
	[tilespmem:$0x8400] =	vst v63  }
0x23: {  	_ =	swait.ge [sflag:s12], $0x4000  }
0x24: {  	[sflag:s12] =	ssyncset.done $0x0  }
0x25: {  	[sflag:s12] =	ssyncadd.s32 $0xFFFFC000  }
0x26: {  	[hbm4b:s6+s2] =	stream.linear.scatter [tilespmem:s11], [sflag:$0x2], $0x4000, $0x38;
	[tilespmem:$0x8400] =	vst v63  }
0x27: {  	s14 =	sadd.s32 $0x1, s14;
	_ =	swait.ge [sflag:s9], $0x4000  }
0x28: {  	p0 =	sne.s32 s14, s8;
	[sflag:s9] =	ssyncset.done $0x0  }
.Ltmp1:
0x29: {  	[sflag:s9] =	ssyncadd.s32 $0xFFFFC000;
	(pc) =	sbr.rel @p0 .LBB2_1-.Ltmp1, $4  }
0x2a: {  	[hbm4b:s7+s2] =	stream.linear.scatter [tilespmem:s13], [sflag:$0x2], $0x4000, $0x38;
	[tilespmem:$0x8400] =	vst v63  }
0x2b: {  	_ =	swait.ge [sflag:s9], $0x4000  }
0x2c: {  	[sflag:s9] =	ssyncset.done $0x0  }
0x2d: {  	[sflag:s9] =	ssyncadd.s32 $0xFFFFC000  }
0x2e: {  	_ =	sfence.sel $0x180000  }
0x2f: {  	[bflag:$0x0] =	sbarrier.arrive $0xFFFF  }
0x30: {  	p0 =	sne.s32 s1, $0x0;
	_ =	strace $0x90000053  }
0x31: {  	s0 =	sadd.s32 @!p0 $0x100000, s0;
	[bflag:$0x2] =	sbarrier.arrive $0xFFFF  }
0x32: {  	[sflag:s0] =	ssyncadd.tile.s32 @!p0 $0x1;
	_ =	shalt  }
.Lfunc_end2:
_tile_overlayer_lowered:
.L_overlay_start_2:
0x33: {  	(tag) =	ssettag $0x2  }
0x34: {  	s0 =	rddreg [dreg:$0x0];
	s2 =	stileid.u32  }
0x35: {  	s1 =	rddreg [dreg:$0x1];
	p0 =	sne.s32 s2, $0x0  }
0x36: {  	s3 =	rddreg [dreg:$0x2];
	[bflag:$0x3] =	sbarrier.arrive $0xFFFF;
	s2 =	simm.s32 @!p0 $0x1C02  }
0x37: {  	[timem:s3], [sflag:s2] =	dma.local @!p0 [hbm:s0], s1  }
0x38: {  	s0 =	simm.s32 @!p0 $0x2  }
0x39: {  	_ =	swait.ge @!p0 [sflag:s0], s1  }
0x3a: {  	s1 =	ssub.s32 @!p0 $0x0, s1;
	[sflag:s0] =	ssyncset.done @!p0 $0x0  }
0x3b: {  	[sflag:s0] =	ssyncadd.s32 @!p0 s1  }
0x3c: {  	[bflag:$0x3] =	sbarrier.arrive $0xFFFF  }
0x3d: {  	_ =	shalt  }

</sc_bundles>
